<compile_context>
chip_gen: v7x
topology: tpu7x:2x2x1
jax: 0.10.2.dev20260603
libtpu: 0.0.44.dev20260713+nightly
codegen_flags: <defaults>
</compile_context>

<pallas_src>
import functools

import jax
import jax.numpy as jnp
from jax import lax
from jax.experimental import pallas as pl
from jax.experimental.pallas import tpu as pltpu
from jax.experimental.pallas import tpu_sc as plsc


def kernel(x, table):
    N, S, H, W, D = x.shape
    V, E = table.shape
    P = H * W * D
    L = 16
    NC, NS = 2, 16
    NW = NC * NS

    assert S % NW == 0, (S, NW)
    SPW = S // NW
    CHUNKS = 4
    assert P % CHUNKS == 0
    R = P // CHUNKS
    NBUF = 2 if 2 * R * E * 4 <= 524284 else 1
    assert R % 8 == 0 and P % 8 == 0 and E % L == 0
    assert NBUF * R * E * 4 <= 524284

    mesh = plsc.VectorSubcoreMesh(core_axis_name="c", subcore_axis_name="s")

    @functools.partial(
        pl.kernel,
        out_type=jax.ShapeDtypeStruct((N * S * P * E,), jnp.float32),
        name="positional_embedding_broadcast",
        mesh=mesh,
        scratch_types=[
            pltpu.VMEM((NBUF, R * E), jnp.float32),
            pltpu.SemaphoreType.DMA,
        ],
    )
    def emb(table_hbm, out_hbm, buf, sem):
        wid = lax.axis_index("s") * NC + lax.axis_index("c")
        pending = []
        for si in range(SPW):
            s = wid * SPW + si
            bslot = buf.at[si % NBUF]
            if NBUF == 1:
                for cp in pending:
                    cp.wait()
                pending = []
            pltpu.sync_copy(table_hbm.at[pl.ds(s * E, E)], bslot.at[pl.ds(0, E)])
            row = [bslot[pl.ds(k * L, L)] for k in range(E // L)]

            def fill(i, _):
                for k in range(E // L):
                    bslot[pl.ds(i * E + k * L, L)] = row[k]
                return 0

            lax.fori_loop(1, R, fill, 0, unroll=4)

            for n in range(N):
                for c in range(CHUNKS):
                    dst = out_hbm.at[pl.ds(((n * S + s) * P + c * R) * E, R * E)]
                    pending.append(pltpu.async_copy(bslot, dst, sem))
        for cp in pending:
            cp.wait()

    out = emb(table.reshape(-1))
    return out.reshape(N, S, H, W, D, E)

# --- scband reference (transcript-rebuilt; emitter-appended) ---
"""Pipeline reference for scband-positional-embedding-16192026706209 (READ-ONLY COPY).

The authoritative reference and input builder live on the scoring server;
editing this copy changes nothing except your own understanding.
"""

import jax, jax.numpy as jnp
import numpy as np

BPTT = 64  # module reads global cfg['bptt']; table has 2*bptt rows
EMBED = 128

def setup_inputs(seed: int = 0) -> dict:
    key = jax.random.key(seed)
    k1, k2 = jax.random.split(key)
    x = jax.random.normal(k1, (4, 64, 14, 14, 8), dtype=jnp.float32)
    table = jax.random.normal(k2, (2 * BPTT, EMBED), dtype=jnp.float32) * 0.02
    return {"x": x, "table": table}

def reference(x, table):
    N, S, H, W, D = x.shape
    position = jnp.arange(S, dtype=jnp.int32).reshape(1, S, 1, 1, 1)
    position = jnp.broadcast_to(position, (N, S, H, W, D))
    out = jnp.take(table, position, axis=0)
    return out

if __name__ == "__main__":
    import jax
    _d = setup_inputs()
    print(jax.jit(kernel)(*tuple(_d.values())))

</pallas_src>

<mosaic_0001>
#map = affine_map<(d0, d1) -> (0)>
module attributes {stable_mosaic.version = 14 : i64} {
  func.func @positional_embedding_broadcast(%arg0: i32, %arg1: i32, %arg2: memref<16384xf32, #tpu.memory_space<hbm>>, %arg3: memref<51380224xf32, #tpu.memory_space<hbm>>, %arg4: memref<2x50176xf32, #tpu.memory_space<vmem>>, %arg5: memref<!tpu.dma_semaphore, #tpu.memory_space<semaphore_mem>>) attributes {dimension_semantics = [#tpu.dimension_semantics<core_parallel>, #tpu.dimension_semantics<subcore_parallel>], iteration_bounds = array<i64: 2, 16>, scalar_prefetch = 0 : i64, scratch_operands = 2 : i64, tpu.core_type = #tpu.core_type<sc_vector_subcore>, window_params = [{transform_indices = #map}, {transform_indices = #map}]} {
    %mul3A = arith.constant 2 : i32
    %mul3A_0 = arith.muli %arg1, %mul3A : i32
    %add3A = arith.addi %mul3A_0, %arg0 : i32
    %mul3A_1 = arith.constant 2 : i32
    %mul3A_2 = arith.muli %add3A, %mul3A_1 : i32
    %add3A_3 = arith.constant 0 : i32
    %add3A_4 = arith.addi %mul3A_2, %add3A_3 : i32
    %mul3A_5 = arith.constant 128 : i32
    %mul3A_6 = arith.muli %add3A_4, %mul3A_5 : i32
    %run_scoped3A = arith.constant 0 : i32
    "tpu.region"() ({
      %run_scoped3A_1515 = tpu.sem_alloc : memref<!tpu.dma_semaphore, #tpu.memory_space<semaphore_mem>>
      %dma_start3A_1516 = arith.constant 0 : i32
      %dma_start3A_1517 = tpu.memref_slice %arg4[%run_scoped3A, %dma_start3A_1516] : memref<2x50176xf32, #tpu.memory_space<vmem>> -> memref<1x50176xf32, #tpu.memory_space<vmem>>
      %dma_start3A_1518 = tpu.memref_squeeze %dma_start3A_1517 : memref<1x50176xf32, #tpu.memory_space<vmem>> -> memref<50176xf32, #tpu.memory_space<vmem>>
      %dma_start3A_1519 = arith.constant 0 : i32
      %dma_start3A_1520 = tpu.memref_slice %dma_start3A_1518[%dma_start3A_1519] : memref<50176xf32, #tpu.memory_space<vmem>> -> memref<128xf32, #tpu.memory_space<vmem>>
      %dma_start3A_1521 = tpu.memref_slice %arg2[%mul3A_6] : memref<16384xf32, #tpu.memory_space<hbm>> -> memref<128xf32, #tpu.memory_space<hbm>>
      %dma_start3A_1522 = arith.constant 0 : i32
      %dma_start3A_1523 = tpu.memref_slice %arg4[%run_scoped3A, %dma_start3A_1522] : memref<2x50176xf32, #tpu.memory_space<vmem>> -> memref<1x50176xf32, #tpu.memory_space<vmem>>
      %dma_start3A_1524 = tpu.memref_squeeze %dma_start3A_1523 : memref<1x50176xf32, #tpu.memory_space<vmem>> -> memref<50176xf32, #tpu.memory_space<vmem>>
      %dma_start3A_1525 = arith.constant 0 : i32
      %dma_start3A_1526 = tpu.memref_slice %dma_start3A_1524[%dma_start3A_1525] : memref<50176xf32, #tpu.memory_space<vmem>> -> memref<128xf32, #tpu.memory_space<vmem>>
      %dma_start3A_1527 = tpu.memref_slice %arg2[%mul3A_6] : memref<16384xf32, #tpu.memory_space<hbm>> -> memref<128xf32, #tpu.memory_space<hbm>>
      tpu.enqueue_dma source(%dma_start3A_1527 : memref<128xf32, #tpu.memory_space<hbm>>) target(%dma_start3A_1526 : memref<128xf32, #tpu.memory_space<vmem>>) target_semaphore(%run_scoped3A_1515 : memref<!tpu.dma_semaphore, #tpu.memory_space<semaphore_mem>>)
      %dma_wait3A_1528 = arith.constant 0 : i32
      %dma_wait3A_1529 = tpu.memref_slice %arg4[%run_scoped3A, %dma_wait3A_1528] : memref<2x50176xf32, #tpu.memory_space<vmem>> -> memref<1x50176xf32, #tpu.memory_space<vmem>>
      %dma_wait3A_1530 = tpu.memref_squeeze %dma_wait3A_1529 : memref<1x50176xf32, #tpu.memory_space<vmem>> -> memref<50176xf32, #tpu.memory_space<vmem>>
      %dma_wait3A_1531 = arith.constant 0 : i32
      %dma_wait3A_1532 = tpu.memref_slice %dma_wait3A_1530[%dma_wait3A_1531] : memref<50176xf32, #tpu.memory_space<vmem>> -> memref<128xf32, #tpu.memory_space<vmem>>
      %dma_wait3A_1533 = tpu.memref_slice %arg2[%mul3A_6] : memref<16384xf32, #tpu.memory_space<hbm>> -> memref<128xf32, #tpu.memory_space<hbm>>
      %dma_wait3A_1534 = arith.constant 0 : i32
      %dma_wait3A_1535 = tpu.memref_slice %arg4[%run_scoped3A, %dma_wait3A_1534] : memref<2x50176xf32, #tpu.memory_space<vmem>> -> memref<1x50176xf32, #tpu.memory_space<vmem>>
      %dma_wait3A_1536 = tpu.memref_squeeze %dma_wait3A_1535 : memref<1x50176xf32, #tpu.memory_space<vmem>> -> memref<50176xf32, #tpu.memory_space<vmem>>
      %dma_wait3A_1537 = arith.constant 0 : i32
      %dma_wait3A_1538 = tpu.memref_slice %dma_wait3A_1536[%dma_wait3A_1537] : memref<50176xf32, #tpu.memory_space<vmem>> -> memref<128xf32, #tpu.memory_space<vmem>>
      %dma_wait3A_1539 = tpu.memref_slice %arg2[%mul3A_6] : memref<16384xf32, #tpu.memory_space<hbm>> -> memref<128xf32, #tpu.memory_space<hbm>>
      tpu.wait_dma2 semaphore(%run_scoped3A_1515 : memref<!tpu.dma_semaphore, #tpu.memory_space<semaphore_mem>>) src(%dma_wait3A_1539 : memref<128xf32, #tpu.memory_space<hbm>>) dst(%dma_wait3A_1538 : memref<128xf32, #tpu.memory_space<vmem>>)
      tpu.yield
    }) : () -> ()
    %get3A = arith.constant 0 : i32
    %get3A_7 = arith.constant 0 : i32
    %get3A_8 = tpu.memref_slice %arg4[%get3A, %get3A_7] : memref<2x50176xf32, #tpu.memory_space<vmem>> -> memref<1x50176xf32, #tpu.memory_space<vmem>>
    %get3A_9 = tpu.memref_squeeze %get3A_8 : memref<1x50176xf32, #tpu.memory_space<vmem>> -> memref<50176xf32, #tpu.memory_space<vmem>>
    %get3A_10 = arith.constant 0 : index
    %get3A_11 = tpu.vector_load %get3A_9[%get3A_10] {strides = array<i32>} : memref<50176xf32, #tpu.memory_space<vmem>>, vector<16xf32>,
    %get3A_12 = vector.shape_cast %get3A_11 : vector<16xf32> to vector<16xf32>
    %get3A_13 = arith.constant 0 : i32
    %get3A_14 = arith.constant 0 : i32
    %get3A_15 = tpu.memref_slice %arg4[%get3A_13, %get3A_14] : memref<2x50176xf32, #tpu.memory_space<vmem>> -> memref<1x50176xf32, #tpu.memory_space<vmem>>
    %get3A_16 = tpu.memref_squeeze %get3A_15 : memref<1x50176xf32, #tpu.memory_space<vmem>> -> memref<50176xf32, #tpu.memory_space<vmem>>
    %get3A_17 = arith.constant 16 : index
    %get3A_18 = tpu.vector_load %get3A_16[%get3A_17] {strides = array<i32>} : memref<50176xf32, #tpu.memory_space<vmem>>, vector<16xf32>,
    %get3A_19 = vector.shape_cast %get3A_18 : vector<16xf32> to vector<16xf32>
    %get3A_20 = arith.constant 0 : i32
    %get3A_21 = arith.constant 0 : i32
    %get3A_22 = tpu.memref_slice %arg4[%get3A_20, %get3A_21] : memref<2x50176xf32, #tpu.memory_space<vmem>> -> memref<1x50176xf32, #tpu.memory_space<vmem>>
    %get3A_23 = tpu.memref_squeeze %get3A_22 : memref<1x50176xf32, #tpu.memory_space<vmem>> -> memref<50176xf32, #tpu.memory_space<vmem>>
    %get3A_24 = arith.constant 32 : index
    %get3A_25 = tpu.vector_load %get3A_23[%get3A_24] {strides = array<i32>} : memref<50176xf32, #tpu.memory_space<vmem>>, vector<16xf32>,
    %get3A_26 = vector.shape_cast %get3A_25 : vector<16xf32> to vector<16xf32>
    %get3A_27 = arith.constant 0 : i32
    %get3A_28 = arith.constant 0 : i32
    %get3A_29 = tpu.memref_slice %arg4[%get3A_27, %get3A_28] : memref<2x50176xf32, #tpu.memory_space<vmem>> -> memref<1x50176xf32, #tpu.memory_space<vmem>>
    %get3A_30 = tpu.memref_squeeze %get3A_29 : memref<1x50176xf32, #tpu.memory_space<vmem>> -> memref<50176xf32, #tpu.memory_space<vmem>>
    %get3A_31 = arith.constant 48 : index
    %get3A_32 = tpu.vector_load %get3A_30[%get3A_31] {strides = array<i32>} : memref<50176xf32, #tpu.memory_space<vmem>>, vector<16xf32>,
    %get3A_33 = vector.shape_cast %get3A_32 : vector<16xf32> to vector<16xf32>
    %get3A_34 = arith.constant 0 : i32
    %get3A_35 = arith.constant 0 : i32
    %get3A_36 = tpu.memref_slice %arg4[%get3A_34, %get3A_35] : memref<2x50176xf32, #tpu.memory_space<vmem>> -> memref<1x50176xf32, #tpu.memory_space<vmem>>
    %get3A_37 = tpu.memref_squeeze %get3A_36 : memref<1x50176xf32, #tpu.memory_space<vmem>> -> memref<50176xf32, #tpu.memory_space<vmem>>
    %get3A_38 = arith.constant 64 : index
    %get3A_39 = tpu.vector_load %get3A_37[%get3A_38] {strides = array<i32>} : memref<50176xf32, #tpu.memory_space<vmem>>, vector<16xf32>,
    %get3A_40 = vector.shape_cast %get3A_39 : vector<16xf32> to vector<16xf32>
    %get3A_41 = arith.constant 0 : i32
    %get3A_42 = arith.constant 0 : i32
    %get3A_43 = tpu.memref_slice %arg4[%get3A_41, %get3A_42] : memref<2x50176xf32, #tpu.memory_space<vmem>> -> memref<1x50176xf32, #tpu.memory_space<vmem>>
    %get3A_44 = tpu.memref_squeeze %get3A_43 : memref<1x50176xf32, #tpu.memory_space<vmem>> -> memref<50176xf32, #tpu.memory_space<vmem>>
    %get3A_45 = arith.constant 80 : index
    %get3A_46 = tpu.vector_load %get3A_44[%get3A_45] {strides = array<i32>} : memref<50176xf32, #tpu.memory_space<vmem>>, vector<16xf32>,
    %get3A_47 = vector.shape_cast %get3A_46 : vector<16xf32> to vector<16xf32>
    %get3A_48 = arith.constant 0 : i32
    %get3A_49 = arith.constant 0 : i32
    %get3A_50 = tpu.memref_slice %arg4[%get3A_48, %get3A_49] : memref<2x50176xf32, #tpu.memory_space<vmem>> -> memref<1x50176xf32, #tpu.memory_space<vmem>>
    %get3A_51 = tpu.memref_squeeze %get3A_50 : memref<1x50176xf32, #tpu.memory_space<vmem>> -> memref<50176xf32, #tpu.memory_space<vmem>>
    %get3A_52 = arith.constant 96 : index
    %get3A_53 = tpu.vector_load %get3A_51[%get3A_52] {strides = array<i32>} : memref<50176xf32, #tpu.memory_space<vmem>>, vector<16xf32>,
    %get3A_54 = vector.shape_cast %get3A_53 : vector<16xf32> to vector<16xf32>
    %get3A_55 = arith.constant 0 : i32
    %get3A_56 = arith.constant 0 : i32
    %get3A_57 = tpu.memref_slice %arg4[%get3A_55, %get3A_56] : memref<2x50176xf32, #tpu.memory_space<vmem>> -> memref<1x50176xf32, #tpu.memory_space<vmem>>
    %get3A_58 = tpu.memref_squeeze %get3A_57 : memref<1x50176xf32, #tpu.memory_space<vmem>> -> memref<50176xf32, #tpu.memory_space<vmem>>
    %get3A_59 = arith.constant 112 : index
    %get3A_60 = tpu.vector_load %get3A_58[%get3A_59] {strides = array<i32>} : memref<50176xf32, #tpu.memory_space<vmem>>, vector<16xf32>,
    %get3A_61 = vector.shape_cast %get3A_60 : vector<16xf32> to vector<16xf32>
    %scan3A = arith.constant 0 : i32
    %scan3A_62 = arith.constant 0 : i32
    %scan3A_63 = arith.constant 1 : i32
    %scan3A_64 = arith.constant 388 : i32
    %scan3A_65 = arith.addi %scan3A_63, %scan3A_64 : i32
    %scan3A_66 = arith.constant 4 : i32
    %scan3A_67 = scf.for %scan3A_1515 = %scan3A_63 to %scan3A_65 step %scan3A_66 iter_args(%scan3A_1516 = %scan3A_62) -> (i32)  : i32 {
      %mul3A_1517 = arith.constant 128 : i32
      %mul3A_1518 = arith.muli %scan3A_1515, %mul3A_1517 : i32
      %add3A_1519 = arith.constant 0 : i32
      %add3A_1520 = arith.addi %mul3A_1518, %add3A_1519 : i32
      %swap3A_1521 = arith.constant 0 : i32
      %swap3A_1522 = tpu.memref_slice %arg4[%scan3A, %swap3A_1521] : memref<2x50176xf32, #tpu.memory_space<vmem>> -> memref<1x50176xf32, #tpu.memory_space<vmem>>
      %swap3A_1523 = tpu.memref_squeeze %swap3A_1522 : memref<1x50176xf32, #tpu.memory_space<vmem>> -> memref<50176xf32, #tpu.memory_space<vmem>>
      %swap3A_1524 = arith.index_cast %add3A_1520 : i32 to index
      %swap3A_1525 = tpu.vector_load %swap3A_1523[%swap3A_1524] {strides = array<i32>} : memref<50176xf32, #tpu.memory_space<vmem>>, vector<16xf32>,
      %swap3A_1526 = vector.shape_cast %swap3A_1525 : vector<16xf32> to vector<16xf32>
      %swap3A_1527 = vector.shape_cast %get3A_12 : vector<16xf32> to vector<16xf32>
      tpu.vector_store %swap3A_1523[%swap3A_1524], %swap3A_1527 {strides = array<i32>} : memref<50176xf32, #tpu.memory_space<vmem>>, vector<16xf32>,
      %mul3A_1528 = arith.constant 128 : i32
      %mul3A_1529 = arith.muli %scan3A_1515, %mul3A_1528 : i32
      %add3A_1530 = arith.constant 16 : i32
      %add3A_1531 = arith.addi %mul3A_1529, %add3A_1530 : i32
      %swap3A_1532 = arith.constant 0 : i32
      %swap3A_1533 = tpu.memref_slice %arg4[%scan3A, %swap3A_1532] : memref<2x50176xf32, #tpu.memory_space<vmem>> -> memref<1x50176xf32, #tpu.memory_space<vmem>>
      %swap3A_1534 = tpu.memref_squeeze %swap3A_1533 : memref<1x50176xf32, #tpu.memory_space<vmem>> -> memref<50176xf32, #tpu.memory_space<vmem>>
      %swap3A_1535 = arith.index_cast %add3A_1531 : i32 to index
      %swap3A_1536 = tpu.vector_load %swap3A_1534[%swap3A_1535] {strides = array<i32>} : memref<50176xf32, #tpu.memory_space<vmem>>, vector<16xf32>,
      %swap3A_1537 = vector.shape_cast %swap3A_1536 : vector<16xf32> to vector<16xf32>
      %swap3A_1538 = vector.shape_cast %get3A_19 : vector<16xf32> to vector<16xf32>
      tpu.vector_store %swap3A_1534[%swap3A_1535], %swap3A_1538 {strides = array<i32>} : memref<50176xf32, #tpu.memory_space<vmem>>, vector<16xf32>,
      %mul3A_1539 = arith.constant 128 : i32
      %mul3A_1540 = arith.muli %scan3A_1515, %mul3A_1539 : i32
      %add3A_1541 = arith.constant 32 : i32
      %add3A_1542 = arith.addi %mul3A_1540, %add3A_1541 : i32
      %swap3A_1543 = arith.constant 0 : i32
      %swap3A_1544 = tpu.memref_slice %arg4[%scan3A, %swap3A_1543] : memref<2x50176xf32, #tpu.memory_space<vmem>> -> memref<1x50176xf32, #tpu.memory_space<vmem>>
      %swap3A_1545 = tpu.memref_squeeze %swap3A_1544 : memref<1x50176xf32, #tpu.memory_space<vmem>> -> memref<50176xf32, #tpu.memory_space<vmem>>
      %swap3A_1546 = arith.index_cast %add3A_1542 : i32 to index
      %swap3A_1547 = tpu.vector_load %swap3A_1545[%swap3A_1546] {strides = array<i32>} : memref<50176xf32, #tpu.memory_space<vmem>>, vector<16xf32>,
      %swap3A_1548 = vector.shape_cast %swap3A_1547 : vector<16xf32> to vector<16xf32>
      %swap3A_1549 = vector.shape_cast %get3A_26 : vector<16xf32> to vector<16xf32>
      tpu.vector_store %swap3A_1545[%swap3A_1546], %swap3A_1549 {strides = array<i32>} : memref<50176xf32, #tpu.memory_space<vmem>>, vector<16xf32>,
      %mul3A_1550 = arith.constant 128 : i32
      %mul3A_1551 = arith.muli %scan3A_1515, %mul3A_1550 : i32
      %add3A_1552 = arith.constant 48 : i32
      %add3A_1553 = arith.addi %mul3A_1551, %add3A_1552 : i32
      %swap3A_1554 = arith.constant 0 : i32
      %swap3A_1555 = tpu.memref_slice %arg4[%scan3A, %swap3A_1554] : memref<2x50176xf32, #tpu.memory_space<vmem>> -> memref<1x50176xf32, #tpu.memory_space<vmem>>
      %swap3A_1556 = tpu.memref_squeeze %swap3A_1555 : memref<1x50176xf32, #tpu.memory_space<vmem>> -> memref<50176xf32, #tpu.memory_space<vmem>>
      %swap3A_1557 = arith.index_cast %add3A_1553 : i32 to index
      %swap3A_1558 = tpu.vector_load %swap3A_1556[%swap3A_1557] {strides = array<i32>} : memref<50176xf32, #tpu.memory_space<vmem>>, vector<16xf32>,
      %swap3A_1559 = vector.shape_cast %swap3A_1558 : vector<16xf32> to vector<16xf32>
      %swap3A_1560 = vector.shape_cast %get3A_33 : vector<16xf32> to vector<16xf32>
      tpu.vector_store %swap3A_1556[%swap3A_1557], %swap3A_1560 {strides = array<i32>} : memref<50176xf32, #tpu.memory_space<vmem>>, vector<16xf32>,
      %mul3A_1561 = arith.constant 128 : i32
      %mul3A_1562 = arith.muli %scan3A_1515, %mul3A_1561 : i32
      %add3A_1563 = arith.constant 64 : i32
      %add3A_1564 = arith.addi %mul3A_1562, %add3A_1563 : i32
      %swap3A_1565 = arith.constant 0 : i32
      %swap3A_1566 = tpu.memref_slice %arg4[%scan3A, %swap3A_1565] : memref<2x50176xf32, #tpu.memory_space<vmem>> -> memref<1x50176xf32, #tpu.memory_space<vmem>>
      %swap3A_1567 = tpu.memref_squeeze %swap3A_1566 : memref<1x50176xf32, #tpu.memory_space<vmem>> -> memref<50176xf32, #tpu.memory_space<vmem>>
      %swap3A_1568 = arith.index_cast %add3A_1564 : i32 to index
      %swap3A_1569 = tpu.vector_load %swap3A_1567[%swap3A_1568] {strides = array<i32>} : memref<50176xf32, #tpu.memory_space<vmem>>, vector<16xf32>,
      %swap3A_1570 = vector.shape_cast %swap3A_1569 : vector<16xf32> to vector<16xf32>
      %swap3A_1571 = vector.shape_cast %get3A_40 : vector<16xf32> to vector<16xf32>
      tpu.vector_store %swap3A_1567[%swap3A_1568], %swap3A_1571 {strides = array<i32>} : memref<50176xf32, #tpu.memory_space<vmem>>, vector<16xf32>,
      %mul3A_1572 = arith.constant 128 : i32
      %mul3A_1573 = arith.muli %scan3A_1515, %mul3A_1572 : i32
      %add3A_1574 = arith.constant 80 : i32
      %add3A_1575 = arith.addi %mul3A_1573, %add3A_1574 : i32
      %swap3A_1576 = arith.constant 0 : i32
      %swap3A_1577 = tpu.memref_slice %arg4[%scan3A, %swap3A_1576] : memref<2x50176xf32, #tpu.memory_space<vmem>> -> memref<1x50176xf32, #tpu.memory_space<vmem>>
      %swap3A_1578 = tpu.memref_squeeze %swap3A_1577 : memref<1x50176xf32, #tpu.memory_space<vmem>> -> memref<50176xf32, #tpu.memory_space<vmem>>
      %swap3A_1579 = arith.index_cast %add3A_1575 : i32 to index
      %swap3A_1580 = tpu.vector_load %swap3A_1578[%swap3A_1579] {strides = array<i32>} : memref<50176xf32, #tpu.memory_space<vmem>>, vector<16xf32>,
      %swap3A_1581 = vector.shape_cast %swap3A_1580 : vector<16xf32> to vector<16xf32>
      %swap3A_1582 = vector.shape_cast %get3A_47 : vector<16xf32> to vector<16xf32>
      tpu.vector_store %swap3A_1578[%swap3A_1579], %swap3A_1582 {strides = array<i32>} : memref<50176xf32, #tpu.memory_space<vmem>>, vector<16xf32>,
      %mul3A_1583 = arith.constant 128 : i32
      %mul3A_1584 = arith.muli %scan3A_1515, %mul3A_1583 : i32
      %add3A_1585 = arith.constant 96 : i32
      %add3A_1586 = arith.addi %mul3A_1584, %add3A_1585 : i32
      %swap3A_1587 = arith.constant 0 : i32
      %swap3A_1588 = tpu.memref_slice %arg4[%scan3A, %swap3A_1587] : memref<2x50176xf32, #tpu.memory_space<vmem>> -> memref<1x50176xf32, #tpu.memory_space<vmem>>
      %swap3A_1589 = tpu.memref_squeeze %swap3A_1588 : memref<1x50176xf32, #tpu.memory_space<vmem>> -> memref<50176xf32, #tpu.memory_space<vmem>>
      %swap3A_1590 = arith.index_cast %add3A_1586 : i32 to index
      %swap3A_1591 = tpu.vector_load %swap3A_1589[%swap3A_1590] {strides = array<i32>} : memref<50176xf32, #tpu.memory_space<vmem>>, vector<16xf32>,
      %swap3A_1592 = vector.shape_cast %swap3A_1591 : vector<16xf32> to vector<16xf32>
      %swap3A_1593 = vector.shape_cast %get3A_54 : vector<16xf32> to vector<16xf32>
      tpu.vector_store %swap3A_1589[%swap3A_1590], %swap3A_1593 {strides = array<i32>} : memref<50176xf32, #tpu.memory_space<vmem>>, vector<16xf32>,
      %mul3A_1594 = arith.constant 128 : i32
      %mul3A_1595 = arith.muli %scan3A_1515, %mul3A_1594 : i32
      %add3A_1596 = arith.constant 112 : i32
      %add3A_1597 = arith.addi %mul3A_1595, %add3A_1596 : i32
      %swap3A_1598 = arith.constant 0 : i32
      %swap3A_1599 = tpu.memref_slice %arg4[%scan3A, %swap3A_1598] : memref<2x50176xf32, #tpu.memory_space<vmem>> -> memref<1x50176xf32, #tpu.memory_space<vmem>>
      %swap3A_1600 = tpu.memref_squeeze %swap3A_1599 : memref<1x50176xf32, #tpu.memory_space<vmem>> -> memref<50176xf32, #tpu.memory_space<vmem>>
      %swap3A_1601 = arith.index_cast %add3A_1597 : i32 to index
      %swap3A_1602 = tpu.vector_load %swap3A_1600[%swap3A_1601] {strides = array<i32>} : memref<50176xf32, #tpu.memory_space<vmem>>, vector<16xf32>,
      %swap3A_1603 = vector.shape_cast %swap3A_1602 : vector<16xf32> to vector<16xf32>
      %swap3A_1604 = vector.shape_cast %get3A_61 : vector<16xf32> to vector<16xf32>
      tpu.vector_store %swap3A_1600[%swap3A_1601], %swap3A_1604 {strides = array<i32>} : memref<50176xf32, #tpu.memory_space<vmem>>, vector<16xf32>,
      %scan3A_1605 = arith.constant 0 : i32
      %scan3A_1606 = arith.constant 1 : i32
      %scan3A_1607 = arith.addi %scan3A_1515, %scan3A_1606 : i32
      %mul3A_1608 = arith.constant 128 : i32
      %mul3A_1609 = arith.muli %scan3A_1607, %mul3A_1608 : i32
      %add3A_1610 = arith.constant 0 : i32
      %add3A_1611 = arith.addi %mul3A_1609, %add3A_1610 : i32
      %swap3A_1612 = arith.constant 0 : i32
      %swap3A_1613 = tpu.memref_slice %arg4[%scan3A, %swap3A_1612] : memref<2x50176xf32, #tpu.memory_space<vmem>> -> memref<1x50176xf32, #tpu.memory_space<vmem>>
      %swap3A_1614 = tpu.memref_squeeze %swap3A_1613 : memref<1x50176xf32, #tpu.memory_space<vmem>> -> memref<50176xf32, #tpu.memory_space<vmem>>
      %swap3A_1615 = arith.index_cast %add3A_1611 : i32 to index
      %swap3A_1616 = tpu.vector_load %swap3A_1614[%swap3A_1615] {strides = array<i32>} : memref<50176xf32, #tpu.memory_space<vmem>>, vector<16xf32>,
      %swap3A_1617 = vector.shape_cast %swap3A_1616 : vector<16xf32> to vector<16xf32>
      %swap3A_1618 = vector.shape_cast %get3A_12 : vector<16xf32> to vector<16xf32>
      tpu.vector_store %swap3A_1614[%swap3A_1615], %swap3A_1618 {strides = array<i32>} : memref<50176xf32, #tpu.memory_space<vmem>>, vector<16xf32>,
      %mul3A_1619 = arith.constant 128 : i32
      %mul3A_1620 = arith.muli %scan3A_1607, %mul3A_1619 : i32
      %add3A_1621 = arith.constant 16 : i32
      %add3A_1622 = arith.addi %mul3A_1620, %add3A_1621 : i32
      %swap3A_1623 = arith.constant 0 : i32
      %swap3A_1624 = tpu.memref_slice %arg4[%scan3A, %swap3A_1623] : memref<2x50176xf32, #tpu.memory_space<vmem>> -> memref<1x50176xf32, #tpu.memory_space<vmem>>
      %swap3A_1625 = tpu.memref_squeeze %swap3A_1624 : memref<1x50176xf32, #tpu.memory_space<vmem>> -> memref<50176xf32, #tpu.memory_space<vmem>>
      %swap3A_1626 = arith.index_cast %add3A_1622 : i32 to index
      %swap3A_1627 = tpu.vector_load %swap3A_1625[%swap3A_1626] {strides = array<i32>} : memref<50176xf32, #tpu.memory_space<vmem>>, vector<16xf32>,
      %swap3A_1628 = vector.shape_cast %swap3A_1627 : vector<16xf32> to vector<16xf32>
      %swap3A_1629 = vector.shape_cast %get3A_19 : vector<16xf32> to vector<16xf32>
      tpu.vector_store %swap3A_1625[%swap3A_1626], %swap3A_1629 {strides = array<i32>} : memref<50176xf32, #tpu.memory_space<vmem>>, vector<16xf32>,
      %mul3A_1630 = arith.constant 128 : i32
      %mul3A_1631 = arith.muli %scan3A_1607, %mul3A_1630 : i32
      %add3A_1632 = arith.constant 32 : i32
      %add3A_1633 = arith.addi %mul3A_1631, %add3A_1632 : i32
      %swap3A_1634 = arith.constant 0 : i32
      %swap3A_1635 = tpu.memref_slice %arg4[%scan3A, %swap3A_1634] : memref<2x50176xf32, #tpu.memory_space<vmem>> -> memref<1x50176xf32, #tpu.memory_space<vmem>>
      %swap3A_1636 = tpu.memref_squeeze %swap3A_1635 : memref<1x50176xf32, #tpu.memory_space<vmem>> -> memref<50176xf32, #tpu.memory_space<vmem>>
      %swap3A_1637 = arith.index_cast %add3A_1633 : i32 to index
      %swap3A_1638 = tpu.vector_load %swap3A_1636[%swap3A_1637] {strides = array<i32>} : memref<50176xf32, #tpu.memory_space<vmem>>, vector<16xf32>,
      %swap3A_1639 = vector.shape_cast %swap3A_1638 : vector<16xf32> to vector<16xf32>
      %swap3A_1640 = vector.shape_cast %get3A_26 : vector<16xf32> to vector<16xf32>
      tpu.vector_store %swap3A_1636[%swap3A_1637], %swap3A_1640 {strides = array<i32>} : memref<50176xf32, #tpu.memory_space<vmem>>, vector<16xf32>,
      %mul3A_1641 = arith.constant 128 : i32
      %mul3A_1642 = arith.muli %scan3A_1607, %mul3A_1641 : i32
      %add3A_1643 = arith.constant 48 : i32
      %add3A_1644 = arith.addi %mul3A_1642, %add3A_1643 : i32
      %swap3A_1645 = arith.constant 0 : i32
      %swap3A_1646 = tpu.memref_slice %arg4[%scan3A, %swap3A_1645] : memref<2x50176xf32, #tpu.memory_space<vmem>> -> memref<1x50176xf32, #tpu.memory_space<vmem>>
      %swap3A_1647 = tpu.memref_squeeze %swap3A_1646 : memref<1x50176xf32, #tpu.memory_space<vmem>> -> memref<50176xf32, #tpu.memory_space<vmem>>
      %swap3A_1648 = arith.index_cast %add3A_1644 : i32 to index
      %swap3A_1649 = tpu.vector_load %swap3A_1647[%swap3A_1648] {strides = array<i32>} : memref<50176xf32, #tpu.memory_space<vmem>>, vector<16xf32>,
      %swap3A_1650 = vector.shape_cast %swap3A_1649 : vector<16xf32> to vector<16xf32>
      %swap3A_1651 = vector.shape_cast %get3A_33 : vector<16xf32> to vector<16xf32>
      tpu.vector_store %swap3A_1647[%swap3A_1648], %swap3A_1651 {strides = array<i32>} : memref<50176xf32, #tpu.memory_space<vmem>>, vector<16xf32>,
      %mul3A_1652 = arith.constant 128 : i32
      %mul3A_1653 = arith.muli %scan3A_1607, %mul3A_1652 : i32
      %add3A_1654 = arith.constant 64 : i32
      %add3A_1655 = arith.addi %mul3A_1653, %add3A_1654 : i32
      %swap3A_1656 = arith.constant 0 : i32
      %swap3A_1657 = tpu.memref_slice %arg4[%scan3A, %swap3A_1656] : memref<2x50176xf32, #tpu.memory_space<vmem>> -> memref<1x50176xf32, #tpu.memory_space<vmem>>
      %swap3A_1658 = tpu.memref_squeeze %swap3A_1657 : memref<1x50176xf32, #tpu.memory_space<vmem>> -> memref<50176xf32, #tpu.memory_space<vmem>>
      %swap3A_1659 = arith.index_cast %add3A_1655 : i32 to index
      %swap3A_1660 = tpu.vector_load %swap3A_1658[%swap3A_1659] {strides = array<i32>} : memref<50176xf32, #tpu.memory_space<vmem>>, vector<16xf32>,
      %swap3A_1661 = vector.shape_cast %swap3A_1660 : vector<16xf32> to vector<16xf32>
      %swap3A_1662 = vector.shape_cast %get3A_40 : vector<16xf32> to vector<16xf32>
      tpu.vector_store %swap3A_1658[%swap3A_1659], %swap3A_1662 {strides = array<i32>} : memref<50176xf32, #tpu.memory_space<vmem>>, vector<16xf32>,
      %mul3A_1663 = arith.constant 128 : i32
      %mul3A_1664 = arith.muli %scan3A_1607, %mul3A_1663 : i32
      %add3A_1665 = arith.constant 80 : i32
      %add3A_1666 = arith.addi %mul3A_1664, %add3A_1665 : i32
      %swap3A_1667 = arith.constant 0 : i32
      %swap3A_1668 = tpu.memref_slice %arg4[%scan3A, %swap3A_1667] : memref<2x50176xf32, #tpu.memory_space<vmem>> -> memref<1x50176xf32, #tpu.memory_space<vmem>>
      %swap3A_1669 = tpu.memref_squeeze %swap3A_1668 : memref<1x50176xf32, #tpu.memory_space<vmem>> -> memref<50176xf32, #tpu.memory_space<vmem>>
      %swap3A_1670 = arith.index_cast %add3A_1666 : i32 to index
      %swap3A_1671 = tpu.vector_load %swap3A_1669[%swap3A_1670] {strides = array<i32>} : memref<50176xf32, #tpu.memory_space<vmem>>, vector<16xf32>,
      %swap3A_1672 = vector.shape_cast %swap3A_1671 : vector<16xf32> to vector<16xf32>
      %swap3A_1673 = vector.shape_cast %get3A_47 : vector<16xf32> to vector<16xf32>
      tpu.vector_store %swap3A_1669[%swap3A_1670], %swap3A_1673 {strides = array<i32>} : memref<50176xf32, #tpu.memory_space<vmem>>, vector<16xf32>,
      %mul3A_1674 = arith.constant 128 : i32
      %mul3A_1675 = arith.muli %scan3A_1607, %mul3A_1674 : i32
      %add3A_1676 = arith.constant 96 : i32
      %add3A_1677 = arith.addi %mul3A_1675, %add3A_1676 : i32
      %swap3A_1678 = arith.constant 0 : i32
      %swap3A_1679 = tpu.memref_slice %arg4[%scan3A, %swap3A_1678] : memref<2x50176xf32, #tpu.memory_space<vmem>> -> memref<1x50176xf32, #tpu.memory_space<vmem>>
      %swap3A_1680 = tpu.memref_squeeze %swap3A_1679 : memref<1x50176xf32, #tpu.memory_space<vmem>> -> memref<50176xf32, #tpu.memory_space<vmem>>
      %swap3A_1681 = arith.index_cast %add3A_1677 : i32 to index
      %swap3A_1682 = tpu.vector_load %swap3A_1680[%swap3A_1681] {strides = array<i32>} : memref<50176xf32, #tpu.memory_space<vmem>>, vector<16xf32>,
      %swap3A_1683 = vector.shape_cast %swap3A_1682 : vector<16xf32> to vector<16xf32>
      %swap3A_1684 = vector.shape_cast %get3A_54 : vector<16xf32> to vector<16xf32>
      tpu.vector_store %swap3A_1680[%swap3A_1681], %swap3A_1684 {strides = array<i32>} : memref<50176xf32, #tpu.memory_space<vmem>>, vector<16xf32>,
      %mul3A_1685 = arith.constant 128 : i32
      %mul3A_1686 = arith.muli %scan3A_1607, %mul3A_1685 : i32
      %add3A_1687 = arith.constant 112 : i32
      %add3A_1688 = arith.addi %mul3A_1686, %add3A_1687 : i32
      %swap3A_1689 = arith.constant 0 : i32
      %swap3A_1690 = tpu.memref_slice %arg4[%scan3A, %swap3A_1689] : memref<2x50176xf32, #tpu.memory_space<vmem>> -> memref<1x50176xf32, #tpu.memory_space<vmem>>
      %swap3A_1691 = tpu.memref_squeeze %swap3A_1690 : memref<1x50176xf32, #tpu.memory_space<vmem>> -> memref<50176xf32, #tpu.memory_space<vmem>>
      %swap3A_1692 = arith.index_cast %add3A_1688 : i32 to index
      %swap3A_1693 = tpu.vector_load %swap3A_1691[%swap3A_1692] {strides = array<i32>} : memref<50176xf32, #tpu.memory_space<vmem>>, vector<16xf32>,
      %swap3A_1694 = vector.shape_cast %swap3A_1693 : vector<16xf32> to vector<16xf32>
      %swap3A_1695 = vector.shape_cast %get3A_61 : vector<16xf32> to vector<16xf32>
      tpu.vector_store %swap3A_1691[%swap3A_1692], %swap3A_1695 {strides = array<i32>} : memref<50176xf32, #tpu.memory_space<vmem>>, vector<16xf32>,
      %scan3A_1696 = arith.constant 0 : i32
      %scan3A_1697 = arith.constant 2 : i32
      %scan3A_1698 = arith.addi %scan3A_1515, %scan3A_1697 : i32
      %mul3A_1699 = arith.constant 128 : i32
      %mul3A_1700 = arith.muli %scan3A_1698, %mul3A_1699 : i32
      %add3A_1701 = arith.constant 0 : i32
      %add3A_1702 = arith.addi %mul3A_1700, %add3A_1701 : i32
      %swap3A_1703 = arith.constant 0 : i32
      %swap3A_1704 = tpu.memref_slice %arg4[%scan3A, %swap3A_1703] : memref<2x50176xf32, #tpu.memory_space<vmem>> -> memref<1x50176xf32, #tpu.memory_space<vmem>>
      %swap3A_1705 = tpu.memref_squeeze %swap3A_1704 : memref<1x50176xf32, #tpu.memory_space<vmem>> -> memref<50176xf32, #tpu.memory_space<vmem>>
      %swap3A_1706 = arith.index_cast %add3A_1702 : i32 to index
      %swap3A_1707 = tpu.vector_load %swap3A_1705[%swap3A_1706] {strides = array<i32>} : memref<50176xf32, #tpu.memory_space<vmem>>, vector<16xf32>,
      %swap3A_1708 = vector.shape_cast %swap3A_1707 : vector<16xf32> to vector<16xf32>
      %swap3A_1709 = vector.shape_cast %get3A_12 : vector<16xf32> to vector<16xf32>
      tpu.vector_store %swap3A_1705[%swap3A_1706], %swap3A_1709 {strides = array<i32>} : memref<50176xf32, #tpu.memory_space<vmem>>, vector<16xf32>,
      %mul3A_1710 = arith.constant 128 : i32
      %mul3A_1711 = arith.muli %scan3A_1698, %mul3A_1710 : i32
      %add3A_1712 = arith.constant 16 : i32
      %add3A_1713 = arith.addi %mul3A_1711, %add3A_1712 : i32
      %swap3A_1714 = arith.constant 0 : i32
      %swap3A_1715 = tpu.memref_slice %arg4[%scan3A, %swap3A_1714] : memref<2x50176xf32, #tpu.memory_space<vmem>> -> memref<1x50176xf32, #tpu.memory_space<vmem>>
      %swap3A_1716 = tpu.memref_squeeze %swap3A_1715 : memref<1x50176xf32, #tpu.memory_space<vmem>> -> memref<50176xf32, #tpu.memory_space<vmem>>
      %swap3A_1717 = arith.index_cast %add3A_1713 : i32 to index
      %swap3A_1718 = tpu.vector_load %swap3A_1716[%swap3A_1717] {strides = array<i32>} : memref<50176xf32, #tpu.memory_space<vmem>>, vector<16xf32>,
      %swap3A_1719 = vector.shape_cast %swap3A_1718 : vector<16xf32> to vector<16xf32>
      %swap3A_1720 = vector.shape_cast %get3A_19 : vector<16xf32> to vector<16xf32>
      tpu.vector_store %swap3A_1716[%swap3A_1717], %swap3A_1720 {strides = array<i32>} : memref<50176xf32, #tpu.memory_space<vmem>>, vector<16xf32>,
      %mul3A_1721 = arith.constant 128 : i32
      %mul3A_1722 = arith.muli %scan3A_1698, %mul3A_1721 : i32
      %add3A_1723 = arith.constant 32 : i32
      %add3A_1724 = arith.addi %mul3A_1722, %add3A_1723 : i32
      %swap3A_1725 = arith.constant 0 : i32
      %swap3A_1726 = tpu.memref_slice %arg4[%scan3A, %swap3A_1725] : memref<2x50176xf32, #tpu.memory_space<vmem>> -> memref<1x50176xf32, #tpu.memory_space<vmem>>
      %swap3A_1727 = tpu.memref_squeeze %swap3A_1726 : memref<1x50176xf32, #tpu.memory_space<vmem>> -> memref<50176xf32, #tpu.memory_space<vmem>>
      %swap3A_1728 = arith.index_cast %add3A_1724 : i32 to index
      %swap3A_1729 = tpu.vector_load %swap3A_1727[%swap3A_1728] {strides = array<i32>} : memref<50176xf32, #tpu.memory_space<vmem>>, vector<16xf32>,
      %swap3A_1730 = vector.shape_cast %swap3A_1729 : vector<16xf32> to vector<16xf32>
      %swap3A_1731 = vector.shape_cast %get3A_26 : vector<16xf32> to vector<16xf32>
      tpu.vector_store %swap3A_1727[%swap3A_1728], %swap3A_1731 {strides = array<i32>} : memref<50176xf32, #tpu.memory_space<vmem>>, vector<16xf32>,
      %mul3A_1732 = arith.constant 128 : i32
      %mul3A_1733 = arith.muli %scan3A_1698, %mul3A_1732 : i32
      %add3A_1734 = arith.constant 48 : i32
      %add3A_1735 = arith.addi %mul3A_1733, %add3A_1734 : i32
      %swap3A_1736 = arith.constant 0 : i32
      %swap3A_1737 = tpu.memref_slice %arg4[%scan3A, %swap3A_1736] : memref<2x50176xf32, #tpu.memory_space<vmem>> -> memref<1x50176xf32, #tpu.memory_space<vmem>>
      %swap3A_1738 = tpu.memref_squeeze %swap3A_1737 : memref<1x50176xf32, #tpu.memory_space<vmem>> -> memref<50176xf32, #tpu.memory_space<vmem>>
      %swap3A_1739 = arith.index_cast %add3A_1735 : i32 to index
      %swap3A_1740 = tpu.vector_load %swap3A_1738[%swap3A_1739] {strides = array<i32>} : memref<50176xf32, #tpu.memory_space<vmem>>, vector<16xf32>,
      %swap3A_1741 = vector.shape_cast %swap3A_1740 : vector<16xf32> to vector<16xf32>
      %swap3A_1742 = vector.shape_cast %get3A_33 : vector<16xf32> to vector<16xf32>
      tpu.vector_store %swap3A_1738[%swap3A_1739], %swap3A_1742 {strides = array<i32>} : memref<50176xf32, #tpu.memory_space<vmem>>, vector<16xf32>,
      %mul3A_1743 = arith.constant 128 : i32
      %mul3A_1744 = arith.muli %scan3A_1698, %mul3A_1743 : i32
      %add3A_1745 = arith.constant 64 : i32
      %add3A_1746 = arith.addi %mul3A_1744, %add3A_1745 : i32
      %swap3A_1747 = arith.constant 0 : i32
      %swap3A_1748 = tpu.memref_slice %arg4[%scan3A, %swap3A_1747] : memref<2x50176xf32, #tpu.memory_space<vmem>> -> memref<1x50176xf32, #tpu.memory_space<vmem>>
      %swap3A_1749 = tpu.memref_squeeze %swap3A_1748 : memref<1x50176xf32, #tpu.memory_space<vmem>> -> memref<50176xf32, #tpu.memory_space<vmem>>
      %swap3A_1750 = arith.index_cast %add3A_1746 : i32 to index
      %swap3A_1751 = tpu.vector_load %swap3A_1749[%swap3A_1750] {strides = array<i32>} : memref<50176xf32, #tpu.memory_space<vmem>>, vector<16xf32>,
      %swap3A_1752 = vector.shape_cast %swap3A_1751 : vector<16xf32> to vector<16xf32>
      %swap3A_1753 = vector.shape_cast %get3A_40 : vector<16xf32> to vector<16xf32>
      tpu.vector_store %swap3A_1749[%swap3A_1750], %swap3A_1753 {strides = array<i32>} : memref<50176xf32, #tpu.memory_space<vmem>>, vector<16xf32>,
      %mul3A_1754 = arith.constant 128 : i32
      %mul3A_1755 = arith.muli %scan3A_1698, %mul3A_1754 : i32
      %add3A_1756 = arith.constant 80 : i32
      %add3A_1757 = arith.addi %mul3A_1755, %add3A_1756 : i32
      %swap3A_1758 = arith.constant 0 : i32
      %swap3A_1759 = tpu.memref_slice %arg4[%scan3A, %swap3A_1758] : memref<2x50176xf32, #tpu.memory_space<vmem>> -> memref<1x50176xf32, #tpu.memory_space<vmem>>
      %swap3A_1760 = tpu.memref_squeeze %swap3A_1759 : memref<1x50176xf32, #tpu.memory_space<vmem>> -> memref<50176xf32, #tpu.memory_space<vmem>>
      %swap3A_1761 = arith.index_cast %add3A_1757 : i32 to index
      %swap3A_1762 = tpu.vector_load %swap3A_1760[%swap3A_1761] {strides = array<i32>} : memref<50176xf32, #tpu.memory_space<vmem>>, vector<16xf32>,
      %swap3A_1763 = vector.shape_cast %swap3A_1762 : vector<16xf32> to vector<16xf32>
      %swap3A_1764 = vector.shape_cast %get3A_47 : vector<16xf32> to vector<16xf32>
      tpu.vector_store %swap3A_1760[%swap3A_1761], %swap3A_1764 {strides = array<i32>} : memref<50176xf32, #tpu.memory_space<vmem>>, vector<16xf32>,
      %mul3A_1765 = arith.constant 128 : i32
      %mul3A_1766 = arith.muli %scan3A_1698, %mul3A_1765 : i32
      %add3A_1767 = arith.constant 96 : i32
      %add3A_1768 = arith.addi %mul3A_1766, %add3A_1767 : i32
      %swap3A_1769 = arith.constant 0 : i32
      %swap3A_1770 = tpu.memref_slice %arg4[%scan3A, %swap3A_1769] : memref<2x50176xf32, #tpu.memory_space<vmem>> -> memref<1x50176xf32, #tpu.memory_space<vmem>>
      %swap3A_1771 = tpu.memref_squeeze %swap3A_1770 : memref<1x50176xf32, #tpu.memory_space<vmem>> -> memref<50176xf32, #tpu.memory_space<vmem>>
      %swap3A_1772 = arith.index_cast %add3A_1768 : i32 to index
      %swap3A_1773 = tpu.vector_load %swap3A_1771[%swap3A_1772] {strides = array<i32>} : memref<50176xf32, #tpu.memory_space<vmem>>, vector<16xf32>,
      %swap3A_1774 = vector.shape_cast %swap3A_1773 : vector<16xf32> to vector<16xf32>
      %swap3A_1775 = vector.shape_cast %get3A_54 : vector<16xf32> to vector<16xf32>
      tpu.vector_store %swap3A_1771[%swap3A_1772], %swap3A_1775 {strides = array<i32>} : memref<50176xf32, #tpu.memory_space<vmem>>, vector<16xf32>,
      %mul3A_1776 = arith.constant 128 : i32
      %mul3A_1777 = arith.muli %scan3A_1698, %mul3A_1776 : i32
      %add3A_1778 = arith.constant 112 : i32
      %add3A_1779 = arith.addi %mul3A_1777, %add3A_1778 : i32
      %swap3A_1780 = arith.constant 0 : i32
      %swap3A_1781 = tpu.memref_slice %arg4[%scan3A, %swap3A_1780] : memref<2x50176xf32, #tpu.memory_space<vmem>> -> memref<1x50176xf32, #tpu.memory_space<vmem>>
      %swap3A_1782 = tpu.memref_squeeze %swap3A_1781 : memref<1x50176xf32, #tpu.memory_space<vmem>> -> memref<50176xf32, #tpu.memory_space<vmem>>
      %swap3A_1783 = arith.index_cast %add3A_1779 : i32 to index
      %swap3A_1784 = tpu.vector_load %swap3A_1782[%swap3A_1783] {strides = array<i32>} : memref<50176xf32, #tpu.memory_space<vmem>>, vector<16xf32>,
      %swap3A_1785 = vector.shape_cast %swap3A_1784 : vector<16xf32> to vector<16xf32>
      %swap3A_1786 = vector.shape_cast %get3A_61 : vector<16xf32> to vector<16xf32>
      tpu.vector_store %swap3A_1782[%swap3A_1783], %swap3A_1786 {strides = array<i32>} : memref<50176xf32, #tpu.memory_space<vmem>>, vector<16xf32>,
      %scan3A_1787 = arith.constant 0 : i32
      %scan3A_1788 = arith.constant 3 : i32
      %scan3A_1789 = arith.addi %scan3A_1515, %scan3A_1788 : i32
      %mul3A_1790 = arith.constant 128 : i32
      %mul3A_1791 = arith.muli %scan3A_1789, %mul3A_1790 : i32
      %add3A_1792 = arith.constant 0 : i32
      %add3A_1793 = arith.addi %mul3A_1791, %add3A_1792 : i32
      %swap3A_1794 = arith.constant 0 : i32
      %swap3A_1795 = tpu.memref_slice %arg4[%scan3A, %swap3A_1794] : memref<2x50176xf32, #tpu.memory_space<vmem>> -> memref<1x50176xf32, #tpu.memory_space<vmem>>
      %swap3A_1796 = tpu.memref_squeeze %swap3A_1795 : memref<1x50176xf32, #tpu.memory_space<vmem>> -> memref<50176xf32, #tpu.memory_space<vmem>>
      %swap3A_1797 = arith.index_cast %add3A_1793 : i32 to index
      %swap3A_1798 = tpu.vector_load %swap3A_1796[%swap3A_1797] {strides = array<i32>} : memref<50176xf32, #tpu.memory_space<vmem>>, vector<16xf32>,
      %swap3A_1799 = vector.shape_cast %swap3A_1798 : vector<16xf32> to vector<16xf32>
      %swap3A_1800 = vector.shape_cast %get3A_12 : vector<16xf32> to vector<16xf32>
      tpu.vector_store %swap3A_1796[%swap3A_1797], %swap3A_1800 {strides = array<i32>} : memref<50176xf32, #tpu.memory_space<vmem>>, vector<16xf32>,
      %mul3A_1801 = arith.constant 128 : i32
      %mul3A_1802 = arith.muli %scan3A_1789, %mul3A_1801 : i32
      %add3A_1803 = arith.constant 16 : i32
      %add3A_1804 = arith.addi %mul3A_1802, %add3A_1803 : i32
      %swap3A_1805 = arith.constant 0 : i32
      %swap3A_1806 = tpu.memref_slice %arg4[%scan3A, %swap3A_1805] : memref<2x50176xf32, #tpu.memory_space<vmem>> -> memref<1x50176xf32, #tpu.memory_space<vmem>>
      %swap3A_1807 = tpu.memref_squeeze %swap3A_1806 : memref<1x50176xf32, #tpu.memory_space<vmem>> -> memref<50176xf32, #tpu.memory_space<vmem>>
      %swap3A_1808 = arith.index_cast %add3A_1804 : i32 to index
      %swap3A_1809 = tpu.vector_load %swap3A_1807[%swap3A_1808] {strides = array<i32>} : memref<50176xf32, #tpu.memory_space<vmem>>, vector<16xf32>,
      %swap3A_1810 = vector.shape_cast %swap3A_1809 : vector<16xf32> to vector<16xf32>
      %swap3A_1811 = vector.shape_cast %get3A_19 : vector<16xf32> to vector<16xf32>
      tpu.vector_store %swap3A_1807[%swap3A_1808], %swap3A_1811 {strides = array<i32>} : memref<50176xf32, #tpu.memory_space<vmem>>, vector<16xf32>,
      %mul3A_1812 = arith.constant 128 : i32
      %mul3A_1813 = arith.muli %scan3A_1789, %mul3A_1812 : i32
      %add3A_1814 = arith.constant 32 : i32
      %add3A_1815 = arith.addi %mul3A_1813, %add3A_1814 : i32
      %swap3A_1816 = arith.constant 0 : i32
      %swap3A_1817 = tpu.memref_slice %arg4[%scan3A, %swap3A_1816] : memref<2x50176xf32, #tpu.memory_space<vmem>> -> memref<1x50176xf32, #tpu.memory_space<vmem>>
      %swap3A_1818 = tpu.memref_squeeze %swap3A_1817 : memref<1x50176xf32, #tpu.memory_space<vmem>> -> memref<50176xf32, #tpu.memory_space<vmem>>
      %swap3A_1819 = arith.index_cast %add3A_1815 : i32 to index
      %swap3A_1820 = tpu.vector_load %swap3A_1818[%swap3A_1819] {strides = array<i32>} : memref<50176xf32, #tpu.memory_space<vmem>>, vector<16xf32>,
      %swap3A_1821 = vector.shape_cast %swap3A_1820 : vector<16xf32> to vector<16xf32>
      %swap3A_1822 = vector.shape_cast %get3A_26 : vector<16xf32> to vector<16xf32>
      tpu.vector_store %swap3A_1818[%swap3A_1819], %swap3A_1822 {strides = array<i32>} : memref<50176xf32, #tpu.memory_space<vmem>>, vector<16xf32>,
      %mul3A_1823 = arith.constant 128 : i32
      %mul3A_1824 = arith.muli %scan3A_1789, %mul3A_1823 : i32
      %add3A_1825 = arith.constant 48 : i32
      %add3A_1826 = arith.addi %mul3A_1824, %add3A_1825 : i32
      %swap3A_1827 = arith.constant 0 : i32
      %swap3A_1828 = tpu.memref_slice %arg4[%scan3A, %swap3A_1827] : memref<2x50176xf32, #tpu.memory_space<vmem>> -> memref<1x50176xf32, #tpu.memory_space<vmem>>
      %swap3A_1829 = tpu.memref_squeeze %swap3A_1828 : memref<1x50176xf32, #tpu.memory_space<vmem>> -> memref<50176xf32, #tpu.memory_space<vmem>>
      %swap3A_1830 = arith.index_cast %add3A_1826 : i32 to index
      %swap3A_1831 = tpu.vector_load %swap3A_1829[%swap3A_1830] {strides = array<i32>} : memref<50176xf32, #tpu.memory_space<vmem>>, vector<16xf32>,
      %swap3A_1832 = vector.shape_cast %swap3A_1831 : vector<16xf32> to vector<16xf32>
      %swap3A_1833 = vector.shape_cast %get3A_33 : vector<16xf32> to vector<16xf32>
      tpu.vector_store %swap3A_1829[%swap3A_1830], %swap3A_1833 {strides = array<i32>} : memref<50176xf32, #tpu.memory_space<vmem>>, vector<16xf32>,
      %mul3A_1834 = arith.constant 128 : i32
      %mul3A_1835 = arith.muli %scan3A_1789, %mul3A_1834 : i32
      %add3A_1836 = arith.constant 64 : i32
      %add3A_1837 = arith.addi %mul3A_1835, %add3A_1836 : i32
      %swap3A_1838 = arith.constant 0 : i32
      %swap3A_1839 = tpu.memref_slice %arg4[%scan3A, %swap3A_1838] : memref<2x50176xf32, #tpu.memory_space<vmem>> -> memref<1x50176xf32, #tpu.memory_space<vmem>>
      %swap3A_1840 = tpu.memref_squeeze %swap3A_1839 : memref<1x50176xf32, #tpu.memory_space<vmem>> -> memref<50176xf32, #tpu.memory_space<vmem>>
      %swap3A_1841 = arith.index_cast %add3A_1837 : i32 to index
      %swap3A_1842 = tpu.vector_load %swap3A_1840[%swap3A_1841] {strides = array<i32>} : memref<50176xf32, #tpu.memory_space<vmem>>, vector<16xf32>,
      %swap3A_1843 = vector.shape_cast %swap3A_1842 : vector<16xf32> to vector<16xf32>
      %swap3A_1844 = vector.shape_cast %get3A_40 : vector<16xf32> to vector<16xf32>
      tpu.vector_store %swap3A_1840[%swap3A_1841], %swap3A_1844 {strides = array<i32>} : memref<50176xf32, #tpu.memory_space<vmem>>, vector<16xf32>,
      %mul3A_1845 = arith.constant 128 : i32
      %mul3A_1846 = arith.muli %scan3A_1789, %mul3A_1845 : i32
      %add3A_1847 = arith.constant 80 : i32
      %add3A_1848 = arith.addi %mul3A_1846, %add3A_1847 : i32
      %swap3A_1849 = arith.constant 0 : i32
      %swap3A_1850 = tpu.memref_slice %arg4[%scan3A, %swap3A_1849] : memref<2x50176xf32, #tpu.memory_space<vmem>> -> memref<1x50176xf32, #tpu.memory_space<vmem>>
      %swap3A_1851 = tpu.memref_squeeze %swap3A_1850 : memref<1x50176xf32, #tpu.memory_space<vmem>> -> memref<50176xf32, #tpu.memory_space<vmem>>
      %swap3A_1852 = arith.index_cast %add3A_1848 : i32 to index
      %swap3A_1853 = tpu.vector_load %swap3A_1851[%swap3A_1852] {strides = array<i32>} : memref<50176xf32, #tpu.memory_space<vmem>>, vector<16xf32>,
      %swap3A_1854 = vector.shape_cast %swap3A_1853 : vector<16xf32> to vector<16xf32>
      %swap3A_1855 = vector.shape_cast %get3A_47 : vector<16xf32> to vector<16xf32>
      tpu.vector_store %swap3A_1851[%swap3A_1852], %swap3A_1855 {strides = array<i32>} : memref<50176xf32, #tpu.memory_space<vmem>>, vector<16xf32>,
      %mul3A_1856 = arith.constant 128 : i32
      %mul3A_1857 = arith.muli %scan3A_1789, %mul3A_1856 : i32
      %add3A_1858 = arith.constant 96 : i32
      %add3A_1859 = arith.addi %mul3A_1857, %add3A_1858 : i32
      %swap3A_1860 = arith.constant 0 : i32
      %swap3A_1861 = tpu.memref_slice %arg4[%scan3A, %swap3A_1860] : memref<2x50176xf32, #tpu.memory_space<vmem>> -> memref<1x50176xf32, #tpu.memory_space<vmem>>
      %swap3A_1862 = tpu.memref_squeeze %swap3A_1861 : memref<1x50176xf32, #tpu.memory_space<vmem>> -> memref<50176xf32, #tpu.memory_space<vmem>>
      %swap3A_1863 = arith.index_cast %add3A_1859 : i32 to index
      %swap3A_1864 = tpu.vector_load %swap3A_1862[%swap3A_1863] {strides = array<i32>} : memref<50176xf32, #tpu.memory_space<vmem>>, vector<16xf32>,
      %swap3A_1865 = vector.shape_cast %swap3A_1864 : vector<16xf32> to vector<16xf32>
      %swap3A_1866 = vector.shape_cast %get3A_54 : vector<16xf32> to vector<16xf32>
      tpu.vector_store %swap3A_1862[%swap3A_1863], %swap3A_1866 {strides = array<i32>} : memref<50176xf32, #tpu.memory_space<vmem>>, vector<16xf32>,
      %mul3A_1867 = arith.constant 128 : i32
      %mul3A_1868 = arith.muli %scan3A_1789, %mul3A_1867 : i32
      %add3A_1869 = arith.constant 112 : i32
      %add3A_1870 = arith.addi %mul3A_1868, %add3A_1869 : i32
      %swap3A_1871 = arith.constant 0 : i32
      %swap3A_1872 = tpu.memref_slice %arg4[%scan3A, %swap3A_1871] : memref<2x50176xf32, #tpu.memory_space<vmem>> -> memref<1x50176xf32, #tpu.memory_space<vmem>>
      %swap3A_1873 = tpu.memref_squeeze %swap3A_1872 : memref<1x50176xf32, #tpu.memory_space<vmem>> -> memref<50176xf32, #tpu.memory_space<vmem>>
      %swap3A_1874 = arith.index_cast %add3A_1870 : i32 to index
      %swap3A_1875 = tpu.vector_load %swap3A_1873[%swap3A_1874] {strides = array<i32>} : memref<50176xf32, #tpu.memory_space<vmem>>, vector<16xf32>,
      %swap3A_1876 = vector.shape_cast %swap3A_1875 : vector<16xf32> to vector<16xf32>
      %swap3A_1877 = vector.shape_cast %get3A_61 : vector<16xf32> to vector<16xf32>
      tpu.vector_store %swap3A_1873[%swap3A_1874], %swap3A_1877 {strides = array<i32>} : memref<50176xf32, #tpu.memory_space<vmem>>, vector<16xf32>,
      %scan3A_1878 = arith.constant 0 : i32
      scf.yield %scan3A_1878 : i32
    }
    %scan3A_68 = arith.constant 388 : i32
    %scan3A_69 = arith.addi %scan3A_63, %scan3A_68 : i32
    %mul3A_70 = arith.constant 128 : i32
    %mul3A_71 = arith.muli %scan3A_69, %mul3A_70 : i32
    %add3A_72 = arith.constant 0 : i32
    %add3A_73 = arith.addi %mul3A_71, %add3A_72 : i32
    %swap3A = arith.constant 0 : i32
    %swap3A_74 = tpu.memref_slice %arg4[%scan3A, %swap3A] : memref<2x50176xf32, #tpu.memory_space<vmem>> -> memref<1x50176xf32, #tpu.memory_space<vmem>>
    %swap3A_75 = tpu.memref_squeeze %swap3A_74 : memref<1x50176xf32, #tpu.memory_space<vmem>> -> memref<50176xf32, #tpu.memory_space<vmem>>
    %swap3A_76 = arith.index_cast %add3A_73 : i32 to index
    %swap3A_77 = tpu.vector_load %swap3A_75[%swap3A_76] {strides = array<i32>} : memref<50176xf32, #tpu.memory_space<vmem>>, vector<16xf32>,
    %swap3A_78 = vector.shape_cast %swap3A_77 : vector<16xf32> to vector<16xf32>
    %swap3A_79 = vector.shape_cast %get3A_12 : vector<16xf32> to vector<16xf32>
    tpu.vector_store %swap3A_75[%swap3A_76], %swap3A_79 {strides = array<i32>} : memref<50176xf32, #tpu.memory_space<vmem>>, vector<16xf32>,
    %mul3A_80 = arith.constant 128 : i32
    %mul3A_81 = arith.muli %scan3A_69, %mul3A_80 : i32
    %add3A_82 = arith.constant 16 : i32
    %add3A_83 = arith.addi %mul3A_81, %add3A_82 : i32
    %swap3A_84 = arith.constant 0 : i32
    %swap3A_85 = tpu.memref_slice %arg4[%scan3A, %swap3A_84] : memref<2x50176xf32, #tpu.memory_space<vmem>> -> memref<1x50176xf32, #tpu.memory_space<vmem>>
    %swap3A_86 = tpu.memref_squeeze %swap3A_85 : memref<1x50176xf32, #tpu.memory_space<vmem>> -> memref<50176xf32, #tpu.memory_space<vmem>>
    %swap3A_87 = arith.index_cast %add3A_83 : i32 to index
    %swap3A_88 = tpu.vector_load %swap3A_86[%swap3A_87] {strides = array<i32>} : memref<50176xf32, #tpu.memory_space<vmem>>, vector<16xf32>,
    %swap3A_89 = vector.shape_cast %swap3A_88 : vector<16xf32> to vector<16xf32>
    %swap3A_90 = vector.shape_cast %get3A_19 : vector<16xf32> to vector<16xf32>
    tpu.vector_store %swap3A_86[%swap3A_87], %swap3A_90 {strides = array<i32>} : memref<50176xf32, #tpu.memory_space<vmem>>, vector<16xf32>,
    %mul3A_91 = arith.constant 128 : i32
    %mul3A_92 = arith.muli %scan3A_69, %mul3A_91 : i32
    %add3A_93 = arith.constant 32 : i32
    %add3A_94 = arith.addi %mul3A_92, %add3A_93 : i32
    %swap3A_95 = arith.constant 0 : i32
    %swap3A_96 = tpu.memref_slice %arg4[%scan3A, %swap3A_95] : memref<2x50176xf32, #tpu.memory_space<vmem>> -> memref<1x50176xf32, #tpu.memory_space<vmem>>
    %swap3A_97 = tpu.memref_squeeze %swap3A_96 : memref<1x50176xf32, #tpu.memory_space<vmem>> -> memref<50176xf32, #tpu.memory_space<vmem>>
    %swap3A_98 = arith.index_cast %add3A_94 : i32 to index
    %swap3A_99 = tpu.vector_load %swap3A_97[%swap3A_98] {strides = array<i32>} : memref<50176xf32, #tpu.memory_space<vmem>>, vector<16xf32>,
    %swap3A_100 = vector.shape_cast %swap3A_99 : vector<16xf32> to vector<16xf32>
    %swap3A_101 = vector.shape_cast %get3A_26 : vector<16xf32> to vector<16xf32>
    tpu.vector_store %swap3A_97[%swap3A_98], %swap3A_101 {strides = array<i32>} : memref<50176xf32, #tpu.memory_space<vmem>>, vector<16xf32>,
    %mul3A_102 = arith.constant 128 : i32
    %mul3A_103 = arith.muli %scan3A_69, %mul3A_102 : i32
    %add3A_104 = arith.constant 48 : i32
    %add3A_105 = arith.addi %mul3A_103, %add3A_104 : i32
    %swap3A_106 = arith.constant 0 : i32
    %swap3A_107 = tpu.memref_slice %arg4[%scan3A, %swap3A_106] : memref<2x50176xf32, #tpu.memory_space<vmem>> -> memref<1x50176xf32, #tpu.memory_space<vmem>>
    %swap3A_108 = tpu.memref_squeeze %swap3A_107 : memref<1x50176xf32, #tpu.memory_space<vmem>> -> memref<50176xf32, #tpu.memory_space<vmem>>
    %swap3A_109 = arith.index_cast %add3A_105 : i32 to index
    %swap3A_110 = tpu.vector_load %swap3A_108[%swap3A_109] {strides = array<i32>} : memref<50176xf32, #tpu.memory_space<vmem>>, vector<16xf32>,
    %swap3A_111 = vector.shape_cast %swap3A_110 : vector<16xf32> to vector<16xf32>
    %swap3A_112 = vector.shape_cast %get3A_33 : vector<16xf32> to vector<16xf32>
    tpu.vector_store %swap3A_108[%swap3A_109], %swap3A_112 {strides = array<i32>} : memref<50176xf32, #tpu.memory_space<vmem>>, vector<16xf32>,
    %mul3A_113 = arith.constant 128 : i32
    %mul3A_114 = arith.muli %scan3A_69, %mul3A_113 : i32
    %add3A_115 = arith.constant 64 : i32
    %add3A_116 = arith.addi %mul3A_114, %add3A_115 : i32
    %swap3A_117 = arith.constant 0 : i32
    %swap3A_118 = tpu.memref_slice %arg4[%scan3A, %swap3A_117] : memref<2x50176xf32, #tpu.memory_space<vmem>> -> memref<1x50176xf32, #tpu.memory_space<vmem>>
    %swap3A_119 = tpu.memref_squeeze %swap3A_118 : memref<1x50176xf32, #tpu.memory_space<vmem>> -> memref<50176xf32, #tpu.memory_space<vmem>>
    %swap3A_120 = arith.index_cast %add3A_116 : i32 to index
    %swap3A_121 = tpu.vector_load %swap3A_119[%swap3A_120] {strides = array<i32>} : memref<50176xf32, #tpu.memory_space<vmem>>, vector<16xf32>,
    %swap3A_122 = vector.shape_cast %swap3A_121 : vector<16xf32> to vector<16xf32>
    %swap3A_123 = vector.shape_cast %get3A_40 : vector<16xf32> to vector<16xf32>
    tpu.vector_store %swap3A_119[%swap3A_120], %swap3A_123 {strides = array<i32>} : memref<50176xf32, #tpu.memory_space<vmem>>, vector<16xf32>,
    %mul3A_124 = arith.constant 128 : i32
    %mul3A_125 = arith.muli %scan3A_69, %mul3A_124 : i32
    %add3A_126 = arith.constant 80 : i32
    %add3A_127 = arith.addi %mul3A_125, %add3A_126 : i32
    %swap3A_128 = arith.constant 0 : i32
    %swap3A_129 = tpu.memref_slice %arg4[%scan3A, %swap3A_128] : memref<2x50176xf32, #tpu.memory_space<vmem>> -> memref<1x50176xf32, #tpu.memory_space<vmem>>
    %swap3A_130 = tpu.memref_squeeze %swap3A_129 : memref<1x50176xf32, #tpu.memory_space<vmem>> -> memref<50176xf32, #tpu.memory_space<vmem>>
    %swap3A_131 = arith.index_cast %add3A_127 : i32 to index
    %swap3A_132 = tpu.vector_load %swap3A_130[%swap3A_131] {strides = array<i32>} : memref<50176xf32, #tpu.memory_space<vmem>>, vector<16xf32>,
    %swap3A_133 = vector.shape_cast %swap3A_132 : vector<16xf32> to vector<16xf32>
    %swap3A_134 = vector.shape_cast %get3A_47 : vector<16xf32> to vector<16xf32>
    tpu.vector_store %swap3A_130[%swap3A_131], %swap3A_134 {strides = array<i32>} : memref<50176xf32, #tpu.memory_space<vmem>>, vector<16xf32>,
    %mul3A_135 = arith.constant 128 : i32
    %mul3A_136 = arith.muli %scan3A_69, %mul3A_135 : i32
    %add3A_137 = arith.constant 96 : i32
    %add3A_138 = arith.addi %mul3A_136, %add3A_137 : i32
    %swap3A_139 = arith.constant 0 : i32
    %swap3A_140 = tpu.memref_slice %arg4[%scan3A, %swap3A_139] : memref<2x50176xf32, #tpu.memory_space<vmem>> -> memref<1x50176xf32, #tpu.memory_space<vmem>>
    %swap3A_141 = tpu.memref_squeeze %swap3A_140 : memref<1x50176xf32, #tpu.memory_space<vmem>> -> memref<50176xf32, #tpu.memory_space<vmem>>
    %swap3A_142 = arith.index_cast %add3A_138 : i32 to index
    %swap3A_143 = tpu.vector_load %swap3A_141[%swap3A_142] {strides = array<i32>} : memref<50176xf32, #tpu.memory_space<vmem>>, vector<16xf32>,
    %swap3A_144 = vector.shape_cast %swap3A_143 : vector<16xf32> to vector<16xf32>
    %swap3A_145 = vector.shape_cast %get3A_54 : vector<16xf32> to vector<16xf32>
    tpu.vector_store %swap3A_141[%swap3A_142], %swap3A_145 {strides = array<i32>} : memref<50176xf32, #tpu.memory_space<vmem>>, vector<16xf32>,
    %mul3A_146 = arith.constant 128 : i32
    %mul3A_147 = arith.muli %scan3A_69, %mul3A_146 : i32
    %add3A_148 = arith.constant 112 : i32
    %add3A_149 = arith.addi %mul3A_147, %add3A_148 : i32
    %swap3A_150 = arith.constant 0 : i32
    %swap3A_151 = tpu.memref_slice %arg4[%scan3A, %swap3A_150] : memref<2x50176xf32, #tpu.memory_space<vmem>> -> memref<1x50176xf32, #tpu.memory_space<vmem>>
    %swap3A_152 = tpu.memref_squeeze %swap3A_151 : memref<1x50176xf32, #tpu.memory_space<vmem>> -> memref<50176xf32, #tpu.memory_space<vmem>>
    %swap3A_153 = arith.index_cast %add3A_149 : i32 to index
    %swap3A_154 = tpu.vector_load %swap3A_152[%swap3A_153] {strides = array<i32>} : memref<50176xf32, #tpu.memory_space<vmem>>, vector<16xf32>,
    %swap3A_155 = vector.shape_cast %swap3A_154 : vector<16xf32> to vector<16xf32>
    %swap3A_156 = vector.shape_cast %get3A_61 : vector<16xf32> to vector<16xf32>
    tpu.vector_store %swap3A_152[%swap3A_153], %swap3A_156 {strides = array<i32>} : memref<50176xf32, #tpu.memory_space<vmem>>, vector<16xf32>,
    %scan3A_157 = arith.constant 0 : i32
    %scan3A_158 = arith.constant 389 : i32
    %scan3A_159 = arith.addi %scan3A_63, %scan3A_158 : i32
    %mul3A_160 = arith.constant 128 : i32
    %mul3A_161 = arith.muli %scan3A_159, %mul3A_160 : i32
    %add3A_162 = arith.constant 0 : i32
    %add3A_163 = arith.addi %mul3A_161, %add3A_162 : i32
    %swap3A_164 = arith.constant 0 : i32
    %swap3A_165 = tpu.memref_slice %arg4[%scan3A, %swap3A_164] : memref<2x50176xf32, #tpu.memory_space<vmem>> -> memref<1x50176xf32, #tpu.memory_space<vmem>>
    %swap3A_166 = tpu.memref_squeeze %swap3A_165 : memref<1x50176xf32, #tpu.memory_space<vmem>> -> memref<50176xf32, #tpu.memory_space<vmem>>
    %swap3A_167 = arith.index_cast %add3A_163 : i32 to index
    %swap3A_168 = tpu.vector_load %swap3A_166[%swap3A_167] {strides = array<i32>} : memref<50176xf32, #tpu.memory_space<vmem>>, vector<16xf32>,
    %swap3A_169 = vector.shape_cast %swap3A_168 : vector<16xf32> to vector<16xf32>
    %swap3A_170 = vector.shape_cast %get3A_12 : vector<16xf32> to vector<16xf32>
    tpu.vector_store %swap3A_166[%swap3A_167], %swap3A_170 {strides = array<i32>} : memref<50176xf32, #tpu.memory_space<vmem>>, vector<16xf32>,
    %mul3A_171 = arith.constant 128 : i32
    %mul3A_172 = arith.muli %scan3A_159, %mul3A_171 : i32
    %add3A_173 = arith.constant 16 : i32
    %add3A_174 = arith.addi %mul3A_172, %add3A_173 : i32
    %swap3A_175 = arith.constant 0 : i32
    %swap3A_176 = tpu.memref_slice %arg4[%scan3A, %swap3A_175] : memref<2x50176xf32, #tpu.memory_space<vmem>> -> memref<1x50176xf32, #tpu.memory_space<vmem>>
    %swap3A_177 = tpu.memref_squeeze %swap3A_176 : memref<1x50176xf32, #tpu.memory_space<vmem>> -> memref<50176xf32, #tpu.memory_space<vmem>>
    %swap3A_178 = arith.index_cast %add3A_174 : i32 to index
    %swap3A_179 = tpu.vector_load %swap3A_177[%swap3A_178] {strides = array<i32>} : memref<50176xf32, #tpu.memory_space<vmem>>, vector<16xf32>,
    %swap3A_180 = vector.shape_cast %swap3A_179 : vector<16xf32> to vector<16xf32>
    %swap3A_181 = vector.shape_cast %get3A_19 : vector<16xf32> to vector<16xf32>
    tpu.vector_store %swap3A_177[%swap3A_178], %swap3A_181 {strides = array<i32>} : memref<50176xf32, #tpu.memory_space<vmem>>, vector<16xf32>,
    %mul3A_182 = arith.constant 128 : i32
    %mul3A_183 = arith.muli %scan3A_159, %mul3A_182 : i32
    %add3A_184 = arith.constant 32 : i32
    %add3A_185 = arith.addi %mul3A_183, %add3A_184 : i32
    %swap3A_186 = arith.constant 0 : i32
    %swap3A_187 = tpu.memref_slice %arg4[%scan3A, %swap3A_186] : memref<2x50176xf32, #tpu.memory_space<vmem>> -> memref<1x50176xf32, #tpu.memory_space<vmem>>
    %swap3A_188 = tpu.memref_squeeze %swap3A_187 : memref<1x50176xf32, #tpu.memory_space<vmem>> -> memref<50176xf32, #tpu.memory_space<vmem>>
    %swap3A_189 = arith.index_cast %add3A_185 : i32 to index
    %swap3A_190 = tpu.vector_load %swap3A_188[%swap3A_189] {strides = array<i32>} : memref<50176xf32, #tpu.memory_space<vmem>>, vector<16xf32>,
    %swap3A_191 = vector.shape_cast %swap3A_190 : vector<16xf32> to vector<16xf32>
    %swap3A_192 = vector.shape_cast %get3A_26 : vector<16xf32> to vector<16xf32>
    tpu.vector_store %swap3A_188[%swap3A_189], %swap3A_192 {strides = array<i32>} : memref<50176xf32, #tpu.memory_space<vmem>>, vector<16xf32>,
    %mul3A_193 = arith.constant 128 : i32
    %mul3A_194 = arith.muli %scan3A_159, %mul3A_193 : i32
    %add3A_195 = arith.constant 48 : i32
    %add3A_196 = arith.addi %mul3A_194, %add3A_195 : i32
    %swap3A_197 = arith.constant 0 : i32
    %swap3A_198 = tpu.memref_slice %arg4[%scan3A, %swap3A_197] : memref<2x50176xf32, #tpu.memory_space<vmem>> -> memref<1x50176xf32, #tpu.memory_space<vmem>>
    %swap3A_199 = tpu.memref_squeeze %swap3A_198 : memref<1x50176xf32, #tpu.memory_space<vmem>> -> memref<50176xf32, #tpu.memory_space<vmem>>
    %swap3A_200 = arith.index_cast %add3A_196 : i32 to index
    %swap3A_201 = tpu.vector_load %swap3A_199[%swap3A_200] {strides = array<i32>} : memref<50176xf32, #tpu.memory_space<vmem>>, vector<16xf32>,
    %swap3A_202 = vector.shape_cast %swap3A_201 : vector<16xf32> to vector<16xf32>
    %swap3A_203 = vector.shape_cast %get3A_33 : vector<16xf32> to vector<16xf32>
    tpu.vector_store %swap3A_199[%swap3A_200], %swap3A_203 {strides = array<i32>} : memref<50176xf32, #tpu.memory_space<vmem>>, vector<16xf32>,
    %mul3A_204 = arith.constant 128 : i32
    %mul3A_205 = arith.muli %scan3A_159, %mul3A_204 : i32
    %add3A_206 = arith.constant 64 : i32
    %add3A_207 = arith.addi %mul3A_205, %add3A_206 : i32
    %swap3A_208 = arith.constant 0 : i32
    %swap3A_209 = tpu.memref_slice %arg4[%scan3A, %swap3A_208] : memref<2x50176xf32, #tpu.memory_space<vmem>> -> memref<1x50176xf32, #tpu.memory_space<vmem>>
    %swap3A_210 = tpu.memref_squeeze %swap3A_209 : memref<1x50176xf32, #tpu.memory_space<vmem>> -> memref<50176xf32, #tpu.memory_space<vmem>>
    %swap3A_211 = arith.index_cast %add3A_207 : i32 to index
    %swap3A_212 = tpu.vector_load %swap3A_210[%swap3A_211] {strides = array<i32>} : memref<50176xf32, #tpu.memory_space<vmem>>, vector<16xf32>,
    %swap3A_213 = vector.shape_cast %swap3A_212 : vector<16xf32> to vector<16xf32>
    %swap3A_214 = vector.shape_cast %get3A_40 : vector<16xf32> to vector<16xf32>
    tpu.vector_store %swap3A_210[%swap3A_211], %swap3A_214 {strides = array<i32>} : memref<50176xf32, #tpu.memory_space<vmem>>, vector<16xf32>,
    %mul3A_215 = arith.constant 128 : i32
    %mul3A_216 = arith.muli %scan3A_159, %mul3A_215 : i32
    %add3A_217 = arith.constant 80 : i32
    %add3A_218 = arith.addi %mul3A_216, %add3A_217 : i32
    %swap3A_219 = arith.constant 0 : i32
    %swap3A_220 = tpu.memref_slice %arg4[%scan3A, %swap3A_219] : memref<2x50176xf32, #tpu.memory_space<vmem>> -> memref<1x50176xf32, #tpu.memory_space<vmem>>
    %swap3A_221 = tpu.memref_squeeze %swap3A_220 : memref<1x50176xf32, #tpu.memory_space<vmem>> -> memref<50176xf32, #tpu.memory_space<vmem>>
    %swap3A_222 = arith.index_cast %add3A_218 : i32 to index
    %swap3A_223 = tpu.vector_load %swap3A_221[%swap3A_222] {strides = array<i32>} : memref<50176xf32, #tpu.memory_space<vmem>>, vector<16xf32>,
    %swap3A_224 = vector.shape_cast %swap3A_223 : vector<16xf32> to vector<16xf32>
    %swap3A_225 = vector.shape_cast %get3A_47 : vector<16xf32> to vector<16xf32>
    tpu.vector_store %swap3A_221[%swap3A_222], %swap3A_225 {strides = array<i32>} : memref<50176xf32, #tpu.memory_space<vmem>>, vector<16xf32>,
    %mul3A_226 = arith.constant 128 : i32
    %mul3A_227 = arith.muli %scan3A_159, %mul3A_226 : i32
    %add3A_228 = arith.constant 96 : i32
    %add3A_229 = arith.addi %mul3A_227, %add3A_228 : i32
    %swap3A_230 = arith.constant 0 : i32
    %swap3A_231 = tpu.memref_slice %arg4[%scan3A, %swap3A_230] : memref<2x50176xf32, #tpu.memory_space<vmem>> -> memref<1x50176xf32, #tpu.memory_space<vmem>>
    %swap3A_232 = tpu.memref_squeeze %swap3A_231 : memref<1x50176xf32, #tpu.memory_space<vmem>> -> memref<50176xf32, #tpu.memory_space<vmem>>
    %swap3A_233 = arith.index_cast %add3A_229 : i32 to index
    %swap3A_234 = tpu.vector_load %swap3A_232[%swap3A_233] {strides = array<i32>} : memref<50176xf32, #tpu.memory_space<vmem>>, vector<16xf32>,
    %swap3A_235 = vector.shape_cast %swap3A_234 : vector<16xf32> to vector<16xf32>
    %swap3A_236 = vector.shape_cast %get3A_54 : vector<16xf32> to vector<16xf32>
    tpu.vector_store %swap3A_232[%swap3A_233], %swap3A_236 {strides = array<i32>} : memref<50176xf32, #tpu.memory_space<vmem>>, vector<16xf32>,
    %mul3A_237 = arith.constant 128 : i32
    %mul3A_238 = arith.muli %scan3A_159, %mul3A_237 : i32
    %add3A_239 = arith.constant 112 : i32
    %add3A_240 = arith.addi %mul3A_238, %add3A_239 : i32
    %swap3A_241 = arith.constant 0 : i32
    %swap3A_242 = tpu.memref_slice %arg4[%scan3A, %swap3A_241] : memref<2x50176xf32, #tpu.memory_space<vmem>> -> memref<1x50176xf32, #tpu.memory_space<vmem>>
    %swap3A_243 = tpu.memref_squeeze %swap3A_242 : memref<1x50176xf32, #tpu.memory_space<vmem>> -> memref<50176xf32, #tpu.memory_space<vmem>>
    %swap3A_244 = arith.index_cast %add3A_240 : i32 to index
    %swap3A_245 = tpu.vector_load %swap3A_243[%swap3A_244] {strides = array<i32>} : memref<50176xf32, #tpu.memory_space<vmem>>, vector<16xf32>,
    %swap3A_246 = vector.shape_cast %swap3A_245 : vector<16xf32> to vector<16xf32>
    %swap3A_247 = vector.shape_cast %get3A_61 : vector<16xf32> to vector<16xf32>
    tpu.vector_store %swap3A_243[%swap3A_244], %swap3A_247 {strides = array<i32>} : memref<50176xf32, #tpu.memory_space<vmem>>, vector<16xf32>,
    %scan3A_248 = arith.constant 0 : i32
    %scan3A_249 = arith.constant 390 : i32
    %scan3A_250 = arith.addi %scan3A_63, %scan3A_249 : i32
    %mul3A_251 = arith.constant 128 : i32
    %mul3A_252 = arith.muli %scan3A_250, %mul3A_251 : i32
    %add3A_253 = arith.constant 0 : i32
    %add3A_254 = arith.addi %mul3A_252, %add3A_253 : i32
    %swap3A_255 = arith.constant 0 : i32
    %swap3A_256 = tpu.memref_slice %arg4[%scan3A, %swap3A_255] : memref<2x50176xf32, #tpu.memory_space<vmem>> -> memref<1x50176xf32, #tpu.memory_space<vmem>>
    %swap3A_257 = tpu.memref_squeeze %swap3A_256 : memref<1x50176xf32, #tpu.memory_space<vmem>> -> memref<50176xf32, #tpu.memory_space<vmem>>
    %swap3A_258 = arith.index_cast %add3A_254 : i32 to index
    %swap3A_259 = tpu.vector_load %swap3A_257[%swap3A_258] {strides = array<i32>} : memref<50176xf32, #tpu.memory_space<vmem>>, vector<16xf32>,
    %swap3A_260 = vector.shape_cast %swap3A_259 : vector<16xf32> to vector<16xf32>
    %swap3A_261 = vector.shape_cast %get3A_12 : vector<16xf32> to vector<16xf32>
    tpu.vector_store %swap3A_257[%swap3A_258], %swap3A_261 {strides = array<i32>} : memref<50176xf32, #tpu.memory_space<vmem>>, vector<16xf32>,
    %mul3A_262 = arith.constant 128 : i32
    %mul3A_263 = arith.muli %scan3A_250, %mul3A_262 : i32
    %add3A_264 = arith.constant 16 : i32
    %add3A_265 = arith.addi %mul3A_263, %add3A_264 : i32
    %swap3A_266 = arith.constant 0 : i32
    %swap3A_267 = tpu.memref_slice %arg4[%scan3A, %swap3A_266] : memref<2x50176xf32, #tpu.memory_space<vmem>> -> memref<1x50176xf32, #tpu.memory_space<vmem>>
    %swap3A_268 = tpu.memref_squeeze %swap3A_267 : memref<1x50176xf32, #tpu.memory_space<vmem>> -> memref<50176xf32, #tpu.memory_space<vmem>>
    %swap3A_269 = arith.index_cast %add3A_265 : i32 to index
    %swap3A_270 = tpu.vector_load %swap3A_268[%swap3A_269] {strides = array<i32>} : memref<50176xf32, #tpu.memory_space<vmem>>, vector<16xf32>,
    %swap3A_271 = vector.shape_cast %swap3A_270 : vector<16xf32> to vector<16xf32>
    %swap3A_272 = vector.shape_cast %get3A_19 : vector<16xf32> to vector<16xf32>
    tpu.vector_store %swap3A_268[%swap3A_269], %swap3A_272 {strides = array<i32>} : memref<50176xf32, #tpu.memory_space<vmem>>, vector<16xf32>,
    %mul3A_273 = arith.constant 128 : i32
    %mul3A_274 = arith.muli %scan3A_250, %mul3A_273 : i32
    %add3A_275 = arith.constant 32 : i32
    %add3A_276 = arith.addi %mul3A_274, %add3A_275 : i32
    %swap3A_277 = arith.constant 0 : i32
    %swap3A_278 = tpu.memref_slice %arg4[%scan3A, %swap3A_277] : memref<2x50176xf32, #tpu.memory_space<vmem>> -> memref<1x50176xf32, #tpu.memory_space<vmem>>
    %swap3A_279 = tpu.memref_squeeze %swap3A_278 : memref<1x50176xf32, #tpu.memory_space<vmem>> -> memref<50176xf32, #tpu.memory_space<vmem>>
    %swap3A_280 = arith.index_cast %add3A_276 : i32 to index
    %swap3A_281 = tpu.vector_load %swap3A_279[%swap3A_280] {strides = array<i32>} : memref<50176xf32, #tpu.memory_space<vmem>>, vector<16xf32>,
    %swap3A_282 = vector.shape_cast %swap3A_281 : vector<16xf32> to vector<16xf32>
    %swap3A_283 = vector.shape_cast %get3A_26 : vector<16xf32> to vector<16xf32>
    tpu.vector_store %swap3A_279[%swap3A_280], %swap3A_283 {strides = array<i32>} : memref<50176xf32, #tpu.memory_space<vmem>>, vector<16xf32>,
    %mul3A_284 = arith.constant 128 : i32
    %mul3A_285 = arith.muli %scan3A_250, %mul3A_284 : i32
    %add3A_286 = arith.constant 48 : i32
    %add3A_287 = arith.addi %mul3A_285, %add3A_286 : i32
    %swap3A_288 = arith.constant 0 : i32
    %swap3A_289 = tpu.memref_slice %arg4[%scan3A, %swap3A_288] : memref<2x50176xf32, #tpu.memory_space<vmem>> -> memref<1x50176xf32, #tpu.memory_space<vmem>>
    %swap3A_290 = tpu.memref_squeeze %swap3A_289 : memref<1x50176xf32, #tpu.memory_space<vmem>> -> memref<50176xf32, #tpu.memory_space<vmem>>
    %swap3A_291 = arith.index_cast %add3A_287 : i32 to index
    %swap3A_292 = tpu.vector_load %swap3A_290[%swap3A_291] {strides = array<i32>} : memref<50176xf32, #tpu.memory_space<vmem>>, vector<16xf32>,
    %swap3A_293 = vector.shape_cast %swap3A_292 : vector<16xf32> to vector<16xf32>
    %swap3A_294 = vector.shape_cast %get3A_33 : vector<16xf32> to vector<16xf32>
    tpu.vector_store %swap3A_290[%swap3A_291], %swap3A_294 {strides = array<i32>} : memref<50176xf32, #tpu.memory_space<vmem>>, vector<16xf32>,
    %mul3A_295 = arith.constant 128 : i32
    %mul3A_296 = arith.muli %scan3A_250, %mul3A_295 : i32
    %add3A_297 = arith.constant 64 : i32
    %add3A_298 = arith.addi %mul3A_296, %add3A_297 : i32
    %swap3A_299 = arith.constant 0 : i32
    %swap3A_300 = tpu.memref_slice %arg4[%scan3A, %swap3A_299] : memref<2x50176xf32, #tpu.memory_space<vmem>> -> memref<1x50176xf32, #tpu.memory_space<vmem>>
    %swap3A_301 = tpu.memref_squeeze %swap3A_300 : memref<1x50176xf32, #tpu.memory_space<vmem>> -> memref<50176xf32, #tpu.memory_space<vmem>>
    %swap3A_302 = arith.index_cast %add3A_298 : i32 to index
    %swap3A_303 = tpu.vector_load %swap3A_301[%swap3A_302] {strides = array<i32>} : memref<50176xf32, #tpu.memory_space<vmem>>, vector<16xf32>,
    %swap3A_304 = vector.shape_cast %swap3A_303 : vector<16xf32> to vector<16xf32>
    %swap3A_305 = vector.shape_cast %get3A_40 : vector<16xf32> to vector<16xf32>
    tpu.vector_store %swap3A_301[%swap3A_302], %swap3A_305 {strides = array<i32>} : memref<50176xf32, #tpu.memory_space<vmem>>, vector<16xf32>,
    %mul3A_306 = arith.constant 128 : i32
    %mul3A_307 = arith.muli %scan3A_250, %mul3A_306 : i32
    %add3A_308 = arith.constant 80 : i32
    %add3A_309 = arith.addi %mul3A_307, %add3A_308 : i32
    %swap3A_310 = arith.constant 0 : i32
    %swap3A_311 = tpu.memref_slice %arg4[%scan3A, %swap3A_310] : memref<2x50176xf32, #tpu.memory_space<vmem>> -> memref<1x50176xf32, #tpu.memory_space<vmem>>
    %swap3A_312 = tpu.memref_squeeze %swap3A_311 : memref<1x50176xf32, #tpu.memory_space<vmem>> -> memref<50176xf32, #tpu.memory_space<vmem>>
    %swap3A_313 = arith.index_cast %add3A_309 : i32 to index
    %swap3A_314 = tpu.vector_load %swap3A_312[%swap3A_313] {strides = array<i32>} : memref<50176xf32, #tpu.memory_space<vmem>>, vector<16xf32>,
    %swap3A_315 = vector.shape_cast %swap3A_314 : vector<16xf32> to vector<16xf32>
    %swap3A_316 = vector.shape_cast %get3A_47 : vector<16xf32> to vector<16xf32>
    tpu.vector_store %swap3A_312[%swap3A_313], %swap3A_316 {strides = array<i32>} : memref<50176xf32, #tpu.memory_space<vmem>>, vector<16xf32>,
    %mul3A_317 = arith.constant 128 : i32
    %mul3A_318 = arith.muli %scan3A_250, %mul3A_317 : i32
    %add3A_319 = arith.constant 96 : i32
    %add3A_320 = arith.addi %mul3A_318, %add3A_319 : i32
    %swap3A_321 = arith.constant 0 : i32
    %swap3A_322 = tpu.memref_slice %arg4[%scan3A, %swap3A_321] : memref<2x50176xf32, #tpu.memory_space<vmem>> -> memref<1x50176xf32, #tpu.memory_space<vmem>>
    %swap3A_323 = tpu.memref_squeeze %swap3A_322 : memref<1x50176xf32, #tpu.memory_space<vmem>> -> memref<50176xf32, #tpu.memory_space<vmem>>
    %swap3A_324 = arith.index_cast %add3A_320 : i32 to index
    %swap3A_325 = tpu.vector_load %swap3A_323[%swap3A_324] {strides = array<i32>} : memref<50176xf32, #tpu.memory_space<vmem>>, vector<16xf32>,
    %swap3A_326 = vector.shape_cast %swap3A_325 : vector<16xf32> to vector<16xf32>
    %swap3A_327 = vector.shape_cast %get3A_54 : vector<16xf32> to vector<16xf32>
    tpu.vector_store %swap3A_323[%swap3A_324], %swap3A_327 {strides = array<i32>} : memref<50176xf32, #tpu.memory_space<vmem>>, vector<16xf32>,
    %mul3A_328 = arith.constant 128 : i32
    %mul3A_329 = arith.muli %scan3A_250, %mul3A_328 : i32
    %add3A_330 = arith.constant 112 : i32
    %add3A_331 = arith.addi %mul3A_329, %add3A_330 : i32
    %swap3A_332 = arith.constant 0 : i32
    %swap3A_333 = tpu.memref_slice %arg4[%scan3A, %swap3A_332] : memref<2x50176xf32, #tpu.memory_space<vmem>> -> memref<1x50176xf32, #tpu.memory_space<vmem>>
    %swap3A_334 = tpu.memref_squeeze %swap3A_333 : memref<1x50176xf32, #tpu.memory_space<vmem>> -> memref<50176xf32, #tpu.memory_space<vmem>>
    %swap3A_335 = arith.index_cast %add3A_331 : i32 to index
    %swap3A_336 = tpu.vector_load %swap3A_334[%swap3A_335] {strides = array<i32>} : memref<50176xf32, #tpu.memory_space<vmem>>, vector<16xf32>,
    %swap3A_337 = vector.shape_cast %swap3A_336 : vector<16xf32> to vector<16xf32>
    %swap3A_338 = vector.shape_cast %get3A_61 : vector<16xf32> to vector<16xf32>
    tpu.vector_store %swap3A_334[%swap3A_335], %swap3A_338 {strides = array<i32>} : memref<50176xf32, #tpu.memory_space<vmem>>, vector<16xf32>,
    %scan3A_339 = arith.constant 0 : i32
    %scan3A_340 = arith.constant 391 : i32
    %add3A_341 = arith.constant 0 : i32
    %add3A_342 = arith.addi %add3A_341, %add3A_4 : i32
    %mul3A_343 = arith.constant 1568 : i32
    %mul3A_344 = arith.muli %add3A_342, %mul3A_343 : i32
    %add3A_345 = arith.constant 0 : i32
    %add3A_346 = arith.addi %mul3A_344, %add3A_345 : i32
    %mul3A_347 = arith.constant 128 : i32
    %mul3A_348 = arith.muli %add3A_346, %mul3A_347 : i32
    %dma_start3A = arith.constant 0 : i32
    %dma_start3A_349 = arith.constant 0 : i32
    %dma_start3A_350 = tpu.memref_slice %arg4[%dma_start3A, %dma_start3A_349] : memref<2x50176xf32, #tpu.memory_space<vmem>> -> memref<1x50176xf32, #tpu.memory_space<vmem>>
    %dma_start3A_351 = tpu.memref_squeeze %dma_start3A_350 : memref<1x50176xf32, #tpu.memory_space<vmem>> -> memref<50176xf32, #tpu.memory_space<vmem>>
    %dma_start3A_352 = tpu.memref_slice %arg3[%mul3A_348] : memref<51380224xf32, #tpu.memory_space<hbm>> -> memref<50176xf32, #tpu.memory_space<hbm>>
    %dma_start3A_353 = tpu.memref_slice %arg3[%mul3A_348] : memref<51380224xf32, #tpu.memory_space<hbm>> -> memref<50176xf32, #tpu.memory_space<hbm>>
    %dma_start3A_354 = arith.constant 0 : i32
    %dma_start3A_355 = tpu.memref_slice %arg4[%dma_start3A, %dma_start3A_354] : memref<2x50176xf32, #tpu.memory_space<vmem>> -> memref<1x50176xf32, #tpu.memory_space<vmem>>
    %dma_start3A_356 = tpu.memref_squeeze %dma_start3A_355 : memref<1x50176xf32, #tpu.memory_space<vmem>> -> memref<50176xf32, #tpu.memory_space<vmem>>
    tpu.enqueue_dma source(%dma_start3A_356 : memref<50176xf32, #tpu.memory_space<vmem>>) target(%dma_start3A_353 : memref<50176xf32, #tpu.memory_space<hbm>>) target_semaphore(%arg5 : memref<!tpu.dma_semaphore, #tpu.memory_space<semaphore_mem>>)
    %add3A_357 = arith.constant 0 : i32
    %add3A_358 = arith.addi %add3A_357, %add3A_4 : i32
    %mul3A_359 = arith.constant 1568 : i32
    %mul3A_360 = arith.muli %add3A_358, %mul3A_359 : i32
    %add3A_361 = arith.constant 392 : i32
    %add3A_362 = arith.addi %mul3A_360, %add3A_361 : i32
    %mul3A_363 = arith.constant 128 : i32
    %mul3A_364 = arith.muli %add3A_362, %mul3A_363 : i32
    %dma_start3A_365 = arith.constant 0 : i32
    %dma_start3A_366 = arith.constant 0 : i32
    %dma_start3A_367 = tpu.memref_slice %arg4[%dma_start3A_365, %dma_start3A_366] : memref<2x50176xf32, #tpu.memory_space<vmem>> -> memref<1x50176xf32, #tpu.memory_space<vmem>>
    %dma_start3A_368 = tpu.memref_squeeze %dma_start3A_367 : memref<1x50176xf32, #tpu.memory_space<vmem>> -> memref<50176xf32, #tpu.memory_space<vmem>>
    %dma_start3A_369 = tpu.memref_slice %arg3[%mul3A_364] : memref<51380224xf32, #tpu.memory_space<hbm>> -> memref<50176xf32, #tpu.memory_space<hbm>>
    %dma_start3A_370 = tpu.memref_slice %arg3[%mul3A_364] : memref<51380224xf32, #tpu.memory_space<hbm>> -> memref<50176xf32, #tpu.memory_space<hbm>>
    %dma_start3A_371 = arith.constant 0 : i32
    %dma_start3A_372 = tpu.memref_slice %arg4[%dma_start3A_365, %dma_start3A_371] : memref<2x50176xf32, #tpu.memory_space<vmem>> -> memref<1x50176xf32, #tpu.memory_space<vmem>>
    %dma_start3A_373 = tpu.memref_squeeze %dma_start3A_372 : memref<1x50176xf32, #tpu.memory_space<vmem>> -> memref<50176xf32, #tpu.memory_space<vmem>>
    tpu.enqueue_dma source(%dma_start3A_373 : memref<50176xf32, #tpu.memory_space<vmem>>) target(%dma_start3A_370 : memref<50176xf32, #tpu.memory_space<hbm>>) target_semaphore(%arg5 : memref<!tpu.dma_semaphore, #tpu.memory_space<semaphore_mem>>)
    %add3A_374 = arith.constant 0 : i32
    %add3A_375 = arith.addi %add3A_374, %add3A_4 : i32
    %mul3A_376 = arith.constant 1568 : i32
    %mul3A_377 = arith.muli %add3A_375, %mul3A_376 : i32
    %add3A_378 = arith.constant 784 : i32
    %add3A_379 = arith.addi %mul3A_377, %add3A_378 : i32
    %mul3A_380 = arith.constant 128 : i32
    %mul3A_381 = arith.muli %add3A_379, %mul3A_380 : i32
    %dma_start3A_382 = arith.constant 0 : i32
    %dma_start3A_383 = arith.constant 0 : i32
    %dma_start3A_384 = tpu.memref_slice %arg4[%dma_start3A_382, %dma_start3A_383] : memref<2x50176xf32, #tpu.memory_space<vmem>> -> memref<1x50176xf32, #tpu.memory_space<vmem>>
    %dma_start3A_385 = tpu.memref_squeeze %dma_start3A_384 : memref<1x50176xf32, #tpu.memory_space<vmem>> -> memref<50176xf32, #tpu.memory_space<vmem>>
    %dma_start3A_386 = tpu.memref_slice %arg3[%mul3A_381] : memref<51380224xf32, #tpu.memory_space<hbm>> -> memref<50176xf32, #tpu.memory_space<hbm>>
    %dma_start3A_387 = tpu.memref_slice %arg3[%mul3A_381] : memref<51380224xf32, #tpu.memory_space<hbm>> -> memref<50176xf32, #tpu.memory_space<hbm>>
    %dma_start3A_388 = arith.constant 0 : i32
    %dma_start3A_389 = tpu.memref_slice %arg4[%dma_start3A_382, %dma_start3A_388] : memref<2x50176xf32, #tpu.memory_space<vmem>> -> memref<1x50176xf32, #tpu.memory_space<vmem>>
    %dma_start3A_390 = tpu.memref_squeeze %dma_start3A_389 : memref<1x50176xf32, #tpu.memory_space<vmem>> -> memref<50176xf32, #tpu.memory_space<vmem>>
    tpu.enqueue_dma source(%dma_start3A_390 : memref<50176xf32, #tpu.memory_space<vmem>>) target(%dma_start3A_387 : memref<50176xf32, #tpu.memory_space<hbm>>) target_semaphore(%arg5 : memref<!tpu.dma_semaphore, #tpu.memory_space<semaphore_mem>>)
    %add3A_391 = arith.constant 0 : i32
    %add3A_392 = arith.addi %add3A_391, %add3A_4 : i32
    %mul3A_393 = arith.constant 1568 : i32
    %mul3A_394 = arith.muli %add3A_392, %mul3A_393 : i32
    %add3A_395 = arith.constant 1176 : i32
    %add3A_396 = arith.addi %mul3A_394, %add3A_395 : i32
    %mul3A_397 = arith.constant 128 : i32
    %mul3A_398 = arith.muli %add3A_396, %mul3A_397 : i32
    %dma_start3A_399 = arith.constant 0 : i32
    %dma_start3A_400 = arith.constant 0 : i32
    %dma_start3A_401 = tpu.memref_slice %arg4[%dma_start3A_399, %dma_start3A_400] : memref<2x50176xf32, #tpu.memory_space<vmem>> -> memref<1x50176xf32, #tpu.memory_space<vmem>>
    %dma_start3A_402 = tpu.memref_squeeze %dma_start3A_401 : memref<1x50176xf32, #tpu.memory_space<vmem>> -> memref<50176xf32, #tpu.memory_space<vmem>>
    %dma_start3A_403 = tpu.memref_slice %arg3[%mul3A_398] : memref<51380224xf32, #tpu.memory_space<hbm>> -> memref<50176xf32, #tpu.memory_space<hbm>>
    %dma_start3A_404 = tpu.memref_slice %arg3[%mul3A_398] : memref<51380224xf32, #tpu.memory_space<hbm>> -> memref<50176xf32, #tpu.memory_space<hbm>>
    %dma_start3A_405 = arith.constant 0 : i32
    %dma_start3A_406 = tpu.memref_slice %arg4[%dma_start3A_399, %dma_start3A_405] : memref<2x50176xf32, #tpu.memory_space<vmem>> -> memref<1x50176xf32, #tpu.memory_space<vmem>>
    %dma_start3A_407 = tpu.memref_squeeze %dma_start3A_406 : memref<1x50176xf32, #tpu.memory_space<vmem>> -> memref<50176xf32, #tpu.memory_space<vmem>>
    tpu.enqueue_dma source(%dma_start3A_407 : memref<50176xf32, #tpu.memory_space<vmem>>) target(%dma_start3A_404 : memref<50176xf32, #tpu.memory_space<hbm>>) target_semaphore(%arg5 : memref<!tpu.dma_semaphore, #tpu.memory_space<semaphore_mem>>)
    %add3A_408 = arith.constant 64 : i32
    %add3A_409 = arith.addi %add3A_408, %add3A_4 : i32
    %mul3A_410 = arith.constant 1568 : i32
    %mul3A_411 = arith.muli %add3A_409, %mul3A_410 : i32
    %add3A_412 = arith.constant 0 : i32
    %add3A_413 = arith.addi %mul3A_411, %add3A_412 : i32
    %mul3A_414 = arith.constant 128 : i32
    %mul3A_415 = arith.muli %add3A_413, %mul3A_414 : i32
    %dma_start3A_416 = arith.constant 0 : i32
    %dma_start3A_417 = arith.constant 0 : i32
    %dma_start3A_418 = tpu.memref_slice %arg4[%dma_start3A_416, %dma_start3A_417] : memref<2x50176xf32, #tpu.memory_space<vmem>> -> memref<1x50176xf32, #tpu.memory_space<vmem>>
    %dma_start3A_419 = tpu.memref_squeeze %dma_start3A_418 : memref<1x50176xf32, #tpu.memory_space<vmem>> -> memref<50176xf32, #tpu.memory_space<vmem>>
    %dma_start3A_420 = tpu.memref_slice %arg3[%mul3A_415] : memref<51380224xf32, #tpu.memory_space<hbm>> -> memref<50176xf32, #tpu.memory_space<hbm>>
    %dma_start3A_421 = tpu.memref_slice %arg3[%mul3A_415] : memref<51380224xf32, #tpu.memory_space<hbm>> -> memref<50176xf32, #tpu.memory_space<hbm>>
    %dma_start3A_422 = arith.constant 0 : i32
    %dma_start3A_423 = tpu.memref_slice %arg4[%dma_start3A_416, %dma_start3A_422] : memref<2x50176xf32, #tpu.memory_space<vmem>> -> memref<1x50176xf32, #tpu.memory_space<vmem>>
    %dma_start3A_424 = tpu.memref_squeeze %dma_start3A_423 : memref<1x50176xf32, #tpu.memory_space<vmem>> -> memref<50176xf32, #tpu.memory_space<vmem>>
    tpu.enqueue_dma source(%dma_start3A_424 : memref<50176xf32, #tpu.memory_space<vmem>>) target(%dma_start3A_421 : memref<50176xf32, #tpu.memory_space<hbm>>) target_semaphore(%arg5 : memref<!tpu.dma_semaphore, #tpu.memory_space<semaphore_mem>>)
    %add3A_425 = arith.constant 64 : i32
    %add3A_426 = arith.addi %add3A_425, %add3A_4 : i32
    %mul3A_427 = arith.constant 1568 : i32
    %mul3A_428 = arith.muli %add3A_426, %mul3A_427 : i32
    %add3A_429 = arith.constant 392 : i32
    %add3A_430 = arith.addi %mul3A_428, %add3A_429 : i32
    %mul3A_431 = arith.constant 128 : i32
    %mul3A_432 = arith.muli %add3A_430, %mul3A_431 : i32
    %dma_start3A_433 = arith.constant 0 : i32
    %dma_start3A_434 = arith.constant 0 : i32
    %dma_start3A_435 = tpu.memref_slice %arg4[%dma_start3A_433, %dma_start3A_434] : memref<2x50176xf32, #tpu.memory_space<vmem>> -> memref<1x50176xf32, #tpu.memory_space<vmem>>
    %dma_start3A_436 = tpu.memref_squeeze %dma_start3A_435 : memref<1x50176xf32, #tpu.memory_space<vmem>> -> memref<50176xf32, #tpu.memory_space<vmem>>
    %dma_start3A_437 = tpu.memref_slice %arg3[%mul3A_432] : memref<51380224xf32, #tpu.memory_space<hbm>> -> memref<50176xf32, #tpu.memory_space<hbm>>
    %dma_start3A_438 = tpu.memref_slice %arg3[%mul3A_432] : memref<51380224xf32, #tpu.memory_space<hbm>> -> memref<50176xf32, #tpu.memory_space<hbm>>
    %dma_start3A_439 = arith.constant 0 : i32
    %dma_start3A_440 = tpu.memref_slice %arg4[%dma_start3A_433, %dma_start3A_439] : memref<2x50176xf32, #tpu.memory_space<vmem>> -> memref<1x50176xf32, #tpu.memory_space<vmem>>
    %dma_start3A_441 = tpu.memref_squeeze %dma_start3A_440 : memref<1x50176xf32, #tpu.memory_space<vmem>> -> memref<50176xf32, #tpu.memory_space<vmem>>
    tpu.enqueue_dma source(%dma_start3A_441 : memref<50176xf32, #tpu.memory_space<vmem>>) target(%dma_start3A_438 : memref<50176xf32, #tpu.memory_space<hbm>>) target_semaphore(%arg5 : memref<!tpu.dma_semaphore, #tpu.memory_space<semaphore_mem>>)
    %add3A_442 = arith.constant 64 : i32
    %add3A_443 = arith.addi %add3A_442, %add3A_4 : i32
    %mul3A_444 = arith.constant 1568 : i32
    %mul3A_445 = arith.muli %add3A_443, %mul3A_444 : i32
    %add3A_446 = arith.constant 784 : i32
    %add3A_447 = arith.addi %mul3A_445, %add3A_446 : i32
    %mul3A_448 = arith.constant 128 : i32
    %mul3A_449 = arith.muli %add3A_447, %mul3A_448 : i32
    %dma_start3A_450 = arith.constant 0 : i32
    %dma_start3A_451 = arith.constant 0 : i32
    %dma_start3A_452 = tpu.memref_slice %arg4[%dma_start3A_450, %dma_start3A_451] : memref<2x50176xf32, #tpu.memory_space<vmem>> -> memref<1x50176xf32, #tpu.memory_space<vmem>>
    %dma_start3A_453 = tpu.memref_squeeze %dma_start3A_452 : memref<1x50176xf32, #tpu.memory_space<vmem>> -> memref<50176xf32, #tpu.memory_space<vmem>>
    %dma_start3A_454 = tpu.memref_slice %arg3[%mul3A_449] : memref<51380224xf32, #tpu.memory_space<hbm>> -> memref<50176xf32, #tpu.memory_space<hbm>>
    %dma_start3A_455 = tpu.memref_slice %arg3[%mul3A_449] : memref<51380224xf32, #tpu.memory_space<hbm>> -> memref<50176xf32, #tpu.memory_space<hbm>>
    %dma_start3A_456 = arith.constant 0 : i32
    %dma_start3A_457 = tpu.memref_slice %arg4[%dma_start3A_450, %dma_start3A_456] : memref<2x50176xf32, #tpu.memory_space<vmem>> -> memref<1x50176xf32, #tpu.memory_space<vmem>>
    %dma_start3A_458 = tpu.memref_squeeze %dma_start3A_457 : memref<1x50176xf32, #tpu.memory_space<vmem>> -> memref<50176xf32, #tpu.memory_space<vmem>>
    tpu.enqueue_dma source(%dma_start3A_458 : memref<50176xf32, #tpu.memory_space<vmem>>) target(%dma_start3A_455 : memref<50176xf32, #tpu.memory_space<hbm>>) target_semaphore(%arg5 : memref<!tpu.dma_semaphore, #tpu.memory_space<semaphore_mem>>)
    %add3A_459 = arith.constant 64 : i32
    %add3A_460 = arith.addi %add3A_459, %add3A_4 : i32
    %mul3A_461 = arith.constant 1568 : i32
    %mul3A_462 = arith.muli %add3A_460, %mul3A_461 : i32
    %add3A_463 = arith.constant 1176 : i32
    %add3A_464 = arith.addi %mul3A_462, %add3A_463 : i32
    %mul3A_465 = arith.constant 128 : i32
    %mul3A_466 = arith.muli %add3A_464, %mul3A_465 : i32
    %dma_start3A_467 = arith.constant 0 : i32
    %dma_start3A_468 = arith.constant 0 : i32
    %dma_start3A_469 = tpu.memref_slice %arg4[%dma_start3A_467, %dma_start3A_468] : memref<2x50176xf32, #tpu.memory_space<vmem>> -> memref<1x50176xf32, #tpu.memory_space<vmem>>
    %dma_start3A_470 = tpu.memref_squeeze %dma_start3A_469 : memref<1x50176xf32, #tpu.memory_space<vmem>> -> memref<50176xf32, #tpu.memory_space<vmem>>
    %dma_start3A_471 = tpu.memref_slice %arg3[%mul3A_466] : memref<51380224xf32, #tpu.memory_space<hbm>> -> memref<50176xf32, #tpu.memory_space<hbm>>
    %dma_start3A_472 = tpu.memref_slice %arg3[%mul3A_466] : memref<51380224xf32, #tpu.memory_space<hbm>> -> memref<50176xf32, #tpu.memory_space<hbm>>
    %dma_start3A_473 = arith.constant 0 : i32
    %dma_start3A_474 = tpu.memref_slice %arg4[%dma_start3A_467, %dma_start3A_473] : memref<2x50176xf32, #tpu.memory_space<vmem>> -> memref<1x50176xf32, #tpu.memory_space<vmem>>
    %dma_start3A_475 = tpu.memref_squeeze %dma_start3A_474 : memref<1x50176xf32, #tpu.memory_space<vmem>> -> memref<50176xf32, #tpu.memory_space<vmem>>
    tpu.enqueue_dma source(%dma_start3A_475 : memref<50176xf32, #tpu.memory_space<vmem>>) target(%dma_start3A_472 : memref<50176xf32, #tpu.memory_space<hbm>>) target_semaphore(%arg5 : memref<!tpu.dma_semaphore, #tpu.memory_space<semaphore_mem>>)
    %add3A_476 = arith.constant 128 : i32
    %add3A_477 = arith.addi %add3A_476, %add3A_4 : i32
    %mul3A_478 = arith.constant 1568 : i32
    %mul3A_479 = arith.muli %add3A_477, %mul3A_478 : i32
    %add3A_480 = arith.constant 0 : i32
    %add3A_481 = arith.addi %mul3A_479, %add3A_480 : i32
    %mul3A_482 = arith.constant 128 : i32
    %mul3A_483 = arith.muli %add3A_481, %mul3A_482 : i32
    %dma_start3A_484 = arith.constant 0 : i32
    %dma_start3A_485 = arith.constant 0 : i32
    %dma_start3A_486 = tpu.memref_slice %arg4[%dma_start3A_484, %dma_start3A_485] : memref<2x50176xf32, #tpu.memory_space<vmem>> -> memref<1x50176xf32, #tpu.memory_space<vmem>>
    %dma_start3A_487 = tpu.memref_squeeze %dma_start3A_486 : memref<1x50176xf32, #tpu.memory_space<vmem>> -> memref<50176xf32, #tpu.memory_space<vmem>>
    %dma_start3A_488 = tpu.memref_slice %arg3[%mul3A_483] : memref<51380224xf32, #tpu.memory_space<hbm>> -> memref<50176xf32, #tpu.memory_space<hbm>>
    %dma_start3A_489 = tpu.memref_slice %arg3[%mul3A_483] : memref<51380224xf32, #tpu.memory_space<hbm>> -> memref<50176xf32, #tpu.memory_space<hbm>>
    %dma_start3A_490 = arith.constant 0 : i32
    %dma_start3A_491 = tpu.memref_slice %arg4[%dma_start3A_484, %dma_start3A_490] : memref<2x50176xf32, #tpu.memory_space<vmem>> -> memref<1x50176xf32, #tpu.memory_space<vmem>>
    %dma_start3A_492 = tpu.memref_squeeze %dma_start3A_491 : memref<1x50176xf32, #tpu.memory_space<vmem>> -> memref<50176xf32, #tpu.memory_space<vmem>>
    tpu.enqueue_dma source(%dma_start3A_492 : memref<50176xf32, #tpu.memory_space<vmem>>) target(%dma_start3A_489 : memref<50176xf32, #tpu.memory_space<hbm>>) target_semaphore(%arg5 : memref<!tpu.dma_semaphore, #tpu.memory_space<semaphore_mem>>)
    %add3A_493 = arith.constant 128 : i32
    %add3A_494 = arith.addi %add3A_493, %add3A_4 : i32
    %mul3A_495 = arith.constant 1568 : i32
    %mul3A_496 = arith.muli %add3A_494, %mul3A_495 : i32
    %add3A_497 = arith.constant 392 : i32
    %add3A_498 = arith.addi %mul3A_496, %add3A_497 : i32
    %mul3A_499 = arith.constant 128 : i32
    %mul3A_500 = arith.muli %add3A_498, %mul3A_499 : i32
    %dma_start3A_501 = arith.constant 0 : i32
    %dma_start3A_502 = arith.constant 0 : i32
    %dma_start3A_503 = tpu.memref_slice %arg4[%dma_start3A_501, %dma_start3A_502] : memref<2x50176xf32, #tpu.memory_space<vmem>> -> memref<1x50176xf32, #tpu.memory_space<vmem>>
    %dma_start3A_504 = tpu.memref_squeeze %dma_start3A_503 : memref<1x50176xf32, #tpu.memory_space<vmem>> -> memref<50176xf32, #tpu.memory_space<vmem>>
    %dma_start3A_505 = tpu.memref_slice %arg3[%mul3A_500] : memref<51380224xf32, #tpu.memory_space<hbm>> -> memref<50176xf32, #tpu.memory_space<hbm>>
    %dma_start3A_506 = tpu.memref_slice %arg3[%mul3A_500] : memref<51380224xf32, #tpu.memory_space<hbm>> -> memref<50176xf32, #tpu.memory_space<hbm>>
    %dma_start3A_507 = arith.constant 0 : i32
    %dma_start3A_508 = tpu.memref_slice %arg4[%dma_start3A_501, %dma_start3A_507] : memref<2x50176xf32, #tpu.memory_space<vmem>> -> memref<1x50176xf32, #tpu.memory_space<vmem>>
    %dma_start3A_509 = tpu.memref_squeeze %dma_start3A_508 : memref<1x50176xf32, #tpu.memory_space<vmem>> -> memref<50176xf32, #tpu.memory_space<vmem>>
    tpu.enqueue_dma source(%dma_start3A_509 : memref<50176xf32, #tpu.memory_space<vmem>>) target(%dma_start3A_506 : memref<50176xf32, #tpu.memory_space<hbm>>) target_semaphore(%arg5 : memref<!tpu.dma_semaphore, #tpu.memory_space<semaphore_mem>>)
    %add3A_510 = arith.constant 128 : i32
    %add3A_511 = arith.addi %add3A_510, %add3A_4 : i32
    %mul3A_512 = arith.constant 1568 : i32
    %mul3A_513 = arith.muli %add3A_511, %mul3A_512 : i32
    %add3A_514 = arith.constant 784 : i32
    %add3A_515 = arith.addi %mul3A_513, %add3A_514 : i32
    %mul3A_516 = arith.constant 128 : i32
    %mul3A_517 = arith.muli %add3A_515, %mul3A_516 : i32
    %dma_start3A_518 = arith.constant 0 : i32
    %dma_start3A_519 = arith.constant 0 : i32
    %dma_start3A_520 = tpu.memref_slice %arg4[%dma_start3A_518, %dma_start3A_519] : memref<2x50176xf32, #tpu.memory_space<vmem>> -> memref<1x50176xf32, #tpu.memory_space<vmem>>
    %dma_start3A_521 = tpu.memref_squeeze %dma_start3A_520 : memref<1x50176xf32, #tpu.memory_space<vmem>> -> memref<50176xf32, #tpu.memory_space<vmem>>
    %dma_start3A_522 = tpu.memref_slice %arg3[%mul3A_517] : memref<51380224xf32, #tpu.memory_space<hbm>> -> memref<50176xf32, #tpu.memory_space<hbm>>
    %dma_start3A_523 = tpu.memref_slice %arg3[%mul3A_517] : memref<51380224xf32, #tpu.memory_space<hbm>> -> memref<50176xf32, #tpu.memory_space<hbm>>
    %dma_start3A_524 = arith.constant 0 : i32
    %dma_start3A_525 = tpu.memref_slice %arg4[%dma_start3A_518, %dma_start3A_524] : memref<2x50176xf32, #tpu.memory_space<vmem>> -> memref<1x50176xf32, #tpu.memory_space<vmem>>
    %dma_start3A_526 = tpu.memref_squeeze %dma_start3A_525 : memref<1x50176xf32, #tpu.memory_space<vmem>> -> memref<50176xf32, #tpu.memory_space<vmem>>
    tpu.enqueue_dma source(%dma_start3A_526 : memref<50176xf32, #tpu.memory_space<vmem>>) target(%dma_start3A_523 : memref<50176xf32, #tpu.memory_space<hbm>>) target_semaphore(%arg5 : memref<!tpu.dma_semaphore, #tpu.memory_space<semaphore_mem>>)
    %add3A_527 = arith.constant 128 : i32
    %add3A_528 = arith.addi %add3A_527, %add3A_4 : i32
    %mul3A_529 = arith.constant 1568 : i32
    %mul3A_530 = arith.muli %add3A_528, %mul3A_529 : i32
    %add3A_531 = arith.constant 1176 : i32
    %add3A_532 = arith.addi %mul3A_530, %add3A_531 : i32
    %mul3A_533 = arith.constant 128 : i32
    %mul3A_534 = arith.muli %add3A_532, %mul3A_533 : i32
    %dma_start3A_535 = arith.constant 0 : i32
    %dma_start3A_536 = arith.constant 0 : i32
    %dma_start3A_537 = tpu.memref_slice %arg4[%dma_start3A_535, %dma_start3A_536] : memref<2x50176xf32, #tpu.memory_space<vmem>> -> memref<1x50176xf32, #tpu.memory_space<vmem>>
    %dma_start3A_538 = tpu.memref_squeeze %dma_start3A_537 : memref<1x50176xf32, #tpu.memory_space<vmem>> -> memref<50176xf32, #tpu.memory_space<vmem>>
    %dma_start3A_539 = tpu.memref_slice %arg3[%mul3A_534] : memref<51380224xf32, #tpu.memory_space<hbm>> -> memref<50176xf32, #tpu.memory_space<hbm>>
    %dma_start3A_540 = tpu.memref_slice %arg3[%mul3A_534] : memref<51380224xf32, #tpu.memory_space<hbm>> -> memref<50176xf32, #tpu.memory_space<hbm>>
    %dma_start3A_541 = arith.constant 0 : i32
    %dma_start3A_542 = tpu.memref_slice %arg4[%dma_start3A_535, %dma_start3A_541] : memref<2x50176xf32, #tpu.memory_space<vmem>> -> memref<1x50176xf32, #tpu.memory_space<vmem>>
    %dma_start3A_543 = tpu.memref_squeeze %dma_start3A_542 : memref<1x50176xf32, #tpu.memory_space<vmem>> -> memref<50176xf32, #tpu.memory_space<vmem>>
    tpu.enqueue_dma source(%dma_start3A_543 : memref<50176xf32, #tpu.memory_space<vmem>>) target(%dma_start3A_540 : memref<50176xf32, #tpu.memory_space<hbm>>) target_semaphore(%arg5 : memref<!tpu.dma_semaphore, #tpu.memory_space<semaphore_mem>>)
    %add3A_544 = arith.constant 192 : i32
    %add3A_545 = arith.addi %add3A_544, %add3A_4 : i32
    %mul3A_546 = arith.constant 1568 : i32
    %mul3A_547 = arith.muli %add3A_545, %mul3A_546 : i32
    %add3A_548 = arith.constant 0 : i32
    %add3A_549 = arith.addi %mul3A_547, %add3A_548 : i32
    %mul3A_550 = arith.constant 128 : i32
    %mul3A_551 = arith.muli %add3A_549, %mul3A_550 : i32
    %dma_start3A_552 = arith.constant 0 : i32
    %dma_start3A_553 = arith.constant 0 : i32
    %dma_start3A_554 = tpu.memref_slice %arg4[%dma_start3A_552, %dma_start3A_553] : memref<2x50176xf32, #tpu.memory_space<vmem>> -> memref<1x50176xf32, #tpu.memory_space<vmem>>
    %dma_start3A_555 = tpu.memref_squeeze %dma_start3A_554 : memref<1x50176xf32, #tpu.memory_space<vmem>> -> memref<50176xf32, #tpu.memory_space<vmem>>
    %dma_start3A_556 = tpu.memref_slice %arg3[%mul3A_551] : memref<51380224xf32, #tpu.memory_space<hbm>> -> memref<50176xf32, #tpu.memory_space<hbm>>
    %dma_start3A_557 = tpu.memref_slice %arg3[%mul3A_551] : memref<51380224xf32, #tpu.memory_space<hbm>> -> memref<50176xf32, #tpu.memory_space<hbm>>
    %dma_start3A_558 = arith.constant 0 : i32
    %dma_start3A_559 = tpu.memref_slice %arg4[%dma_start3A_552, %dma_start3A_558] : memref<2x50176xf32, #tpu.memory_space<vmem>> -> memref<1x50176xf32, #tpu.memory_space<vmem>>
    %dma_start3A_560 = tpu.memref_squeeze %dma_start3A_559 : memref<1x50176xf32, #tpu.memory_space<vmem>> -> memref<50176xf32, #tpu.memory_space<vmem>>
    tpu.enqueue_dma source(%dma_start3A_560 : memref<50176xf32, #tpu.memory_space<vmem>>) target(%dma_start3A_557 : memref<50176xf32, #tpu.memory_space<hbm>>) target_semaphore(%arg5 : memref<!tpu.dma_semaphore, #tpu.memory_space<semaphore_mem>>)
    %add3A_561 = arith.constant 192 : i32
    %add3A_562 = arith.addi %add3A_561, %add3A_4 : i32
    %mul3A_563 = arith.constant 1568 : i32
    %mul3A_564 = arith.muli %add3A_562, %mul3A_563 : i32
    %add3A_565 = arith.constant 392 : i32
    %add3A_566 = arith.addi %mul3A_564, %add3A_565 : i32
    %mul3A_567 = arith.constant 128 : i32
    %mul3A_568 = arith.muli %add3A_566, %mul3A_567 : i32
    %dma_start3A_569 = arith.constant 0 : i32
    %dma_start3A_570 = arith.constant 0 : i32
    %dma_start3A_571 = tpu.memref_slice %arg4[%dma_start3A_569, %dma_start3A_570] : memref<2x50176xf32, #tpu.memory_space<vmem>> -> memref<1x50176xf32, #tpu.memory_space<vmem>>
    %dma_start3A_572 = tpu.memref_squeeze %dma_start3A_571 : memref<1x50176xf32, #tpu.memory_space<vmem>> -> memref<50176xf32, #tpu.memory_space<vmem>>
    %dma_start3A_573 = tpu.memref_slice %arg3[%mul3A_568] : memref<51380224xf32, #tpu.memory_space<hbm>> -> memref<50176xf32, #tpu.memory_space<hbm>>
    %dma_start3A_574 = tpu.memref_slice %arg3[%mul3A_568] : memref<51380224xf32, #tpu.memory_space<hbm>> -> memref<50176xf32, #tpu.memory_space<hbm>>
    %dma_start3A_575 = arith.constant 0 : i32
    %dma_start3A_576 = tpu.memref_slice %arg4[%dma_start3A_569, %dma_start3A_575] : memref<2x50176xf32, #tpu.memory_space<vmem>> -> memref<1x50176xf32, #tpu.memory_space<vmem>>
    %dma_start3A_577 = tpu.memref_squeeze %dma_start3A_576 : memref<1x50176xf32, #tpu.memory_space<vmem>> -> memref<50176xf32, #tpu.memory_space<vmem>>
    tpu.enqueue_dma source(%dma_start3A_577 : memref<50176xf32, #tpu.memory_space<vmem>>) target(%dma_start3A_574 : memref<50176xf32, #tpu.memory_space<hbm>>) target_semaphore(%arg5 : memref<!tpu.dma_semaphore, #tpu.memory_space<semaphore_mem>>)
    %add3A_578 = arith.constant 192 : i32
    %add3A_579 = arith.addi %add3A_578, %add3A_4 : i32
    %mul3A_580 = arith.constant 1568 : i32
    %mul3A_581 = arith.muli %add3A_579, %mul3A_580 : i32
    %add3A_582 = arith.constant 784 : i32
    %add3A_583 = arith.addi %mul3A_581, %add3A_582 : i32
    %mul3A_584 = arith.constant 128 : i32
    %mul3A_585 = arith.muli %add3A_583, %mul3A_584 : i32
    %dma_start3A_586 = arith.constant 0 : i32
    %dma_start3A_587 = arith.constant 0 : i32
    %dma_start3A_588 = tpu.memref_slice %arg4[%dma_start3A_586, %dma_start3A_587] : memref<2x50176xf32, #tpu.memory_space<vmem>> -> memref<1x50176xf32, #tpu.memory_space<vmem>>
    %dma_start3A_589 = tpu.memref_squeeze %dma_start3A_588 : memref<1x50176xf32, #tpu.memory_space<vmem>> -> memref<50176xf32, #tpu.memory_space<vmem>>
    %dma_start3A_590 = tpu.memref_slice %arg3[%mul3A_585] : memref<51380224xf32, #tpu.memory_space<hbm>> -> memref<50176xf32, #tpu.memory_space<hbm>>
    %dma_start3A_591 = tpu.memref_slice %arg3[%mul3A_585] : memref<51380224xf32, #tpu.memory_space<hbm>> -> memref<50176xf32, #tpu.memory_space<hbm>>
    %dma_start3A_592 = arith.constant 0 : i32
    %dma_start3A_593 = tpu.memref_slice %arg4[%dma_start3A_586, %dma_start3A_592] : memref<2x50176xf32, #tpu.memory_space<vmem>> -> memref<1x50176xf32, #tpu.memory_space<vmem>>
    %dma_start3A_594 = tpu.memref_squeeze %dma_start3A_593 : memref<1x50176xf32, #tpu.memory_space<vmem>> -> memref<50176xf32, #tpu.memory_space<vmem>>
    tpu.enqueue_dma source(%dma_start3A_594 : memref<50176xf32, #tpu.memory_space<vmem>>) target(%dma_start3A_591 : memref<50176xf32, #tpu.memory_space<hbm>>) target_semaphore(%arg5 : memref<!tpu.dma_semaphore, #tpu.memory_space<semaphore_mem>>)
    %add3A_595 = arith.constant 192 : i32
    %add3A_596 = arith.addi %add3A_595, %add3A_4 : i32
    %mul3A_597 = arith.constant 1568 : i32
    %mul3A_598 = arith.muli %add3A_596, %mul3A_597 : i32
    %add3A_599 = arith.constant 1176 : i32
    %add3A_600 = arith.addi %mul3A_598, %add3A_599 : i32
    %mul3A_601 = arith.constant 128 : i32
    %mul3A_602 = arith.muli %add3A_600, %mul3A_601 : i32
    %dma_start3A_603 = arith.constant 0 : i32
    %dma_start3A_604 = arith.constant 0 : i32
    %dma_start3A_605 = tpu.memref_slice %arg4[%dma_start3A_603, %dma_start3A_604] : memref<2x50176xf32, #tpu.memory_space<vmem>> -> memref<1x50176xf32, #tpu.memory_space<vmem>>
    %dma_start3A_606 = tpu.memref_squeeze %dma_start3A_605 : memref<1x50176xf32, #tpu.memory_space<vmem>> -> memref<50176xf32, #tpu.memory_space<vmem>>
    %dma_start3A_607 = tpu.memref_slice %arg3[%mul3A_602] : memref<51380224xf32, #tpu.memory_space<hbm>> -> memref<50176xf32, #tpu.memory_space<hbm>>
    %dma_start3A_608 = tpu.memref_slice %arg3[%mul3A_602] : memref<51380224xf32, #tpu.memory_space<hbm>> -> memref<50176xf32, #tpu.memory_space<hbm>>
    %dma_start3A_609 = arith.constant 0 : i32
    %dma_start3A_610 = tpu.memref_slice %arg4[%dma_start3A_603, %dma_start3A_609] : memref<2x50176xf32, #tpu.memory_space<vmem>> -> memref<1x50176xf32, #tpu.memory_space<vmem>>
    %dma_start3A_611 = tpu.memref_squeeze %dma_start3A_610 : memref<1x50176xf32, #tpu.memory_space<vmem>> -> memref<50176xf32, #tpu.memory_space<vmem>>
    tpu.enqueue_dma source(%dma_start3A_611 : memref<50176xf32, #tpu.memory_space<vmem>>) target(%dma_start3A_608 : memref<50176xf32, #tpu.memory_space<hbm>>) target_semaphore(%arg5 : memref<!tpu.dma_semaphore, #tpu.memory_space<semaphore_mem>>)
    %mul3A_612 = arith.constant 2 : i32
    %mul3A_613 = arith.muli %add3A, %mul3A_612 : i32
    %add3A_614 = arith.constant 1 : i32
    %add3A_615 = arith.addi %mul3A_613, %add3A_614 : i32
    %mul3A_616 = arith.constant 128 : i32
    %mul3A_617 = arith.muli %add3A_615, %mul3A_616 : i32
    %run_scoped3A_618 = arith.constant 1 : i32
    "tpu.region"() ({
      %run_scoped3A_1515 = tpu.sem_alloc : memref<!tpu.dma_semaphore, #tpu.memory_space<semaphore_mem>>
      %dma_start3A_1516 = arith.constant 0 : i32
      %dma_start3A_1517 = tpu.memref_slice %arg4[%run_scoped3A_618, %dma_start3A_1516] : memref<2x50176xf32, #tpu.memory_space<vmem>> -> memref<1x50176xf32, #tpu.memory_space<vmem>>
      %dma_start3A_1518 = tpu.memref_squeeze %dma_start3A_1517 : memref<1x50176xf32, #tpu.memory_space<vmem>> -> memref<50176xf32, #tpu.memory_space<vmem>>
      %dma_start3A_1519 = arith.constant 0 : i32
      %dma_start3A_1520 = tpu.memref_slice %dma_start3A_1518[%dma_start3A_1519] : memref<50176xf32, #tpu.memory_space<vmem>> -> memref<128xf32, #tpu.memory_space<vmem>>
      %dma_start3A_1521 = tpu.memref_slice %arg2[%mul3A_617] : memref<16384xf32, #tpu.memory_space<hbm>> -> memref<128xf32, #tpu.memory_space<hbm>>
      %dma_start3A_1522 = arith.constant 0 : i32
      %dma_start3A_1523 = tpu.memref_slice %arg4[%run_scoped3A_618, %dma_start3A_1522] : memref<2x50176xf32, #tpu.memory_space<vmem>> -> memref<1x50176xf32, #tpu.memory_space<vmem>>
      %dma_start3A_1524 = tpu.memref_squeeze %dma_start3A_1523 : memref<1x50176xf32, #tpu.memory_space<vmem>> -> memref<50176xf32, #tpu.memory_space<vmem>>
      %dma_start3A_1525 = arith.constant 0 : i32
      %dma_start3A_1526 = tpu.memref_slice %dma_start3A_1524[%dma_start3A_1525] : memref<50176xf32, #tpu.memory_space<vmem>> -> memref<128xf32, #tpu.memory_space<vmem>>
      %dma_start3A_1527 = tpu.memref_slice %arg2[%mul3A_617] : memref<16384xf32, #tpu.memory_space<hbm>> -> memref<128xf32, #tpu.memory_space<hbm>>
      tpu.enqueue_dma source(%dma_start3A_1527 : memref<128xf32, #tpu.memory_space<hbm>>) target(%dma_start3A_1526 : memref<128xf32, #tpu.memory_space<vmem>>) target_semaphore(%run_scoped3A_1515 : memref<!tpu.dma_semaphore, #tpu.memory_space<semaphore_mem>>)
      %dma_wait3A_1528 = arith.constant 0 : i32
      %dma_wait3A_1529 = tpu.memref_slice %arg4[%run_scoped3A_618, %dma_wait3A_1528] : memref<2x50176xf32, #tpu.memory_space<vmem>> -> memref<1x50176xf32, #tpu.memory_space<vmem>>
      %dma_wait3A_1530 = tpu.memref_squeeze %dma_wait3A_1529 : memref<1x50176xf32, #tpu.memory_space<vmem>> -> memref<50176xf32, #tpu.memory_space<vmem>>
      %dma_wait3A_1531 = arith.constant 0 : i32
      %dma_wait3A_1532 = tpu.memref_slice %dma_wait3A_1530[%dma_wait3A_1531] : memref<50176xf32, #tpu.memory_space<vmem>> -> memref<128xf32, #tpu.memory_space<vmem>>
      %dma_wait3A_1533 = tpu.memref_slice %arg2[%mul3A_617] : memref<16384xf32, #tpu.memory_space<hbm>> -> memref<128xf32, #tpu.memory_space<hbm>>
      %dma_wait3A_1534 = arith.constant 0 : i32
      %dma_wait3A_1535 = tpu.memref_slice %arg4[%run_scoped3A_618, %dma_wait3A_1534] : memref<2x50176xf32, #tpu.memory_space<vmem>> -> memref<1x50176xf32, #tpu.memory_space<vmem>>
      %dma_wait3A_1536 = tpu.memref_squeeze %dma_wait3A_1535 : memref<1x50176xf32, #tpu.memory_space<vmem>> -> memref<50176xf32, #tpu.memory_space<vmem>>
      %dma_wait3A_1537 = arith.constant 0 : i32
      %dma_wait3A_1538 = tpu.memref_slice %dma_wait3A_1536[%dma_wait3A_1537] : memref<50176xf32, #tpu.memory_space<vmem>> -> memref<128xf32, #tpu.memory_space<vmem>>
      %dma_wait3A_1539 = tpu.memref_slice %arg2[%mul3A_617] : memref<16384xf32, #tpu.memory_space<hbm>> -> memref<128xf32, #tpu.memory_space<hbm>>
      tpu.wait_dma2 semaphore(%run_scoped3A_1515 : memref<!tpu.dma_semaphore, #tpu.memory_space<semaphore_mem>>) src(%dma_wait3A_1539 : memref<128xf32, #tpu.memory_space<hbm>>) dst(%dma_wait3A_1538 : memref<128xf32, #tpu.memory_space<vmem>>)
      tpu.yield
    }) : () -> ()
    %get3A_619 = arith.constant 1 : i32
    %get3A_620 = arith.constant 0 : i32
    %get3A_621 = tpu.memref_slice %arg4[%get3A_619, %get3A_620] : memref<2x50176xf32, #tpu.memory_space<vmem>> -> memref<1x50176xf32, #tpu.memory_space<vmem>>
    %get3A_622 = tpu.memref_squeeze %get3A_621 : memref<1x50176xf32, #tpu.memory_space<vmem>> -> memref<50176xf32, #tpu.memory_space<vmem>>
    %get3A_623 = arith.constant 0 : index
    %get3A_624 = tpu.vector_load %get3A_622[%get3A_623] {strides = array<i32>} : memref<50176xf32, #tpu.memory_space<vmem>>, vector<16xf32>,
    %get3A_625 = vector.shape_cast %get3A_624 : vector<16xf32> to vector<16xf32>
    %get3A_626 = arith.constant 1 : i32
    %get3A_627 = arith.constant 0 : i32
    %get3A_628 = tpu.memref_slice %arg4[%get3A_626, %get3A_627] : memref<2x50176xf32, #tpu.memory_space<vmem>> -> memref<1x50176xf32, #tpu.memory_space<vmem>>
    %get3A_629 = tpu.memref_squeeze %get3A_628 : memref<1x50176xf32, #tpu.memory_space<vmem>> -> memref<50176xf32, #tpu.memory_space<vmem>>
    %get3A_630 = arith.constant 16 : index
    %get3A_631 = tpu.vector_load %get3A_629[%get3A_630] {strides = array<i32>} : memref<50176xf32, #tpu.memory_space<vmem>>, vector<16xf32>,
    %get3A_632 = vector.shape_cast %get3A_631 : vector<16xf32> to vector<16xf32>
    %get3A_633 = arith.constant 1 : i32
    %get3A_634 = arith.constant 0 : i32
    %get3A_635 = tpu.memref_slice %arg4[%get3A_633, %get3A_634] : memref<2x50176xf32, #tpu.memory_space<vmem>> -> memref<1x50176xf32, #tpu.memory_space<vmem>>
    %get3A_636 = tpu.memref_squeeze %get3A_635 : memref<1x50176xf32, #tpu.memory_space<vmem>> -> memref<50176xf32, #tpu.memory_space<vmem>>
    %get3A_637 = arith.constant 32 : index
    %get3A_638 = tpu.vector_load %get3A_636[%get3A_637] {strides = array<i32>} : memref<50176xf32, #tpu.memory_space<vmem>>, vector<16xf32>,
    %get3A_639 = vector.shape_cast %get3A_638 : vector<16xf32> to vector<16xf32>
    %get3A_640 = arith.constant 1 : i32
    %get3A_641 = arith.constant 0 : i32
    %get3A_642 = tpu.memref_slice %arg4[%get3A_640, %get3A_641] : memref<2x50176xf32, #tpu.memory_space<vmem>> -> memref<1x50176xf32, #tpu.memory_space<vmem>>
    %get3A_643 = tpu.memref_squeeze %get3A_642 : memref<1x50176xf32, #tpu.memory_space<vmem>> -> memref<50176xf32, #tpu.memory_space<vmem>>
    %get3A_644 = arith.constant 48 : index
    %get3A_645 = tpu.vector_load %get3A_643[%get3A_644] {strides = array<i32>} : memref<50176xf32, #tpu.memory_space<vmem>>, vector<16xf32>,
    %get3A_646 = vector.shape_cast %get3A_645 : vector<16xf32> to vector<16xf32>
    %get3A_647 = arith.constant 1 : i32
    %get3A_648 = arith.constant 0 : i32
    %get3A_649 = tpu.memref_slice %arg4[%get3A_647, %get3A_648] : memref<2x50176xf32, #tpu.memory_space<vmem>> -> memref<1x50176xf32, #tpu.memory_space<vmem>>
    %get3A_650 = tpu.memref_squeeze %get3A_649 : memref<1x50176xf32, #tpu.memory_space<vmem>> -> memref<50176xf32, #tpu.memory_space<vmem>>
    %get3A_651 = arith.constant 64 : index
    %get3A_652 = tpu.vector_load %get3A_650[%get3A_651] {strides = array<i32>} : memref<50176xf32, #tpu.memory_space<vmem>>, vector<16xf32>,
    %get3A_653 = vector.shape_cast %get3A_652 : vector<16xf32> to vector<16xf32>
    %get3A_654 = arith.constant 1 : i32
    %get3A_655 = arith.constant 0 : i32
    %get3A_656 = tpu.memref_slice %arg4[%get3A_654, %get3A_655] : memref<2x50176xf32, #tpu.memory_space<vmem>> -> memref<1x50176xf32, #tpu.memory_space<vmem>>
    %get3A_657 = tpu.memref_squeeze %get3A_656 : memref<1x50176xf32, #tpu.memory_space<vmem>> -> memref<50176xf32, #tpu.memory_space<vmem>>
    %get3A_658 = arith.constant 80 : index
    %get3A_659 = tpu.vector_load %get3A_657[%get3A_658] {strides = array<i32>} : memref<50176xf32, #tpu.memory_space<vmem>>, vector<16xf32>,
    %get3A_660 = vector.shape_cast %get3A_659 : vector<16xf32> to vector<16xf32>
    %get3A_661 = arith.constant 1 : i32
    %get3A_662 = arith.constant 0 : i32
    %get3A_663 = tpu.memref_slice %arg4[%get3A_661, %get3A_662] : memref<2x50176xf32, #tpu.memory_space<vmem>> -> memref<1x50176xf32, #tpu.memory_space<vmem>>
    %get3A_664 = tpu.memref_squeeze %get3A_663 : memref<1x50176xf32, #tpu.memory_space<vmem>> -> memref<50176xf32, #tpu.memory_space<vmem>>
    %get3A_665 = arith.constant 96 : index
    %get3A_666 = tpu.vector_load %get3A_664[%get3A_665] {strides = array<i32>} : memref<50176xf32, #tpu.memory_space<vmem>>, vector<16xf32>,
    %get3A_667 = vector.shape_cast %get3A_666 : vector<16xf32> to vector<16xf32>
    %get3A_668 = arith.constant 1 : i32
    %get3A_669 = arith.constant 0 : i32
    %get3A_670 = tpu.memref_slice %arg4[%get3A_668, %get3A_669] : memref<2x50176xf32, #tpu.memory_space<vmem>> -> memref<1x50176xf32, #tpu.memory_space<vmem>>
    %get3A_671 = tpu.memref_squeeze %get3A_670 : memref<1x50176xf32, #tpu.memory_space<vmem>> -> memref<50176xf32, #tpu.memory_space<vmem>>
    %get3A_672 = arith.constant 112 : index
    %get3A_673 = tpu.vector_load %get3A_671[%get3A_672] {strides = array<i32>} : memref<50176xf32, #tpu.memory_space<vmem>>, vector<16xf32>,
    %get3A_674 = vector.shape_cast %get3A_673 : vector<16xf32> to vector<16xf32>
    %scan3A_675 = arith.constant 1 : i32
    %scan3A_676 = arith.constant 0 : i32
    %scan3A_677 = arith.constant 1 : i32
    %scan3A_678 = arith.constant 388 : i32
    %scan3A_679 = arith.addi %scan3A_677, %scan3A_678 : i32
    %scan3A_680 = arith.constant 4 : i32
    %scan3A_681 = scf.for %scan3A_1515 = %scan3A_677 to %scan3A_679 step %scan3A_680 iter_args(%scan3A_1516 = %scan3A_676) -> (i32)  : i32 {
      %mul3A_1517 = arith.constant 128 : i32
      %mul3A_1518 = arith.muli %scan3A_1515, %mul3A_1517 : i32
      %add3A_1519 = arith.constant 0 : i32
      %add3A_1520 = arith.addi %mul3A_1518, %add3A_1519 : i32
      %swap3A_1521 = arith.constant 0 : i32
      %swap3A_1522 = tpu.memref_slice %arg4[%scan3A_675, %swap3A_1521] : memref<2x50176xf32, #tpu.memory_space<vmem>> -> memref<1x50176xf32, #tpu.memory_space<vmem>>
      %swap3A_1523 = tpu.memref_squeeze %swap3A_1522 : memref<1x50176xf32, #tpu.memory_space<vmem>> -> memref<50176xf32, #tpu.memory_space<vmem>>
      %swap3A_1524 = arith.index_cast %add3A_1520 : i32 to index
      %swap3A_1525 = tpu.vector_load %swap3A_1523[%swap3A_1524] {strides = array<i32>} : memref<50176xf32, #tpu.memory_space<vmem>>, vector<16xf32>,
      %swap3A_1526 = vector.shape_cast %swap3A_1525 : vector<16xf32> to vector<16xf32>
      %swap3A_1527 = vector.shape_cast %get3A_625 : vector<16xf32> to vector<16xf32>
      tpu.vector_store %swap3A_1523[%swap3A_1524], %swap3A_1527 {strides = array<i32>} : memref<50176xf32, #tpu.memory_space<vmem>>, vector<16xf32>,
      %mul3A_1528 = arith.constant 128 : i32
      %mul3A_1529 = arith.muli %scan3A_1515, %mul3A_1528 : i32
      %add3A_1530 = arith.constant 16 : i32
      %add3A_1531 = arith.addi %mul3A_1529, %add3A_1530 : i32
      %swap3A_1532 = arith.constant 0 : i32
      %swap3A_1533 = tpu.memref_slice %arg4[%scan3A_675, %swap3A_1532] : memref<2x50176xf32, #tpu.memory_space<vmem>> -> memref<1x50176xf32, #tpu.memory_space<vmem>>
      %swap3A_1534 = tpu.memref_squeeze %swap3A_1533 : memref<1x50176xf32, #tpu.memory_space<vmem>> -> memref<50176xf32, #tpu.memory_space<vmem>>
      %swap3A_1535 = arith.index_cast %add3A_1531 : i32 to index
      %swap3A_1536 = tpu.vector_load %swap3A_1534[%swap3A_1535] {strides = array<i32>} : memref<50176xf32, #tpu.memory_space<vmem>>, vector<16xf32>,
      %swap3A_1537 = vector.shape_cast %swap3A_1536 : vector<16xf32> to vector<16xf32>
      %swap3A_1538 = vector.shape_cast %get3A_632 : vector<16xf32> to vector<16xf32>
      tpu.vector_store %swap3A_1534[%swap3A_1535], %swap3A_1538 {strides = array<i32>} : memref<50176xf32, #tpu.memory_space<vmem>>, vector<16xf32>,
      %mul3A_1539 = arith.constant 128 : i32
      %mul3A_1540 = arith.muli %scan3A_1515, %mul3A_1539 : i32
      %add3A_1541 = arith.constant 32 : i32
      %add3A_1542 = arith.addi %mul3A_1540, %add3A_1541 : i32
      %swap3A_1543 = arith.constant 0 : i32
      %swap3A_1544 = tpu.memref_slice %arg4[%scan3A_675, %swap3A_1543] : memref<2x50176xf32, #tpu.memory_space<vmem>> -> memref<1x50176xf32, #tpu.memory_space<vmem>>
      %swap3A_1545 = tpu.memref_squeeze %swap3A_1544 : memref<1x50176xf32, #tpu.memory_space<vmem>> -> memref<50176xf32, #tpu.memory_space<vmem>>
      %swap3A_1546 = arith.index_cast %add3A_1542 : i32 to index
      %swap3A_1547 = tpu.vector_load %swap3A_1545[%swap3A_1546] {strides = array<i32>} : memref<50176xf32, #tpu.memory_space<vmem>>, vector<16xf32>,
      %swap3A_1548 = vector.shape_cast %swap3A_1547 : vector<16xf32> to vector<16xf32>
      %swap3A_1549 = vector.shape_cast %get3A_639 : vector<16xf32> to vector<16xf32>
      tpu.vector_store %swap3A_1545[%swap3A_1546], %swap3A_1549 {strides = array<i32>} : memref<50176xf32, #tpu.memory_space<vmem>>, vector<16xf32>,
      %mul3A_1550 = arith.constant 128 : i32
      %mul3A_1551 = arith.muli %scan3A_1515, %mul3A_1550 : i32
      %add3A_1552 = arith.constant 48 : i32
      %add3A_1553 = arith.addi %mul3A_1551, %add3A_1552 : i32
      %swap3A_1554 = arith.constant 0 : i32
      %swap3A_1555 = tpu.memref_slice %arg4[%scan3A_675, %swap3A_1554] : memref<2x50176xf32, #tpu.memory_space<vmem>> -> memref<1x50176xf32, #tpu.memory_space<vmem>>
      %swap3A_1556 = tpu.memref_squeeze %swap3A_1555 : memref<1x50176xf32, #tpu.memory_space<vmem>> -> memref<50176xf32, #tpu.memory_space<vmem>>
      %swap3A_1557 = arith.index_cast %add3A_1553 : i32 to index
      %swap3A_1558 = tpu.vector_load %swap3A_1556[%swap3A_1557] {strides = array<i32>} : memref<50176xf32, #tpu.memory_space<vmem>>, vector<16xf32>,
      %swap3A_1559 = vector.shape_cast %swap3A_1558 : vector<16xf32> to vector<16xf32>
      %swap3A_1560 = vector.shape_cast %get3A_646 : vector<16xf32> to vector<16xf32>
      tpu.vector_store %swap3A_1556[%swap3A_1557], %swap3A_1560 {strides = array<i32>} : memref<50176xf32, #tpu.memory_space<vmem>>, vector<16xf32>,
      %mul3A_1561 = arith.constant 128 : i32
      %mul3A_1562 = arith.muli %scan3A_1515, %mul3A_1561 : i32
      %add3A_1563 = arith.constant 64 : i32
      %add3A_1564 = arith.addi %mul3A_1562, %add3A_1563 : i32
      %swap3A_1565 = arith.constant 0 : i32
      %swap3A_1566 = tpu.memref_slice %arg4[%scan3A_675, %swap3A_1565] : memref<2x50176xf32, #tpu.memory_space<vmem>> -> memref<1x50176xf32, #tpu.memory_space<vmem>>
      %swap3A_1567 = tpu.memref_squeeze %swap3A_1566 : memref<1x50176xf32, #tpu.memory_space<vmem>> -> memref<50176xf32, #tpu.memory_space<vmem>>
      %swap3A_1568 = arith.index_cast %add3A_1564 : i32 to index
      %swap3A_1569 = tpu.vector_load %swap3A_1567[%swap3A_1568] {strides = array<i32>} : memref<50176xf32, #tpu.memory_space<vmem>>, vector<16xf32>,
      %swap3A_1570 = vector.shape_cast %swap3A_1569 : vector<16xf32> to vector<16xf32>
      %swap3A_1571 = vector.shape_cast %get3A_653 : vector<16xf32> to vector<16xf32>
      tpu.vector_store %swap3A_1567[%swap3A_1568], %swap3A_1571 {strides = array<i32>} : memref<50176xf32, #tpu.memory_space<vmem>>, vector<16xf32>,
      %mul3A_1572 = arith.constant 128 : i32
      %mul3A_1573 = arith.muli %scan3A_1515, %mul3A_1572 : i32
      %add3A_1574 = arith.constant 80 : i32
      %add3A_1575 = arith.addi %mul3A_1573, %add3A_1574 : i32
      %swap3A_1576 = arith.constant 0 : i32
      %swap3A_1577 = tpu.memref_slice %arg4[%scan3A_675, %swap3A_1576] : memref<2x50176xf32, #tpu.memory_space<vmem>> -> memref<1x50176xf32, #tpu.memory_space<vmem>>
      %swap3A_1578 = tpu.memref_squeeze %swap3A_1577 : memref<1x50176xf32, #tpu.memory_space<vmem>> -> memref<50176xf32, #tpu.memory_space<vmem>>
      %swap3A_1579 = arith.index_cast %add3A_1575 : i32 to index
      %swap3A_1580 = tpu.vector_load %swap3A_1578[%swap3A_1579] {strides = array<i32>} : memref<50176xf32, #tpu.memory_space<vmem>>, vector<16xf32>,
      %swap3A_1581 = vector.shape_cast %swap3A_1580 : vector<16xf32> to vector<16xf32>
      %swap3A_1582 = vector.shape_cast %get3A_660 : vector<16xf32> to vector<16xf32>
      tpu.vector_store %swap3A_1578[%swap3A_1579], %swap3A_1582 {strides = array<i32>} : memref<50176xf32, #tpu.memory_space<vmem>>, vector<16xf32>,
      %mul3A_1583 = arith.constant 128 : i32
      %mul3A_1584 = arith.muli %scan3A_1515, %mul3A_1583 : i32
      %add3A_1585 = arith.constant 96 : i32
      %add3A_1586 = arith.addi %mul3A_1584, %add3A_1585 : i32
      %swap3A_1587 = arith.constant 0 : i32
      %swap3A_1588 = tpu.memref_slice %arg4[%scan3A_675, %swap3A_1587] : memref<2x50176xf32, #tpu.memory_space<vmem>> -> memref<1x50176xf32, #tpu.memory_space<vmem>>
      %swap3A_1589 = tpu.memref_squeeze %swap3A_1588 : memref<1x50176xf32, #tpu.memory_space<vmem>> -> memref<50176xf32, #tpu.memory_space<vmem>>
      %swap3A_1590 = arith.index_cast %add3A_1586 : i32 to index
      %swap3A_1591 = tpu.vector_load %swap3A_1589[%swap3A_1590] {strides = array<i32>} : memref<50176xf32, #tpu.memory_space<vmem>>, vector<16xf32>,
      %swap3A_1592 = vector.shape_cast %swap3A_1591 : vector<16xf32> to vector<16xf32>
      %swap3A_1593 = vector.shape_cast %get3A_667 : vector<16xf32> to vector<16xf32>
      tpu.vector_store %swap3A_1589[%swap3A_1590], %swap3A_1593 {strides = array<i32>} : memref<50176xf32, #tpu.memory_space<vmem>>, vector<16xf32>,
      %mul3A_1594 = arith.constant 128 : i32
      %mul3A_1595 = arith.muli %scan3A_1515, %mul3A_1594 : i32
      %add3A_1596 = arith.constant 112 : i32
      %add3A_1597 = arith.addi %mul3A_1595, %add3A_1596 : i32
      %swap3A_1598 = arith.constant 0 : i32
      %swap3A_1599 = tpu.memref_slice %arg4[%scan3A_675, %swap3A_1598] : memref<2x50176xf32, #tpu.memory_space<vmem>> -> memref<1x50176xf32, #tpu.memory_space<vmem>>
      %swap3A_1600 = tpu.memref_squeeze %swap3A_1599 : memref<1x50176xf32, #tpu.memory_space<vmem>> -> memref<50176xf32, #tpu.memory_space<vmem>>
      %swap3A_1601 = arith.index_cast %add3A_1597 : i32 to index
      %swap3A_1602 = tpu.vector_load %swap3A_1600[%swap3A_1601] {strides = array<i32>} : memref<50176xf32, #tpu.memory_space<vmem>>, vector<16xf32>,
      %swap3A_1603 = vector.shape_cast %swap3A_1602 : vector<16xf32> to vector<16xf32>
      %swap3A_1604 = vector.shape_cast %get3A_674 : vector<16xf32> to vector<16xf32>
      tpu.vector_store %swap3A_1600[%swap3A_1601], %swap3A_1604 {strides = array<i32>} : memref<50176xf32, #tpu.memory_space<vmem>>, vector<16xf32>,
      %scan3A_1605 = arith.constant 0 : i32
      %scan3A_1606 = arith.constant 1 : i32
      %scan3A_1607 = arith.addi %scan3A_1515, %scan3A_1606 : i32
      %mul3A_1608 = arith.constant 128 : i32
      %mul3A_1609 = arith.muli %scan3A_1607, %mul3A_1608 : i32
      %add3A_1610 = arith.constant 0 : i32
      %add3A_1611 = arith.addi %mul3A_1609, %add3A_1610 : i32
      %swap3A_1612 = arith.constant 0 : i32
      %swap3A_1613 = tpu.memref_slice %arg4[%scan3A_675, %swap3A_1612] : memref<2x50176xf32, #tpu.memory_space<vmem>> -> memref<1x50176xf32, #tpu.memory_space<vmem>>
      %swap3A_1614 = tpu.memref_squeeze %swap3A_1613 : memref<1x50176xf32, #tpu.memory_space<vmem>> -> memref<50176xf32, #tpu.memory_space<vmem>>
      %swap3A_1615 = arith.index_cast %add3A_1611 : i32 to index
      %swap3A_1616 = tpu.vector_load %swap3A_1614[%swap3A_1615] {strides = array<i32>} : memref<50176xf32, #tpu.memory_space<vmem>>, vector<16xf32>,
      %swap3A_1617 = vector.shape_cast %swap3A_1616 : vector<16xf32> to vector<16xf32>
      %swap3A_1618 = vector.shape_cast %get3A_625 : vector<16xf32> to vector<16xf32>
      tpu.vector_store %swap3A_1614[%swap3A_1615], %swap3A_1618 {strides = array<i32>} : memref<50176xf32, #tpu.memory_space<vmem>>, vector<16xf32>,
      %mul3A_1619 = arith.constant 128 : i32
      %mul3A_1620 = arith.muli %scan3A_1607, %mul3A_1619 : i32
      %add3A_1621 = arith.constant 16 : i32
      %add3A_1622 = arith.addi %mul3A_1620, %add3A_1621 : i32
      %swap3A_1623 = arith.constant 0 : i32
      %swap3A_1624 = tpu.memref_slice %arg4[%scan3A_675, %swap3A_1623] : memref<2x50176xf32, #tpu.memory_space<vmem>> -> memref<1x50176xf32, #tpu.memory_space<vmem>>
      %swap3A_1625 = tpu.memref_squeeze %swap3A_1624 : memref<1x50176xf32, #tpu.memory_space<vmem>> -> memref<50176xf32, #tpu.memory_space<vmem>>
      %swap3A_1626 = arith.index_cast %add3A_1622 : i32 to index
      %swap3A_1627 = tpu.vector_load %swap3A_1625[%swap3A_1626] {strides = array<i32>} : memref<50176xf32, #tpu.memory_space<vmem>>, vector<16xf32>,
      %swap3A_1628 = vector.shape_cast %swap3A_1627 : vector<16xf32> to vector<16xf32>
      %swap3A_1629 = vector.shape_cast %get3A_632 : vector<16xf32> to vector<16xf32>
      tpu.vector_store %swap3A_1625[%swap3A_1626], %swap3A_1629 {strides = array<i32>} : memref<50176xf32, #tpu.memory_space<vmem>>, vector<16xf32>,
      %mul3A_1630 = arith.constant 128 : i32
      %mul3A_1631 = arith.muli %scan3A_1607, %mul3A_1630 : i32
      %add3A_1632 = arith.constant 32 : i32
      %add3A_1633 = arith.addi %mul3A_1631, %add3A_1632 : i32
      %swap3A_1634 = arith.constant 0 : i32
      %swap3A_1635 = tpu.memref_slice %arg4[%scan3A_675, %swap3A_1634] : memref<2x50176xf32, #tpu.memory_space<vmem>> -> memref<1x50176xf32, #tpu.memory_space<vmem>>
      %swap3A_1636 = tpu.memref_squeeze %swap3A_1635 : memref<1x50176xf32, #tpu.memory_space<vmem>> -> memref<50176xf32, #tpu.memory_space<vmem>>
      %swap3A_1637 = arith.index_cast %add3A_1633 : i32 to index
      %swap3A_1638 = tpu.vector_load %swap3A_1636[%swap3A_1637] {strides = array<i32>} : memref<50176xf32, #tpu.memory_space<vmem>>, vector<16xf32>,
      %swap3A_1639 = vector.shape_cast %swap3A_1638 : vector<16xf32> to vector<16xf32>
      %swap3A_1640 = vector.shape_cast %get3A_639 : vector<16xf32> to vector<16xf32>
      tpu.vector_store %swap3A_1636[%swap3A_1637], %swap3A_1640 {strides = array<i32>} : memref<50176xf32, #tpu.memory_space<vmem>>, vector<16xf32>,
      %mul3A_1641 = arith.constant 128 : i32
      %mul3A_1642 = arith.muli %scan3A_1607, %mul3A_1641 : i32
      %add3A_1643 = arith.constant 48 : i32
      %add3A_1644 = arith.addi %mul3A_1642, %add3A_1643 : i32
      %swap3A_1645 = arith.constant 0 : i32
      %swap3A_1646 = tpu.memref_slice %arg4[%scan3A_675, %swap3A_1645] : memref<2x50176xf32, #tpu.memory_space<vmem>> -> memref<1x50176xf32, #tpu.memory_space<vmem>>
      %swap3A_1647 = tpu.memref_squeeze %swap3A_1646 : memref<1x50176xf32, #tpu.memory_space<vmem>> -> memref<50176xf32, #tpu.memory_space<vmem>>
      %swap3A_1648 = arith.index_cast %add3A_1644 : i32 to index
      %swap3A_1649 = tpu.vector_load %swap3A_1647[%swap3A_1648] {strides = array<i32>} : memref<50176xf32, #tpu.memory_space<vmem>>, vector<16xf32>,
      %swap3A_1650 = vector.shape_cast %swap3A_1649 : vector<16xf32> to vector<16xf32>
      %swap3A_1651 = vector.shape_cast %get3A_646 : vector<16xf32> to vector<16xf32>
      tpu.vector_store %swap3A_1647[%swap3A_1648], %swap3A_1651 {strides = array<i32>} : memref<50176xf32, #tpu.memory_space<vmem>>, vector<16xf32>,
      %mul3A_1652 = arith.constant 128 : i32
      %mul3A_1653 = arith.muli %scan3A_1607, %mul3A_1652 : i32
      %add3A_1654 = arith.constant 64 : i32
      %add3A_1655 = arith.addi %mul3A_1653, %add3A_1654 : i32
      %swap3A_1656 = arith.constant 0 : i32
      %swap3A_1657 = tpu.memref_slice %arg4[%scan3A_675, %swap3A_1656] : memref<2x50176xf32, #tpu.memory_space<vmem>> -> memref<1x50176xf32, #tpu.memory_space<vmem>>
      %swap3A_1658 = tpu.memref_squeeze %swap3A_1657 : memref<1x50176xf32, #tpu.memory_space<vmem>> -> memref<50176xf32, #tpu.memory_space<vmem>>
      %swap3A_1659 = arith.index_cast %add3A_1655 : i32 to index
      %swap3A_1660 = tpu.vector_load %swap3A_1658[%swap3A_1659] {strides = array<i32>} : memref<50176xf32, #tpu.memory_space<vmem>>, vector<16xf32>,
      %swap3A_1661 = vector.shape_cast %swap3A_1660 : vector<16xf32> to vector<16xf32>
      %swap3A_1662 = vector.shape_cast %get3A_653 : vector<16xf32> to vector<16xf32>
      tpu.vector_store %swap3A_1658[%swap3A_1659], %swap3A_1662 {strides = array<i32>} : memref<50176xf32, #tpu.memory_space<vmem>>, vector<16xf32>,
      %mul3A_1663 = arith.constant 128 : i32
      %mul3A_1664 = arith.muli %scan3A_1607, %mul3A_1663 : i32
      %add3A_1665 = arith.constant 80 : i32
      %add3A_1666 = arith.addi %mul3A_1664, %add3A_1665 : i32
      %swap3A_1667 = arith.constant 0 : i32
      %swap3A_1668 = tpu.memref_slice %arg4[%scan3A_675, %swap3A_1667] : memref<2x50176xf32, #tpu.memory_space<vmem>> -> memref<1x50176xf32, #tpu.memory_space<vmem>>
      %swap3A_1669 = tpu.memref_squeeze %swap3A_1668 : memref<1x50176xf32, #tpu.memory_space<vmem>> -> memref<50176xf32, #tpu.memory_space<vmem>>
      %swap3A_1670 = arith.index_cast %add3A_1666 : i32 to index
      %swap3A_1671 = tpu.vector_load %swap3A_1669[%swap3A_1670] {strides = array<i32>} : memref<50176xf32, #tpu.memory_space<vmem>>, vector<16xf32>,
      %swap3A_1672 = vector.shape_cast %swap3A_1671 : vector<16xf32> to vector<16xf32>
      %swap3A_1673 = vector.shape_cast %get3A_660 : vector<16xf32> to vector<16xf32>
      tpu.vector_store %swap3A_1669[%swap3A_1670], %swap3A_1673 {strides = array<i32>} : memref<50176xf32, #tpu.memory_space<vmem>>, vector<16xf32>,
      %mul3A_1674 = arith.constant 128 : i32
      %mul3A_1675 = arith.muli %scan3A_1607, %mul3A_1674 : i32
      %add3A_1676 = arith.constant 96 : i32
      %add3A_1677 = arith.addi %mul3A_1675, %add3A_1676 : i32
      %swap3A_1678 = arith.constant 0 : i32
      %swap3A_1679 = tpu.memref_slice %arg4[%scan3A_675, %swap3A_1678] : memref<2x50176xf32, #tpu.memory_space<vmem>> -> memref<1x50176xf32, #tpu.memory_space<vmem>>
      %swap3A_1680 = tpu.memref_squeeze %swap3A_1679 : memref<1x50176xf32, #tpu.memory_space<vmem>> -> memref<50176xf32, #tpu.memory_space<vmem>>
      %swap3A_1681 = arith.index_cast %add3A_1677 : i32 to index
      %swap3A_1682 = tpu.vector_load %swap3A_1680[%swap3A_1681] {strides = array<i32>} : memref<50176xf32, #tpu.memory_space<vmem>>, vector<16xf32>,
      %swap3A_1683 = vector.shape_cast %swap3A_1682 : vector<16xf32> to vector<16xf32>
      %swap3A_1684 = vector.shape_cast %get3A_667 : vector<16xf32> to vector<16xf32>
      tpu.vector_store %swap3A_1680[%swap3A_1681], %swap3A_1684 {strides = array<i32>} : memref<50176xf32, #tpu.memory_space<vmem>>, vector<16xf32>,
      %mul3A_1685 = arith.constant 128 : i32
      %mul3A_1686 = arith.muli %scan3A_1607, %mul3A_1685 : i32
      %add3A_1687 = arith.constant 112 : i32
      %add3A_1688 = arith.addi %mul3A_1686, %add3A_1687 : i32
      %swap3A_1689 = arith.constant 0 : i32
      %swap3A_1690 = tpu.memref_slice %arg4[%scan3A_675, %swap3A_1689] : memref<2x50176xf32, #tpu.memory_space<vmem>> -> memref<1x50176xf32, #tpu.memory_space<vmem>>
      %swap3A_1691 = tpu.memref_squeeze %swap3A_1690 : memref<1x50176xf32, #tpu.memory_space<vmem>> -> memref<50176xf32, #tpu.memory_space<vmem>>
      %swap3A_1692 = arith.index_cast %add3A_1688 : i32 to index
      %swap3A_1693 = tpu.vector_load %swap3A_1691[%swap3A_1692] {strides = array<i32>} : memref<50176xf32, #tpu.memory_space<vmem>>, vector<16xf32>,
      %swap3A_1694 = vector.shape_cast %swap3A_1693 : vector<16xf32> to vector<16xf32>
      %swap3A_1695 = vector.shape_cast %get3A_674 : vector<16xf32> to vector<16xf32>
      tpu.vector_store %swap3A_1691[%swap3A_1692], %swap3A_1695 {strides = array<i32>} : memref<50176xf32, #tpu.memory_space<vmem>>, vector<16xf32>,
      %scan3A_1696 = arith.constant 0 : i32
      %scan3A_1697 = arith.constant 2 : i32
      %scan3A_1698 = arith.addi %scan3A_1515, %scan3A_1697 : i32
      %mul3A_1699 = arith.constant 128 : i32
      %mul3A_1700 = arith.muli %scan3A_1698, %mul3A_1699 : i32
      %add3A_1701 = arith.constant 0 : i32
      %add3A_1702 = arith.addi %mul3A_1700, %add3A_1701 : i32
      %swap3A_1703 = arith.constant 0 : i32
      %swap3A_1704 = tpu.memref_slice %arg4[%scan3A_675, %swap3A_1703] : memref<2x50176xf32, #tpu.memory_space<vmem>> -> memref<1x50176xf32, #tpu.memory_space<vmem>>
      %swap3A_1705 = tpu.memref_squeeze %swap3A_1704 : memref<1x50176xf32, #tpu.memory_space<vmem>> -> memref<50176xf32, #tpu.memory_space<vmem>>
      %swap3A_1706 = arith.index_cast %add3A_1702 : i32 to index
      %swap3A_1707 = tpu.vector_load %swap3A_1705[%swap3A_1706] {strides = array<i32>} : memref<50176xf32, #tpu.memory_space<vmem>>, vector<16xf32>,
      %swap3A_1708 = vector.shape_cast %swap3A_1707 : vector<16xf32> to vector<16xf32>
      %swap3A_1709 = vector.shape_cast %get3A_625 : vector<16xf32> to vector<16xf32>
      tpu.vector_store %swap3A_1705[%swap3A_1706], %swap3A_1709 {strides = array<i32>} : memref<50176xf32, #tpu.memory_space<vmem>>, vector<16xf32>,
      %mul3A_1710 = arith.constant 128 : i32
      %mul3A_1711 = arith.muli %scan3A_1698, %mul3A_1710 : i32
      %add3A_1712 = arith.constant 16 : i32
      %add3A_1713 = arith.addi %mul3A_1711, %add3A_1712 : i32
      %swap3A_1714 = arith.constant 0 : i32
      %swap3A_1715 = tpu.memref_slice %arg4[%scan3A_675, %swap3A_1714] : memref<2x50176xf32, #tpu.memory_space<vmem>> -> memref<1x50176xf32, #tpu.memory_space<vmem>>
      %swap3A_1716 = tpu.memref_squeeze %swap3A_1715 : memref<1x50176xf32, #tpu.memory_space<vmem>> -> memref<50176xf32, #tpu.memory_space<vmem>>
      %swap3A_1717 = arith.index_cast %add3A_1713 : i32 to index
      %swap3A_1718 = tpu.vector_load %swap3A_1716[%swap3A_1717] {strides = array<i32>} : memref<50176xf32, #tpu.memory_space<vmem>>, vector<16xf32>,
      %swap3A_1719 = vector.shape_cast %swap3A_1718 : vector<16xf32> to vector<16xf32>
      %swap3A_1720 = vector.shape_cast %get3A_632 : vector<16xf32> to vector<16xf32>
      tpu.vector_store %swap3A_1716[%swap3A_1717], %swap3A_1720 {strides = array<i32>} : memref<50176xf32, #tpu.memory_space<vmem>>, vector<16xf32>,
      %mul3A_1721 = arith.constant 128 : i32
      %mul3A_1722 = arith.muli %scan3A_1698, %mul3A_1721 : i32
      %add3A_1723 = arith.constant 32 : i32
      %add3A_1724 = arith.addi %mul3A_1722, %add3A_1723 : i32
      %swap3A_1725 = arith.constant 0 : i32
      %swap3A_1726 = tpu.memref_slice %arg4[%scan3A_675, %swap3A_1725] : memref<2x50176xf32, #tpu.memory_space<vmem>> -> memref<1x50176xf32, #tpu.memory_space<vmem>>
      %swap3A_1727 = tpu.memref_squeeze %swap3A_1726 : memref<1x50176xf32, #tpu.memory_space<vmem>> -> memref<50176xf32, #tpu.memory_space<vmem>>
      %swap3A_1728 = arith.index_cast %add3A_1724 : i32 to index
      %swap3A_1729 = tpu.vector_load %swap3A_1727[%swap3A_1728] {strides = array<i32>} : memref<50176xf32, #tpu.memory_space<vmem>>, vector<16xf32>,
      %swap3A_1730 = vector.shape_cast %swap3A_1729 : vector<16xf32> to vector<16xf32>
      %swap3A_1731 = vector.shape_cast %get3A_639 : vector<16xf32> to vector<16xf32>
      tpu.vector_store %swap3A_1727[%swap3A_1728], %swap3A_1731 {strides = array<i32>} : memref<50176xf32, #tpu.memory_space<vmem>>, vector<16xf32>,
      %mul3A_1732 = arith.constant 128 : i32
      %mul3A_1733 = arith.muli %scan3A_1698, %mul3A_1732 : i32
      %add3A_1734 = arith.constant 48 : i32
      %add3A_1735 = arith.addi %mul3A_1733, %add3A_1734 : i32
      %swap3A_1736 = arith.constant 0 : i32
      %swap3A_1737 = tpu.memref_slice %arg4[%scan3A_675, %swap3A_1736] : memref<2x50176xf32, #tpu.memory_space<vmem>> -> memref<1x50176xf32, #tpu.memory_space<vmem>>
      %swap3A_1738 = tpu.memref_squeeze %swap3A_1737 : memref<1x50176xf32, #tpu.memory_space<vmem>> -> memref<50176xf32, #tpu.memory_space<vmem>>
      %swap3A_1739 = arith.index_cast %add3A_1735 : i32 to index
      %swap3A_1740 = tpu.vector_load %swap3A_1738[%swap3A_1739] {strides = array<i32>} : memref<50176xf32, #tpu.memory_space<vmem>>, vector<16xf32>,
      %swap3A_1741 = vector.shape_cast %swap3A_1740 : vector<16xf32> to vector<16xf32>
      %swap3A_1742 = vector.shape_cast %get3A_646 : vector<16xf32> to vector<16xf32>
      tpu.vector_store %swap3A_1738[%swap3A_1739], %swap3A_1742 {strides = array<i32>} : memref<50176xf32, #tpu.memory_space<vmem>>, vector<16xf32>,
      %mul3A_1743 = arith.constant 128 : i32
      %mul3A_1744 = arith.muli %scan3A_1698, %mul3A_1743 : i32
      %add3A_1745 = arith.constant 64 : i32
      %add3A_1746 = arith.addi %mul3A_1744, %add3A_1745 : i32
      %swap3A_1747 = arith.constant 0 : i32
      %swap3A_1748 = tpu.memref_slice %arg4[%scan3A_675, %swap3A_1747] : memref<2x50176xf32, #tpu.memory_space<vmem>> -> memref<1x50176xf32, #tpu.memory_space<vmem>>
      %swap3A_1749 = tpu.memref_squeeze %swap3A_1748 : memref<1x50176xf32, #tpu.memory_space<vmem>> -> memref<50176xf32, #tpu.memory_space<vmem>>
      %swap3A_1750 = arith.index_cast %add3A_1746 : i32 to index
      %swap3A_1751 = tpu.vector_load %swap3A_1749[%swap3A_1750] {strides = array<i32>} : memref<50176xf32, #tpu.memory_space<vmem>>, vector<16xf32>,
      %swap3A_1752 = vector.shape_cast %swap3A_1751 : vector<16xf32> to vector<16xf32>
      %swap3A_1753 = vector.shape_cast %get3A_653 : vector<16xf32> to vector<16xf32>
      tpu.vector_store %swap3A_1749[%swap3A_1750], %swap3A_1753 {strides = array<i32>} : memref<50176xf32, #tpu.memory_space<vmem>>, vector<16xf32>,
      %mul3A_1754 = arith.constant 128 : i32
      %mul3A_1755 = arith.muli %scan3A_1698, %mul3A_1754 : i32
      %add3A_1756 = arith.constant 80 : i32
      %add3A_1757 = arith.addi %mul3A_1755, %add3A_1756 : i32
      %swap3A_1758 = arith.constant 0 : i32
      %swap3A_1759 = tpu.memref_slice %arg4[%scan3A_675, %swap3A_1758] : memref<2x50176xf32, #tpu.memory_space<vmem>> -> memref<1x50176xf32, #tpu.memory_space<vmem>>
      %swap3A_1760 = tpu.memref_squeeze %swap3A_1759 : memref<1x50176xf32, #tpu.memory_space<vmem>> -> memref<50176xf32, #tpu.memory_space<vmem>>
      %swap3A_1761 = arith.index_cast %add3A_1757 : i32 to index
      %swap3A_1762 = tpu.vector_load %swap3A_1760[%swap3A_1761] {strides = array<i32>} : memref<50176xf32, #tpu.memory_space<vmem>>, vector<16xf32>,
      %swap3A_1763 = vector.shape_cast %swap3A_1762 : vector<16xf32> to vector<16xf32>
      %swap3A_1764 = vector.shape_cast %get3A_660 : vector<16xf32> to vector<16xf32>
      tpu.vector_store %swap3A_1760[%swap3A_1761], %swap3A_1764 {strides = array<i32>} : memref<50176xf32, #tpu.memory_space<vmem>>, vector<16xf32>,
      %mul3A_1765 = arith.constant 128 : i32
      %mul3A_1766 = arith.muli %scan3A_1698, %mul3A_1765 : i32
      %add3A_1767 = arith.constant 96 : i32
      %add3A_1768 = arith.addi %mul3A_1766, %add3A_1767 : i32
      %swap3A_1769 = arith.constant 0 : i32
      %swap3A_1770 = tpu.memref_slice %arg4[%scan3A_675, %swap3A_1769] : memref<2x50176xf32, #tpu.memory_space<vmem>> -> memref<1x50176xf32, #tpu.memory_space<vmem>>
      %swap3A_1771 = tpu.memref_squeeze %swap3A_1770 : memref<1x50176xf32, #tpu.memory_space<vmem>> -> memref<50176xf32, #tpu.memory_space<vmem>>
      %swap3A_1772 = arith.index_cast %add3A_1768 : i32 to index
      %swap3A_1773 = tpu.vector_load %swap3A_1771[%swap3A_1772] {strides = array<i32>} : memref<50176xf32, #tpu.memory_space<vmem>>, vector<16xf32>,
      %swap3A_1774 = vector.shape_cast %swap3A_1773 : vector<16xf32> to vector<16xf32>
      %swap3A_1775 = vector.shape_cast %get3A_667 : vector<16xf32> to vector<16xf32>
      tpu.vector_store %swap3A_1771[%swap3A_1772], %swap3A_1775 {strides = array<i32>} : memref<50176xf32, #tpu.memory_space<vmem>>, vector<16xf32>,
      %mul3A_1776 = arith.constant 128 : i32
      %mul3A_1777 = arith.muli %scan3A_1698, %mul3A_1776 : i32
      %add3A_1778 = arith.constant 112 : i32
      %add3A_1779 = arith.addi %mul3A_1777, %add3A_1778 : i32
      %swap3A_1780 = arith.constant 0 : i32
      %swap3A_1781 = tpu.memref_slice %arg4[%scan3A_675, %swap3A_1780] : memref<2x50176xf32, #tpu.memory_space<vmem>> -> memref<1x50176xf32, #tpu.memory_space<vmem>>
      %swap3A_1782 = tpu.memref_squeeze %swap3A_1781 : memref<1x50176xf32, #tpu.memory_space<vmem>> -> memref<50176xf32, #tpu.memory_space<vmem>>
      %swap3A_1783 = arith.index_cast %add3A_1779 : i32 to index
      %swap3A_1784 = tpu.vector_load %swap3A_1782[%swap3A_1783] {strides = array<i32>} : memref<50176xf32, #tpu.memory_space<vmem>>, vector<16xf32>,
      %swap3A_1785 = vector.shape_cast %swap3A_1784 : vector<16xf32> to vector<16xf32>
      %swap3A_1786 = vector.shape_cast %get3A_674 : vector<16xf32> to vector<16xf32>
      tpu.vector_store %swap3A_1782[%swap3A_1783], %swap3A_1786 {strides = array<i32>} : memref<50176xf32, #tpu.memory_space<vmem>>, vector<16xf32>,
      %scan3A_1787 = arith.constant 0 : i32
      %scan3A_1788 = arith.constant 3 : i32
      %scan3A_1789 = arith.addi %scan3A_1515, %scan3A_1788 : i32
      %mul3A_1790 = arith.constant 128 : i32
      %mul3A_1791 = arith.muli %scan3A_1789, %mul3A_1790 : i32
      %add3A_1792 = arith.constant 0 : i32
      %add3A_1793 = arith.addi %mul3A_1791, %add3A_1792 : i32
      %swap3A_1794 = arith.constant 0 : i32
      %swap3A_1795 = tpu.memref_slice %arg4[%scan3A_675, %swap3A_1794] : memref<2x50176xf32, #tpu.memory_space<vmem>> -> memref<1x50176xf32, #tpu.memory_space<vmem>>
      %swap3A_1796 = tpu.memref_squeeze %swap3A_1795 : memref<1x50176xf32, #tpu.memory_space<vmem>> -> memref<50176xf32, #tpu.memory_space<vmem>>
      %swap3A_1797 = arith.index_cast %add3A_1793 : i32 to index
      %swap3A_1798 = tpu.vector_load %swap3A_1796[%swap3A_1797] {strides = array<i32>} : memref<50176xf32, #tpu.memory_space<vmem>>, vector<16xf32>,
      %swap3A_1799 = vector.shape_cast %swap3A_1798 : vector<16xf32> to vector<16xf32>
      %swap3A_1800 = vector.shape_cast %get3A_625 : vector<16xf32> to vector<16xf32>
      tpu.vector_store %swap3A_1796[%swap3A_1797], %swap3A_1800 {strides = array<i32>} : memref<50176xf32, #tpu.memory_space<vmem>>, vector<16xf32>,
      %mul3A_1801 = arith.constant 128 : i32
      %mul3A_1802 = arith.muli %scan3A_1789, %mul3A_1801 : i32
      %add3A_1803 = arith.constant 16 : i32
      %add3A_1804 = arith.addi %mul3A_1802, %add3A_1803 : i32
      %swap3A_1805 = arith.constant 0 : i32
      %swap3A_1806 = tpu.memref_slice %arg4[%scan3A_675, %swap3A_1805] : memref<2x50176xf32, #tpu.memory_space<vmem>> -> memref<1x50176xf32, #tpu.memory_space<vmem>>
      %swap3A_1807 = tpu.memref_squeeze %swap3A_1806 : memref<1x50176xf32, #tpu.memory_space<vmem>> -> memref<50176xf32, #tpu.memory_space<vmem>>
      %swap3A_1808 = arith.index_cast %add3A_1804 : i32 to index
      %swap3A_1809 = tpu.vector_load %swap3A_1807[%swap3A_1808] {strides = array<i32>} : memref<50176xf32, #tpu.memory_space<vmem>>, vector<16xf32>,
      %swap3A_1810 = vector.shape_cast %swap3A_1809 : vector<16xf32> to vector<16xf32>
      %swap3A_1811 = vector.shape_cast %get3A_632 : vector<16xf32> to vector<16xf32>
      tpu.vector_store %swap3A_1807[%swap3A_1808], %swap3A_1811 {strides = array<i32>} : memref<50176xf32, #tpu.memory_space<vmem>>, vector<16xf32>,
      %mul3A_1812 = arith.constant 128 : i32
      %mul3A_1813 = arith.muli %scan3A_1789, %mul3A_1812 : i32
      %add3A_1814 = arith.constant 32 : i32
      %add3A_1815 = arith.addi %mul3A_1813, %add3A_1814 : i32
      %swap3A_1816 = arith.constant 0 : i32
      %swap3A_1817 = tpu.memref_slice %arg4[%scan3A_675, %swap3A_1816] : memref<2x50176xf32, #tpu.memory_space<vmem>> -> memref<1x50176xf32, #tpu.memory_space<vmem>>
      %swap3A_1818 = tpu.memref_squeeze %swap3A_1817 : memref<1x50176xf32, #tpu.memory_space<vmem>> -> memref<50176xf32, #tpu.memory_space<vmem>>
      %swap3A_1819 = arith.index_cast %add3A_1815 : i32 to index
      %swap3A_1820 = tpu.vector_load %swap3A_1818[%swap3A_1819] {strides = array<i32>} : memref<50176xf32, #tpu.memory_space<vmem>>, vector<16xf32>,
      %swap3A_1821 = vector.shape_cast %swap3A_1820 : vector<16xf32> to vector<16xf32>
      %swap3A_1822 = vector.shape_cast %get3A_639 : vector<16xf32> to vector<16xf32>
      tpu.vector_store %swap3A_1818[%swap3A_1819], %swap3A_1822 {strides = array<i32>} : memref<50176xf32, #tpu.memory_space<vmem>>, vector<16xf32>,
      %mul3A_1823 = arith.constant 128 : i32
      %mul3A_1824 = arith.muli %scan3A_1789, %mul3A_1823 : i32
      %add3A_1825 = arith.constant 48 : i32
      %add3A_1826 = arith.addi %mul3A_1824, %add3A_1825 : i32
      %swap3A_1827 = arith.constant 0 : i32
      %swap3A_1828 = tpu.memref_slice %arg4[%scan3A_675, %swap3A_1827] : memref<2x50176xf32, #tpu.memory_space<vmem>> -> memref<1x50176xf32, #tpu.memory_space<vmem>>
      %swap3A_1829 = tpu.memref_squeeze %swap3A_1828 : memref<1x50176xf32, #tpu.memory_space<vmem>> -> memref<50176xf32, #tpu.memory_space<vmem>>
      %swap3A_1830 = arith.index_cast %add3A_1826 : i32 to index
      %swap3A_1831 = tpu.vector_load %swap3A_1829[%swap3A_1830] {strides = array<i32>} : memref<50176xf32, #tpu.memory_space<vmem>>, vector<16xf32>,
      %swap3A_1832 = vector.shape_cast %swap3A_1831 : vector<16xf32> to vector<16xf32>
      %swap3A_1833 = vector.shape_cast %get3A_646 : vector<16xf32> to vector<16xf32>
      tpu.vector_store %swap3A_1829[%swap3A_1830], %swap3A_1833 {strides = array<i32>} : memref<50176xf32, #tpu.memory_space<vmem>>, vector<16xf32>,
      %mul3A_1834 = arith.constant 128 : i32
      %mul3A_1835 = arith.muli %scan3A_1789, %mul3A_1834 : i32
      %add3A_1836 = arith.constant 64 : i32
      %add3A_1837 = arith.addi %mul3A_1835, %add3A_1836 : i32
      %swap3A_1838 = arith.constant 0 : i32
      %swap3A_1839 = tpu.memref_slice %arg4[%scan3A_675, %swap3A_1838] : memref<2x50176xf32, #tpu.memory_space<vmem>> -> memref<1x50176xf32, #tpu.memory_space<vmem>>
      %swap3A_1840 = tpu.memref_squeeze %swap3A_1839 : memref<1x50176xf32, #tpu.memory_space<vmem>> -> memref<50176xf32, #tpu.memory_space<vmem>>
      %swap3A_1841 = arith.index_cast %add3A_1837 : i32 to index
      %swap3A_1842 = tpu.vector_load %swap3A_1840[%swap3A_1841] {strides = array<i32>} : memref<50176xf32, #tpu.memory_space<vmem>>, vector<16xf32>,
      %swap3A_1843 = vector.shape_cast %swap3A_1842 : vector<16xf32> to vector<16xf32>
      %swap3A_1844 = vector.shape_cast %get3A_653 : vector<16xf32> to vector<16xf32>
      tpu.vector_store %swap3A_1840[%swap3A_1841], %swap3A_1844 {strides = array<i32>} : memref<50176xf32, #tpu.memory_space<vmem>>, vector<16xf32>,
      %mul3A_1845 = arith.constant 128 : i32
      %mul3A_1846 = arith.muli %scan3A_1789, %mul3A_1845 : i32
      %add3A_1847 = arith.constant 80 : i32
      %add3A_1848 = arith.addi %mul3A_1846, %add3A_1847 : i32
      %swap3A_1849 = arith.constant 0 : i32
      %swap3A_1850 = tpu.memref_slice %arg4[%scan3A_675, %swap3A_1849] : memref<2x50176xf32, #tpu.memory_space<vmem>> -> memref<1x50176xf32, #tpu.memory_space<vmem>>
      %swap3A_1851 = tpu.memref_squeeze %swap3A_1850 : memref<1x50176xf32, #tpu.memory_space<vmem>> -> memref<50176xf32, #tpu.memory_space<vmem>>
      %swap3A_1852 = arith.index_cast %add3A_1848 : i32 to index
      %swap3A_1853 = tpu.vector_load %swap3A_1851[%swap3A_1852] {strides = array<i32>} : memref<50176xf32, #tpu.memory_space<vmem>>, vector<16xf32>,
      %swap3A_1854 = vector.shape_cast %swap3A_1853 : vector<16xf32> to vector<16xf32>
      %swap3A_1855 = vector.shape_cast %get3A_660 : vector<16xf32> to vector<16xf32>
      tpu.vector_store %swap3A_1851[%swap3A_1852], %swap3A_1855 {strides = array<i32>} : memref<50176xf32, #tpu.memory_space<vmem>>, vector<16xf32>,
      %mul3A_1856 = arith.constant 128 : i32
      %mul3A_1857 = arith.muli %scan3A_1789, %mul3A_1856 : i32
      %add3A_1858 = arith.constant 96 : i32
      %add3A_1859 = arith.addi %mul3A_1857, %add3A_1858 : i32
      %swap3A_1860 = arith.constant 0 : i32
      %swap3A_1861 = tpu.memref_slice %arg4[%scan3A_675, %swap3A_1860] : memref<2x50176xf32, #tpu.memory_space<vmem>> -> memref<1x50176xf32, #tpu.memory_space<vmem>>
      %swap3A_1862 = tpu.memref_squeeze %swap3A_1861 : memref<1x50176xf32, #tpu.memory_space<vmem>> -> memref<50176xf32, #tpu.memory_space<vmem>>
      %swap3A_1863 = arith.index_cast %add3A_1859 : i32 to index
      %swap3A_1864 = tpu.vector_load %swap3A_1862[%swap3A_1863] {strides = array<i32>} : memref<50176xf32, #tpu.memory_space<vmem>>, vector<16xf32>,
      %swap3A_1865 = vector.shape_cast %swap3A_1864 : vector<16xf32> to vector<16xf32>
      %swap3A_1866 = vector.shape_cast %get3A_667 : vector<16xf32> to vector<16xf32>
      tpu.vector_store %swap3A_1862[%swap3A_1863], %swap3A_1866 {strides = array<i32>} : memref<50176xf32, #tpu.memory_space<vmem>>, vector<16xf32>,
      %mul3A_1867 = arith.constant 128 : i32
      %mul3A_1868 = arith.muli %scan3A_1789, %mul3A_1867 : i32
      %add3A_1869 = arith.constant 112 : i32
      %add3A_1870 = arith.addi %mul3A_1868, %add3A_1869 : i32
      %swap3A_1871 = arith.constant 0 : i32
      %swap3A_1872 = tpu.memref_slice %arg4[%scan3A_675, %swap3A_1871] : memref<2x50176xf32, #tpu.memory_space<vmem>> -> memref<1x50176xf32, #tpu.memory_space<vmem>>
      %swap3A_1873 = tpu.memref_squeeze %swap3A_1872 : memref<1x50176xf32, #tpu.memory_space<vmem>> -> memref<50176xf32, #tpu.memory_space<vmem>>
      %swap3A_1874 = arith.index_cast %add3A_1870 : i32 to index
      %swap3A_1875 = tpu.vector_load %swap3A_1873[%swap3A_1874] {strides = array<i32>} : memref<50176xf32, #tpu.memory_space<vmem>>, vector<16xf32>,
      %swap3A_1876 = vector.shape_cast %swap3A_1875 : vector<16xf32> to vector<16xf32>
      %swap3A_1877 = vector.shape_cast %get3A_674 : vector<16xf32> to vector<16xf32>
      tpu.vector_store %swap3A_1873[%swap3A_1874], %swap3A_1877 {strides = array<i32>} : memref<50176xf32, #tpu.memory_space<vmem>>, vector<16xf32>,
      %scan3A_1878 = arith.constant 0 : i32
      scf.yield %scan3A_1878 : i32
    }
    %scan3A_682 = arith.constant 388 : i32
    %scan3A_683 = arith.addi %scan3A_677, %scan3A_682 : i32
    %mul3A_684 = arith.constant 128 : i32
    %mul3A_685 = arith.muli %scan3A_683, %mul3A_684 : i32
    %add3A_686 = arith.constant 0 : i32
    %add3A_687 = arith.addi %mul3A_685, %add3A_686 : i32
    %swap3A_688 = arith.constant 0 : i32
    %swap3A_689 = tpu.memref_slice %arg4[%scan3A_675, %swap3A_688] : memref<2x50176xf32, #tpu.memory_space<vmem>> -> memref<1x50176xf32, #tpu.memory_space<vmem>>
    %swap3A_690 = tpu.memref_squeeze %swap3A_689 : memref<1x50176xf32, #tpu.memory_space<vmem>> -> memref<50176xf32, #tpu.memory_space<vmem>>
    %swap3A_691 = arith.index_cast %add3A_687 : i32 to index
    %swap3A_692 = tpu.vector_load %swap3A_690[%swap3A_691] {strides = array<i32>} : memref<50176xf32, #tpu.memory_space<vmem>>, vector<16xf32>,
    %swap3A_693 = vector.shape_cast %swap3A_692 : vector<16xf32> to vector<16xf32>
    %swap3A_694 = vector.shape_cast %get3A_625 : vector<16xf32> to vector<16xf32>
    tpu.vector_store %swap3A_690[%swap3A_691], %swap3A_694 {strides = array<i32>} : memref<50176xf32, #tpu.memory_space<vmem>>, vector<16xf32>,
    %mul3A_695 = arith.constant 128 : i32
    %mul3A_696 = arith.muli %scan3A_683, %mul3A_695 : i32
    %add3A_697 = arith.constant 16 : i32
    %add3A_698 = arith.addi %mul3A_696, %add3A_697 : i32
    %swap3A_699 = arith.constant 0 : i32
    %swap3A_700 = tpu.memref_slice %arg4[%scan3A_675, %swap3A_699] : memref<2x50176xf32, #tpu.memory_space<vmem>> -> memref<1x50176xf32, #tpu.memory_space<vmem>>
    %swap3A_701 = tpu.memref_squeeze %swap3A_700 : memref<1x50176xf32, #tpu.memory_space<vmem>> -> memref<50176xf32, #tpu.memory_space<vmem>>
    %swap3A_702 = arith.index_cast %add3A_698 : i32 to index
    %swap3A_703 = tpu.vector_load %swap3A_701[%swap3A_702] {strides = array<i32>} : memref<50176xf32, #tpu.memory_space<vmem>>, vector<16xf32>,
    %swap3A_704 = vector.shape_cast %swap3A_703 : vector<16xf32> to vector<16xf32>
    %swap3A_705 = vector.shape_cast %get3A_632 : vector<16xf32> to vector<16xf32>
    tpu.vector_store %swap3A_701[%swap3A_702], %swap3A_705 {strides = array<i32>} : memref<50176xf32, #tpu.memory_space<vmem>>, vector<16xf32>,
    %mul3A_706 = arith.constant 128 : i32
    %mul3A_707 = arith.muli %scan3A_683, %mul3A_706 : i32
    %add3A_708 = arith.constant 32 : i32
    %add3A_709 = arith.addi %mul3A_707, %add3A_708 : i32
    %swap3A_710 = arith.constant 0 : i32
    %swap3A_711 = tpu.memref_slice %arg4[%scan3A_675, %swap3A_710] : memref<2x50176xf32, #tpu.memory_space<vmem>> -> memref<1x50176xf32, #tpu.memory_space<vmem>>
    %swap3A_712 = tpu.memref_squeeze %swap3A_711 : memref<1x50176xf32, #tpu.memory_space<vmem>> -> memref<50176xf32, #tpu.memory_space<vmem>>
    %swap3A_713 = arith.index_cast %add3A_709 : i32 to index
    %swap3A_714 = tpu.vector_load %swap3A_712[%swap3A_713] {strides = array<i32>} : memref<50176xf32, #tpu.memory_space<vmem>>, vector<16xf32>,
    %swap3A_715 = vector.shape_cast %swap3A_714 : vector<16xf32> to vector<16xf32>
    %swap3A_716 = vector.shape_cast %get3A_639 : vector<16xf32> to vector<16xf32>
    tpu.vector_store %swap3A_712[%swap3A_713], %swap3A_716 {strides = array<i32>} : memref<50176xf32, #tpu.memory_space<vmem>>, vector<16xf32>,
    %mul3A_717 = arith.constant 128 : i32
    %mul3A_718 = arith.muli %scan3A_683, %mul3A_717 : i32
    %add3A_719 = arith.constant 48 : i32
    %add3A_720 = arith.addi %mul3A_718, %add3A_719 : i32
    %swap3A_721 = arith.constant 0 : i32
    %swap3A_722 = tpu.memref_slice %arg4[%scan3A_675, %swap3A_721] : memref<2x50176xf32, #tpu.memory_space<vmem>> -> memref<1x50176xf32, #tpu.memory_space<vmem>>
    %swap3A_723 = tpu.memref_squeeze %swap3A_722 : memref<1x50176xf32, #tpu.memory_space<vmem>> -> memref<50176xf32, #tpu.memory_space<vmem>>
    %swap3A_724 = arith.index_cast %add3A_720 : i32 to index
    %swap3A_725 = tpu.vector_load %swap3A_723[%swap3A_724] {strides = array<i32>} : memref<50176xf32, #tpu.memory_space<vmem>>, vector<16xf32>,
    %swap3A_726 = vector.shape_cast %swap3A_725 : vector<16xf32> to vector<16xf32>
    %swap3A_727 = vector.shape_cast %get3A_646 : vector<16xf32> to vector<16xf32>
    tpu.vector_store %swap3A_723[%swap3A_724], %swap3A_727 {strides = array<i32>} : memref<50176xf32, #tpu.memory_space<vmem>>, vector<16xf32>,
    %mul3A_728 = arith.constant 128 : i32
    %mul3A_729 = arith.muli %scan3A_683, %mul3A_728 : i32
    %add3A_730 = arith.constant 64 : i32
    %add3A_731 = arith.addi %mul3A_729, %add3A_730 : i32
    %swap3A_732 = arith.constant 0 : i32
    %swap3A_733 = tpu.memref_slice %arg4[%scan3A_675, %swap3A_732] : memref<2x50176xf32, #tpu.memory_space<vmem>> -> memref<1x50176xf32, #tpu.memory_space<vmem>>
    %swap3A_734 = tpu.memref_squeeze %swap3A_733 : memref<1x50176xf32, #tpu.memory_space<vmem>> -> memref<50176xf32, #tpu.memory_space<vmem>>
    %swap3A_735 = arith.index_cast %add3A_731 : i32 to index
    %swap3A_736 = tpu.vector_load %swap3A_734[%swap3A_735] {strides = array<i32>} : memref<50176xf32, #tpu.memory_space<vmem>>, vector<16xf32>,
    %swap3A_737 = vector.shape_cast %swap3A_736 : vector<16xf32> to vector<16xf32>
    %swap3A_738 = vector.shape_cast %get3A_653 : vector<16xf32> to vector<16xf32>
    tpu.vector_store %swap3A_734[%swap3A_735], %swap3A_738 {strides = array<i32>} : memref<50176xf32, #tpu.memory_space<vmem>>, vector<16xf32>,
    %mul3A_739 = arith.constant 128 : i32
    %mul3A_740 = arith.muli %scan3A_683, %mul3A_739 : i32
    %add3A_741 = arith.constant 80 : i32
    %add3A_742 = arith.addi %mul3A_740, %add3A_741 : i32
    %swap3A_743 = arith.constant 0 : i32
    %swap3A_744 = tpu.memref_slice %arg4[%scan3A_675, %swap3A_743] : memref<2x50176xf32, #tpu.memory_space<vmem>> -> memref<1x50176xf32, #tpu.memory_space<vmem>>
    %swap3A_745 = tpu.memref_squeeze %swap3A_744 : memref<1x50176xf32, #tpu.memory_space<vmem>> -> memref<50176xf32, #tpu.memory_space<vmem>>
    %swap3A_746 = arith.index_cast %add3A_742 : i32 to index
    %swap3A_747 = tpu.vector_load %swap3A_745[%swap3A_746] {strides = array<i32>} : memref<50176xf32, #tpu.memory_space<vmem>>, vector<16xf32>,
    %swap3A_748 = vector.shape_cast %swap3A_747 : vector<16xf32> to vector<16xf32>
    %swap3A_749 = vector.shape_cast %get3A_660 : vector<16xf32> to vector<16xf32>
    tpu.vector_store %swap3A_745[%swap3A_746], %swap3A_749 {strides = array<i32>} : memref<50176xf32, #tpu.memory_space<vmem>>, vector<16xf32>,
    %mul3A_750 = arith.constant 128 : i32
    %mul3A_751 = arith.muli %scan3A_683, %mul3A_750 : i32
    %add3A_752 = arith.constant 96 : i32
    %add3A_753 = arith.addi %mul3A_751, %add3A_752 : i32
    %swap3A_754 = arith.constant 0 : i32
    %swap3A_755 = tpu.memref_slice %arg4[%scan3A_675, %swap3A_754] : memref<2x50176xf32, #tpu.memory_space<vmem>> -> memref<1x50176xf32, #tpu.memory_space<vmem>>
    %swap3A_756 = tpu.memref_squeeze %swap3A_755 : memref<1x50176xf32, #tpu.memory_space<vmem>> -> memref<50176xf32, #tpu.memory_space<vmem>>
    %swap3A_757 = arith.index_cast %add3A_753 : i32 to index
    %swap3A_758 = tpu.vector_load %swap3A_756[%swap3A_757] {strides = array<i32>} : memref<50176xf32, #tpu.memory_space<vmem>>, vector<16xf32>,
    %swap3A_759 = vector.shape_cast %swap3A_758 : vector<16xf32> to vector<16xf32>
    %swap3A_760 = vector.shape_cast %get3A_667 : vector<16xf32> to vector<16xf32>
    tpu.vector_store %swap3A_756[%swap3A_757], %swap3A_760 {strides = array<i32>} : memref<50176xf32, #tpu.memory_space<vmem>>, vector<16xf32>,
    %mul3A_761 = arith.constant 128 : i32
    %mul3A_762 = arith.muli %scan3A_683, %mul3A_761 : i32
    %add3A_763 = arith.constant 112 : i32
    %add3A_764 = arith.addi %mul3A_762, %add3A_763 : i32
    %swap3A_765 = arith.constant 0 : i32
    %swap3A_766 = tpu.memref_slice %arg4[%scan3A_675, %swap3A_765] : memref<2x50176xf32, #tpu.memory_space<vmem>> -> memref<1x50176xf32, #tpu.memory_space<vmem>>
    %swap3A_767 = tpu.memref_squeeze %swap3A_766 : memref<1x50176xf32, #tpu.memory_space<vmem>> -> memref<50176xf32, #tpu.memory_space<vmem>>
    %swap3A_768 = arith.index_cast %add3A_764 : i32 to index
    %swap3A_769 = tpu.vector_load %swap3A_767[%swap3A_768] {strides = array<i32>} : memref<50176xf32, #tpu.memory_space<vmem>>, vector<16xf32>,
    %swap3A_770 = vector.shape_cast %swap3A_769 : vector<16xf32> to vector<16xf32>
    %swap3A_771 = vector.shape_cast %get3A_674 : vector<16xf32> to vector<16xf32>
    tpu.vector_store %swap3A_767[%swap3A_768], %swap3A_771 {strides = array<i32>} : memref<50176xf32, #tpu.memory_space<vmem>>, vector<16xf32>,
    %scan3A_772 = arith.constant 0 : i32
    %scan3A_773 = arith.constant 389 : i32
    %scan3A_774 = arith.addi %scan3A_677, %scan3A_773 : i32
    %mul3A_775 = arith.constant 128 : i32
    %mul3A_776 = arith.muli %scan3A_774, %mul3A_775 : i32
    %add3A_777 = arith.constant 0 : i32
    %add3A_778 = arith.addi %mul3A_776, %add3A_777 : i32
    %swap3A_779 = arith.constant 0 : i32
    %swap3A_780 = tpu.memref_slice %arg4[%scan3A_675, %swap3A_779] : memref<2x50176xf32, #tpu.memory_space<vmem>> -> memref<1x50176xf32, #tpu.memory_space<vmem>>
    %swap3A_781 = tpu.memref_squeeze %swap3A_780 : memref<1x50176xf32, #tpu.memory_space<vmem>> -> memref<50176xf32, #tpu.memory_space<vmem>>
    %swap3A_782 = arith.index_cast %add3A_778 : i32 to index
    %swap3A_783 = tpu.vector_load %swap3A_781[%swap3A_782] {strides = array<i32>} : memref<50176xf32, #tpu.memory_space<vmem>>, vector<16xf32>,
    %swap3A_784 = vector.shape_cast %swap3A_783 : vector<16xf32> to vector<16xf32>
    %swap3A_785 = vector.shape_cast %get3A_625 : vector<16xf32> to vector<16xf32>
    tpu.vector_store %swap3A_781[%swap3A_782], %swap3A_785 {strides = array<i32>} : memref<50176xf32, #tpu.memory_space<vmem>>, vector<16xf32>,
    %mul3A_786 = arith.constant 128 : i32
    %mul3A_787 = arith.muli %scan3A_774, %mul3A_786 : i32
    %add3A_788 = arith.constant 16 : i32
    %add3A_789 = arith.addi %mul3A_787, %add3A_788 : i32
    %swap3A_790 = arith.constant 0 : i32
    %swap3A_791 = tpu.memref_slice %arg4[%scan3A_675, %swap3A_790] : memref<2x50176xf32, #tpu.memory_space<vmem>> -> memref<1x50176xf32, #tpu.memory_space<vmem>>
    %swap3A_792 = tpu.memref_squeeze %swap3A_791 : memref<1x50176xf32, #tpu.memory_space<vmem>> -> memref<50176xf32, #tpu.memory_space<vmem>>
    %swap3A_793 = arith.index_cast %add3A_789 : i32 to index
    %swap3A_794 = tpu.vector_load %swap3A_792[%swap3A_793] {strides = array<i32>} : memref<50176xf32, #tpu.memory_space<vmem>>, vector<16xf32>,
    %swap3A_795 = vector.shape_cast %swap3A_794 : vector<16xf32> to vector<16xf32>
    %swap3A_796 = vector.shape_cast %get3A_632 : vector<16xf32> to vector<16xf32>
    tpu.vector_store %swap3A_792[%swap3A_793], %swap3A_796 {strides = array<i32>} : memref<50176xf32, #tpu.memory_space<vmem>>, vector<16xf32>,
    %mul3A_797 = arith.constant 128 : i32
    %mul3A_798 = arith.muli %scan3A_774, %mul3A_797 : i32
    %add3A_799 = arith.constant 32 : i32
    %add3A_800 = arith.addi %mul3A_798, %add3A_799 : i32
    %swap3A_801 = arith.constant 0 : i32
    %swap3A_802 = tpu.memref_slice %arg4[%scan3A_675, %swap3A_801] : memref<2x50176xf32, #tpu.memory_space<vmem>> -> memref<1x50176xf32, #tpu.memory_space<vmem>>
    %swap3A_803 = tpu.memref_squeeze %swap3A_802 : memref<1x50176xf32, #tpu.memory_space<vmem>> -> memref<50176xf32, #tpu.memory_space<vmem>>
    %swap3A_804 = arith.index_cast %add3A_800 : i32 to index
    %swap3A_805 = tpu.vector_load %swap3A_803[%swap3A_804] {strides = array<i32>} : memref<50176xf32, #tpu.memory_space<vmem>>, vector<16xf32>,
    %swap3A_806 = vector.shape_cast %swap3A_805 : vector<16xf32> to vector<16xf32>
    %swap3A_807 = vector.shape_cast %get3A_639 : vector<16xf32> to vector<16xf32>
    tpu.vector_store %swap3A_803[%swap3A_804], %swap3A_807 {strides = array<i32>} : memref<50176xf32, #tpu.memory_space<vmem>>, vector<16xf32>,
    %mul3A_808 = arith.constant 128 : i32
    %mul3A_809 = arith.muli %scan3A_774, %mul3A_808 : i32
    %add3A_810 = arith.constant 48 : i32
    %add3A_811 = arith.addi %mul3A_809, %add3A_810 : i32
    %swap3A_812 = arith.constant 0 : i32
    %swap3A_813 = tpu.memref_slice %arg4[%scan3A_675, %swap3A_812] : memref<2x50176xf32, #tpu.memory_space<vmem>> -> memref<1x50176xf32, #tpu.memory_space<vmem>>
    %swap3A_814 = tpu.memref_squeeze %swap3A_813 : memref<1x50176xf32, #tpu.memory_space<vmem>> -> memref<50176xf32, #tpu.memory_space<vmem>>
    %swap3A_815 = arith.index_cast %add3A_811 : i32 to index
    %swap3A_816 = tpu.vector_load %swap3A_814[%swap3A_815] {strides = array<i32>} : memref<50176xf32, #tpu.memory_space<vmem>>, vector<16xf32>,
    %swap3A_817 = vector.shape_cast %swap3A_816 : vector<16xf32> to vector<16xf32>
    %swap3A_818 = vector.shape_cast %get3A_646 : vector<16xf32> to vector<16xf32>
    tpu.vector_store %swap3A_814[%swap3A_815], %swap3A_818 {strides = array<i32>} : memref<50176xf32, #tpu.memory_space<vmem>>, vector<16xf32>,
    %mul3A_819 = arith.constant 128 : i32
    %mul3A_820 = arith.muli %scan3A_774, %mul3A_819 : i32
    %add3A_821 = arith.constant 64 : i32
    %add3A_822 = arith.addi %mul3A_820, %add3A_821 : i32
    %swap3A_823 = arith.constant 0 : i32
    %swap3A_824 = tpu.memref_slice %arg4[%scan3A_675, %swap3A_823] : memref<2x50176xf32, #tpu.memory_space<vmem>> -> memref<1x50176xf32, #tpu.memory_space<vmem>>
    %swap3A_825 = tpu.memref_squeeze %swap3A_824 : memref<1x50176xf32, #tpu.memory_space<vmem>> -> memref<50176xf32, #tpu.memory_space<vmem>>
    %swap3A_826 = arith.index_cast %add3A_822 : i32 to index
    %swap3A_827 = tpu.vector_load %swap3A_825[%swap3A_826] {strides = array<i32>} : memref<50176xf32, #tpu.memory_space<vmem>>, vector<16xf32>,
    %swap3A_828 = vector.shape_cast %swap3A_827 : vector<16xf32> to vector<16xf32>
    %swap3A_829 = vector.shape_cast %get3A_653 : vector<16xf32> to vector<16xf32>
    tpu.vector_store %swap3A_825[%swap3A_826], %swap3A_829 {strides = array<i32>} : memref<50176xf32, #tpu.memory_space<vmem>>, vector<16xf32>,
    %mul3A_830 = arith.constant 128 : i32
    %mul3A_831 = arith.muli %scan3A_774, %mul3A_830 : i32
    %add3A_832 = arith.constant 80 : i32
    %add3A_833 = arith.addi %mul3A_831, %add3A_832 : i32
    %swap3A_834 = arith.constant 0 : i32
    %swap3A_835 = tpu.memref_slice %arg4[%scan3A_675, %swap3A_834] : memref<2x50176xf32, #tpu.memory_space<vmem>> -> memref<1x50176xf32, #tpu.memory_space<vmem>>
    %swap3A_836 = tpu.memref_squeeze %swap3A_835 : memref<1x50176xf32, #tpu.memory_space<vmem>> -> memref<50176xf32, #tpu.memory_space<vmem>>
    %swap3A_837 = arith.index_cast %add3A_833 : i32 to index
    %swap3A_838 = tpu.vector_load %swap3A_836[%swap3A_837] {strides = array<i32>} : memref<50176xf32, #tpu.memory_space<vmem>>, vector<16xf32>,
    %swap3A_839 = vector.shape_cast %swap3A_838 : vector<16xf32> to vector<16xf32>
    %swap3A_840 = vector.shape_cast %get3A_660 : vector<16xf32> to vector<16xf32>
    tpu.vector_store %swap3A_836[%swap3A_837], %swap3A_840 {strides = array<i32>} : memref<50176xf32, #tpu.memory_space<vmem>>, vector<16xf32>,
    %mul3A_841 = arith.constant 128 : i32
    %mul3A_842 = arith.muli %scan3A_774, %mul3A_841 : i32
    %add3A_843 = arith.constant 96 : i32
    %add3A_844 = arith.addi %mul3A_842, %add3A_843 : i32
    %swap3A_845 = arith.constant 0 : i32
    %swap3A_846 = tpu.memref_slice %arg4[%scan3A_675, %swap3A_845] : memref<2x50176xf32, #tpu.memory_space<vmem>> -> memref<1x50176xf32, #tpu.memory_space<vmem>>
    %swap3A_847 = tpu.memref_squeeze %swap3A_846 : memref<1x50176xf32, #tpu.memory_space<vmem>> -> memref<50176xf32, #tpu.memory_space<vmem>>
    %swap3A_848 = arith.index_cast %add3A_844 : i32 to index
    %swap3A_849 = tpu.vector_load %swap3A_847[%swap3A_848] {strides = array<i32>} : memref<50176xf32, #tpu.memory_space<vmem>>, vector<16xf32>,
    %swap3A_850 = vector.shape_cast %swap3A_849 : vector<16xf32> to vector<16xf32>
    %swap3A_851 = vector.shape_cast %get3A_667 : vector<16xf32> to vector<16xf32>
    tpu.vector_store %swap3A_847[%swap3A_848], %swap3A_851 {strides = array<i32>} : memref<50176xf32, #tpu.memory_space<vmem>>, vector<16xf32>,
    %mul3A_852 = arith.constant 128 : i32
    %mul3A_853 = arith.muli %scan3A_774, %mul3A_852 : i32
    %add3A_854 = arith.constant 112 : i32
    %add3A_855 = arith.addi %mul3A_853, %add3A_854 : i32
    %swap3A_856 = arith.constant 0 : i32
    %swap3A_857 = tpu.memref_slice %arg4[%scan3A_675, %swap3A_856] : memref<2x50176xf32, #tpu.memory_space<vmem>> -> memref<1x50176xf32, #tpu.memory_space<vmem>>
    %swap3A_858 = tpu.memref_squeeze %swap3A_857 : memref<1x50176xf32, #tpu.memory_space<vmem>> -> memref<50176xf32, #tpu.memory_space<vmem>>
    %swap3A_859 = arith.index_cast %add3A_855 : i32 to index
    %swap3A_860 = tpu.vector_load %swap3A_858[%swap3A_859] {strides = array<i32>} : memref<50176xf32, #tpu.memory_space<vmem>>, vector<16xf32>,
    %swap3A_861 = vector.shape_cast %swap3A_860 : vector<16xf32> to vector<16xf32>
    %swap3A_862 = vector.shape_cast %get3A_674 : vector<16xf32> to vector<16xf32>
    tpu.vector_store %swap3A_858[%swap3A_859], %swap3A_862 {strides = array<i32>} : memref<50176xf32, #tpu.memory_space<vmem>>, vector<16xf32>,
    %scan3A_863 = arith.constant 0 : i32
    %scan3A_864 = arith.constant 390 : i32
    %scan3A_865 = arith.addi %scan3A_677, %scan3A_864 : i32
    %mul3A_866 = arith.constant 128 : i32
    %mul3A_867 = arith.muli %scan3A_865, %mul3A_866 : i32
    %add3A_868 = arith.constant 0 : i32
    %add3A_869 = arith.addi %mul3A_867, %add3A_868 : i32
    %swap3A_870 = arith.constant 0 : i32
    %swap3A_871 = tpu.memref_slice %arg4[%scan3A_675, %swap3A_870] : memref<2x50176xf32, #tpu.memory_space<vmem>> -> memref<1x50176xf32, #tpu.memory_space<vmem>>
    %swap3A_872 = tpu.memref_squeeze %swap3A_871 : memref<1x50176xf32, #tpu.memory_space<vmem>> -> memref<50176xf32, #tpu.memory_space<vmem>>
    %swap3A_873 = arith.index_cast %add3A_869 : i32 to index
    %swap3A_874 = tpu.vector_load %swap3A_872[%swap3A_873] {strides = array<i32>} : memref<50176xf32, #tpu.memory_space<vmem>>, vector<16xf32>,
    %swap3A_875 = vector.shape_cast %swap3A_874 : vector<16xf32> to vector<16xf32>
    %swap3A_876 = vector.shape_cast %get3A_625 : vector<16xf32> to vector<16xf32>
    tpu.vector_store %swap3A_872[%swap3A_873], %swap3A_876 {strides = array<i32>} : memref<50176xf32, #tpu.memory_space<vmem>>, vector<16xf32>,
    %mul3A_877 = arith.constant 128 : i32
    %mul3A_878 = arith.muli %scan3A_865, %mul3A_877 : i32
    %add3A_879 = arith.constant 16 : i32
    %add3A_880 = arith.addi %mul3A_878, %add3A_879 : i32
    %swap3A_881 = arith.constant 0 : i32
    %swap3A_882 = tpu.memref_slice %arg4[%scan3A_675, %swap3A_881] : memref<2x50176xf32, #tpu.memory_space<vmem>> -> memref<1x50176xf32, #tpu.memory_space<vmem>>
    %swap3A_883 = tpu.memref_squeeze %swap3A_882 : memref<1x50176xf32, #tpu.memory_space<vmem>> -> memref<50176xf32, #tpu.memory_space<vmem>>
    %swap3A_884 = arith.index_cast %add3A_880 : i32 to index
    %swap3A_885 = tpu.vector_load %swap3A_883[%swap3A_884] {strides = array<i32>} : memref<50176xf32, #tpu.memory_space<vmem>>, vector<16xf32>,
    %swap3A_886 = vector.shape_cast %swap3A_885 : vector<16xf32> to vector<16xf32>
    %swap3A_887 = vector.shape_cast %get3A_632 : vector<16xf32> to vector<16xf32>
    tpu.vector_store %swap3A_883[%swap3A_884], %swap3A_887 {strides = array<i32>} : memref<50176xf32, #tpu.memory_space<vmem>>, vector<16xf32>,
    %mul3A_888 = arith.constant 128 : i32
    %mul3A_889 = arith.muli %scan3A_865, %mul3A_888 : i32
    %add3A_890 = arith.constant 32 : i32
    %add3A_891 = arith.addi %mul3A_889, %add3A_890 : i32
    %swap3A_892 = arith.constant 0 : i32
    %swap3A_893 = tpu.memref_slice %arg4[%scan3A_675, %swap3A_892] : memref<2x50176xf32, #tpu.memory_space<vmem>> -> memref<1x50176xf32, #tpu.memory_space<vmem>>
    %swap3A_894 = tpu.memref_squeeze %swap3A_893 : memref<1x50176xf32, #tpu.memory_space<vmem>> -> memref<50176xf32, #tpu.memory_space<vmem>>
    %swap3A_895 = arith.index_cast %add3A_891 : i32 to index
    %swap3A_896 = tpu.vector_load %swap3A_894[%swap3A_895] {strides = array<i32>} : memref<50176xf32, #tpu.memory_space<vmem>>, vector<16xf32>,
    %swap3A_897 = vector.shape_cast %swap3A_896 : vector<16xf32> to vector<16xf32>
    %swap3A_898 = vector.shape_cast %get3A_639 : vector<16xf32> to vector<16xf32>
    tpu.vector_store %swap3A_894[%swap3A_895], %swap3A_898 {strides = array<i32>} : memref<50176xf32, #tpu.memory_space<vmem>>, vector<16xf32>,
    %mul3A_899 = arith.constant 128 : i32
    %mul3A_900 = arith.muli %scan3A_865, %mul3A_899 : i32
    %add3A_901 = arith.constant 48 : i32
    %add3A_902 = arith.addi %mul3A_900, %add3A_901 : i32
    %swap3A_903 = arith.constant 0 : i32
    %swap3A_904 = tpu.memref_slice %arg4[%scan3A_675, %swap3A_903] : memref<2x50176xf32, #tpu.memory_space<vmem>> -> memref<1x50176xf32, #tpu.memory_space<vmem>>
    %swap3A_905 = tpu.memref_squeeze %swap3A_904 : memref<1x50176xf32, #tpu.memory_space<vmem>> -> memref<50176xf32, #tpu.memory_space<vmem>>
    %swap3A_906 = arith.index_cast %add3A_902 : i32 to index
    %swap3A_907 = tpu.vector_load %swap3A_905[%swap3A_906] {strides = array<i32>} : memref<50176xf32, #tpu.memory_space<vmem>>, vector<16xf32>,
    %swap3A_908 = vector.shape_cast %swap3A_907 : vector<16xf32> to vector<16xf32>
    %swap3A_909 = vector.shape_cast %get3A_646 : vector<16xf32> to vector<16xf32>
    tpu.vector_store %swap3A_905[%swap3A_906], %swap3A_909 {strides = array<i32>} : memref<50176xf32, #tpu.memory_space<vmem>>, vector<16xf32>,
    %mul3A_910 = arith.constant 128 : i32
    %mul3A_911 = arith.muli %scan3A_865, %mul3A_910 : i32
    %add3A_912 = arith.constant 64 : i32
    %add3A_913 = arith.addi %mul3A_911, %add3A_912 : i32
    %swap3A_914 = arith.constant 0 : i32
    %swap3A_915 = tpu.memref_slice %arg4[%scan3A_675, %swap3A_914] : memref<2x50176xf32, #tpu.memory_space<vmem>> -> memref<1x50176xf32, #tpu.memory_space<vmem>>
    %swap3A_916 = tpu.memref_squeeze %swap3A_915 : memref<1x50176xf32, #tpu.memory_space<vmem>> -> memref<50176xf32, #tpu.memory_space<vmem>>
    %swap3A_917 = arith.index_cast %add3A_913 : i32 to index
    %swap3A_918 = tpu.vector_load %swap3A_916[%swap3A_917] {strides = array<i32>} : memref<50176xf32, #tpu.memory_space<vmem>>, vector<16xf32>,
    %swap3A_919 = vector.shape_cast %swap3A_918 : vector<16xf32> to vector<16xf32>
    %swap3A_920 = vector.shape_cast %get3A_653 : vector<16xf32> to vector<16xf32>
    tpu.vector_store %swap3A_916[%swap3A_917], %swap3A_920 {strides = array<i32>} : memref<50176xf32, #tpu.memory_space<vmem>>, vector<16xf32>,
    %mul3A_921 = arith.constant 128 : i32
    %mul3A_922 = arith.muli %scan3A_865, %mul3A_921 : i32
    %add3A_923 = arith.constant 80 : i32
    %add3A_924 = arith.addi %mul3A_922, %add3A_923 : i32
    %swap3A_925 = arith.constant 0 : i32
    %swap3A_926 = tpu.memref_slice %arg4[%scan3A_675, %swap3A_925] : memref<2x50176xf32, #tpu.memory_space<vmem>> -> memref<1x50176xf32, #tpu.memory_space<vmem>>
    %swap3A_927 = tpu.memref_squeeze %swap3A_926 : memref<1x50176xf32, #tpu.memory_space<vmem>> -> memref<50176xf32, #tpu.memory_space<vmem>>
    %swap3A_928 = arith.index_cast %add3A_924 : i32 to index
    %swap3A_929 = tpu.vector_load %swap3A_927[%swap3A_928] {strides = array<i32>} : memref<50176xf32, #tpu.memory_space<vmem>>, vector<16xf32>,
    %swap3A_930 = vector.shape_cast %swap3A_929 : vector<16xf32> to vector<16xf32>
    %swap3A_931 = vector.shape_cast %get3A_660 : vector<16xf32> to vector<16xf32>
    tpu.vector_store %swap3A_927[%swap3A_928], %swap3A_931 {strides = array<i32>} : memref<50176xf32, #tpu.memory_space<vmem>>, vector<16xf32>,
    %mul3A_932 = arith.constant 128 : i32
    %mul3A_933 = arith.muli %scan3A_865, %mul3A_932 : i32
    %add3A_934 = arith.constant 96 : i32
    %add3A_935 = arith.addi %mul3A_933, %add3A_934 : i32
    %swap3A_936 = arith.constant 0 : i32
    %swap3A_937 = tpu.memref_slice %arg4[%scan3A_675, %swap3A_936] : memref<2x50176xf32, #tpu.memory_space<vmem>> -> memref<1x50176xf32, #tpu.memory_space<vmem>>
    %swap3A_938 = tpu.memref_squeeze %swap3A_937 : memref<1x50176xf32, #tpu.memory_space<vmem>> -> memref<50176xf32, #tpu.memory_space<vmem>>
    %swap3A_939 = arith.index_cast %add3A_935 : i32 to index
    %swap3A_940 = tpu.vector_load %swap3A_938[%swap3A_939] {strides = array<i32>} : memref<50176xf32, #tpu.memory_space<vmem>>, vector<16xf32>,
    %swap3A_941 = vector.shape_cast %swap3A_940 : vector<16xf32> to vector<16xf32>
    %swap3A_942 = vector.shape_cast %get3A_667 : vector<16xf32> to vector<16xf32>
    tpu.vector_store %swap3A_938[%swap3A_939], %swap3A_942 {strides = array<i32>} : memref<50176xf32, #tpu.memory_space<vmem>>, vector<16xf32>,
    %mul3A_943 = arith.constant 128 : i32
    %mul3A_944 = arith.muli %scan3A_865, %mul3A_943 : i32
    %add3A_945 = arith.constant 112 : i32
    %add3A_946 = arith.addi %mul3A_944, %add3A_945 : i32
    %swap3A_947 = arith.constant 0 : i32
    %swap3A_948 = tpu.memref_slice %arg4[%scan3A_675, %swap3A_947] : memref<2x50176xf32, #tpu.memory_space<vmem>> -> memref<1x50176xf32, #tpu.memory_space<vmem>>
    %swap3A_949 = tpu.memref_squeeze %swap3A_948 : memref<1x50176xf32, #tpu.memory_space<vmem>> -> memref<50176xf32, #tpu.memory_space<vmem>>
    %swap3A_950 = arith.index_cast %add3A_946 : i32 to index
    %swap3A_951 = tpu.vector_load %swap3A_949[%swap3A_950] {strides = array<i32>} : memref<50176xf32, #tpu.memory_space<vmem>>, vector<16xf32>,
    %swap3A_952 = vector.shape_cast %swap3A_951 : vector<16xf32> to vector<16xf32>
    %swap3A_953 = vector.shape_cast %get3A_674 : vector<16xf32> to vector<16xf32>
    tpu.vector_store %swap3A_949[%swap3A_950], %swap3A_953 {strides = array<i32>} : memref<50176xf32, #tpu.memory_space<vmem>>, vector<16xf32>,
    %scan3A_954 = arith.constant 0 : i32
    %scan3A_955 = arith.constant 391 : i32
    %add3A_956 = arith.constant 0 : i32
    %add3A_957 = arith.addi %add3A_956, %add3A_615 : i32
    %mul3A_958 = arith.constant 1568 : i32
    %mul3A_959 = arith.muli %add3A_957, %mul3A_958 : i32
    %add3A_960 = arith.constant 0 : i32
    %add3A_961 = arith.addi %mul3A_959, %add3A_960 : i32
    %mul3A_962 = arith.constant 128 : i32
    %mul3A_963 = arith.muli %add3A_961, %mul3A_962 : i32
    %dma_start3A_964 = arith.constant 1 : i32
    %dma_start3A_965 = arith.constant 0 : i32
    %dma_start3A_966 = tpu.memref_slice %arg4[%dma_start3A_964, %dma_start3A_965] : memref<2x50176xf32, #tpu.memory_space<vmem>> -> memref<1x50176xf32, #tpu.memory_space<vmem>>
    %dma_start3A_967 = tpu.memref_squeeze %dma_start3A_966 : memref<1x50176xf32, #tpu.memory_space<vmem>> -> memref<50176xf32, #tpu.memory_space<vmem>>
    %dma_start3A_968 = tpu.memref_slice %arg3[%mul3A_963] : memref<51380224xf32, #tpu.memory_space<hbm>> -> memref<50176xf32, #tpu.memory_space<hbm>>
    %dma_start3A_969 = tpu.memref_slice %arg3[%mul3A_963] : memref<51380224xf32, #tpu.memory_space<hbm>> -> memref<50176xf32, #tpu.memory_space<hbm>>
    %dma_start3A_970 = arith.constant 0 : i32
    %dma_start3A_971 = tpu.memref_slice %arg4[%dma_start3A_964, %dma_start3A_970] : memref<2x50176xf32, #tpu.memory_space<vmem>> -> memref<1x50176xf32, #tpu.memory_space<vmem>>
    %dma_start3A_972 = tpu.memref_squeeze %dma_start3A_971 : memref<1x50176xf32, #tpu.memory_space<vmem>> -> memref<50176xf32, #tpu.memory_space<vmem>>
    tpu.enqueue_dma source(%dma_start3A_972 : memref<50176xf32, #tpu.memory_space<vmem>>) target(%dma_start3A_969 : memref<50176xf32, #tpu.memory_space<hbm>>) target_semaphore(%arg5 : memref<!tpu.dma_semaphore, #tpu.memory_space<semaphore_mem>>)
    %add3A_973 = arith.constant 0 : i32
    %add3A_974 = arith.addi %add3A_973, %add3A_615 : i32
    %mul3A_975 = arith.constant 1568 : i32
    %mul3A_976 = arith.muli %add3A_974, %mul3A_975 : i32
    %add3A_977 = arith.constant 392 : i32
    %add3A_978 = arith.addi %mul3A_976, %add3A_977 : i32
    %mul3A_979 = arith.constant 128 : i32
    %mul3A_980 = arith.muli %add3A_978, %mul3A_979 : i32
    %dma_start3A_981 = arith.constant 1 : i32
    %dma_start3A_982 = arith.constant 0 : i32
    %dma_start3A_983 = tpu.memref_slice %arg4[%dma_start3A_981, %dma_start3A_982] : memref<2x50176xf32, #tpu.memory_space<vmem>> -> memref<1x50176xf32, #tpu.memory_space<vmem>>
    %dma_start3A_984 = tpu.memref_squeeze %dma_start3A_983 : memref<1x50176xf32, #tpu.memory_space<vmem>> -> memref<50176xf32, #tpu.memory_space<vmem>>
    %dma_start3A_985 = tpu.memref_slice %arg3[%mul3A_980] : memref<51380224xf32, #tpu.memory_space<hbm>> -> memref<50176xf32, #tpu.memory_space<hbm>>
    %dma_start3A_986 = tpu.memref_slice %arg3[%mul3A_980] : memref<51380224xf32, #tpu.memory_space<hbm>> -> memref<50176xf32, #tpu.memory_space<hbm>>
    %dma_start3A_987 = arith.constant 0 : i32
    %dma_start3A_988 = tpu.memref_slice %arg4[%dma_start3A_981, %dma_start3A_987] : memref<2x50176xf32, #tpu.memory_space<vmem>> -> memref<1x50176xf32, #tpu.memory_space<vmem>>
    %dma_start3A_989 = tpu.memref_squeeze %dma_start3A_988 : memref<1x50176xf32, #tpu.memory_space<vmem>> -> memref<50176xf32, #tpu.memory_space<vmem>>
    tpu.enqueue_dma source(%dma_start3A_989 : memref<50176xf32, #tpu.memory_space<vmem>>) target(%dma_start3A_986 : memref<50176xf32, #tpu.memory_space<hbm>>) target_semaphore(%arg5 : memref<!tpu.dma_semaphore, #tpu.memory_space<semaphore_mem>>)
    %add3A_990 = arith.constant 0 : i32
    %add3A_991 = arith.addi %add3A_990, %add3A_615 : i32
    %mul3A_992 = arith.constant 1568 : i32
    %mul3A_993 = arith.muli %add3A_991, %mul3A_992 : i32
    %add3A_994 = arith.constant 784 : i32
    %add3A_995 = arith.addi %mul3A_993, %add3A_994 : i32
    %mul3A_996 = arith.constant 128 : i32
    %mul3A_997 = arith.muli %add3A_995, %mul3A_996 : i32
    %dma_start3A_998 = arith.constant 1 : i32
    %dma_start3A_999 = arith.constant 0 : i32
    %dma_start3A_1000 = tpu.memref_slice %arg4[%dma_start3A_998, %dma_start3A_999] : memref<2x50176xf32, #tpu.memory_space<vmem>> -> memref<1x50176xf32, #tpu.memory_space<vmem>>
    %dma_start3A_1001 = tpu.memref_squeeze %dma_start3A_1000 : memref<1x50176xf32, #tpu.memory_space<vmem>> -> memref<50176xf32, #tpu.memory_space<vmem>>
    %dma_start3A_1002 = tpu.memref_slice %arg3[%mul3A_997] : memref<51380224xf32, #tpu.memory_space<hbm>> -> memref<50176xf32, #tpu.memory_space<hbm>>
    %dma_start3A_1003 = tpu.memref_slice %arg3[%mul3A_997] : memref<51380224xf32, #tpu.memory_space<hbm>> -> memref<50176xf32, #tpu.memory_space<hbm>>
    %dma_start3A_1004 = arith.constant 0 : i32
    %dma_start3A_1005 = tpu.memref_slice %arg4[%dma_start3A_998, %dma_start3A_1004] : memref<2x50176xf32, #tpu.memory_space<vmem>> -> memref<1x50176xf32, #tpu.memory_space<vmem>>
    %dma_start3A_1006 = tpu.memref_squeeze %dma_start3A_1005 : memref<1x50176xf32, #tpu.memory_space<vmem>> -> memref<50176xf32, #tpu.memory_space<vmem>>
    tpu.enqueue_dma source(%dma_start3A_1006 : memref<50176xf32, #tpu.memory_space<vmem>>) target(%dma_start3A_1003 : memref<50176xf32, #tpu.memory_space<hbm>>) target_semaphore(%arg5 : memref<!tpu.dma_semaphore, #tpu.memory_space<semaphore_mem>>)
    %add3A_1007 = arith.constant 0 : i32
    %add3A_1008 = arith.addi %add3A_1007, %add3A_615 : i32
    %mul3A_1009 = arith.constant 1568 : i32
    %mul3A_1010 = arith.muli %add3A_1008, %mul3A_1009 : i32
    %add3A_1011 = arith.constant 1176 : i32
    %add3A_1012 = arith.addi %mul3A_1010, %add3A_1011 : i32
    %mul3A_1013 = arith.constant 128 : i32
    %mul3A_1014 = arith.muli %add3A_1012, %mul3A_1013 : i32
    %dma_start3A_1015 = arith.constant 1 : i32
    %dma_start3A_1016 = arith.constant 0 : i32
    %dma_start3A_1017 = tpu.memref_slice %arg4[%dma_start3A_1015, %dma_start3A_1016] : memref<2x50176xf32, #tpu.memory_space<vmem>> -> memref<1x50176xf32, #tpu.memory_space<vmem>>
    %dma_start3A_1018 = tpu.memref_squeeze %dma_start3A_1017 : memref<1x50176xf32, #tpu.memory_space<vmem>> -> memref<50176xf32, #tpu.memory_space<vmem>>
    %dma_start3A_1019 = tpu.memref_slice %arg3[%mul3A_1014] : memref<51380224xf32, #tpu.memory_space<hbm>> -> memref<50176xf32, #tpu.memory_space<hbm>>
    %dma_start3A_1020 = tpu.memref_slice %arg3[%mul3A_1014] : memref<51380224xf32, #tpu.memory_space<hbm>> -> memref<50176xf32, #tpu.memory_space<hbm>>
    %dma_start3A_1021 = arith.constant 0 : i32
    %dma_start3A_1022 = tpu.memref_slice %arg4[%dma_start3A_1015, %dma_start3A_1021] : memref<2x50176xf32, #tpu.memory_space<vmem>> -> memref<1x50176xf32, #tpu.memory_space<vmem>>
    %dma_start3A_1023 = tpu.memref_squeeze %dma_start3A_1022 : memref<1x50176xf32, #tpu.memory_space<vmem>> -> memref<50176xf32, #tpu.memory_space<vmem>>
    tpu.enqueue_dma source(%dma_start3A_1023 : memref<50176xf32, #tpu.memory_space<vmem>>) target(%dma_start3A_1020 : memref<50176xf32, #tpu.memory_space<hbm>>) target_semaphore(%arg5 : memref<!tpu.dma_semaphore, #tpu.memory_space<semaphore_mem>>)
    %add3A_1024 = arith.constant 64 : i32
    %add3A_1025 = arith.addi %add3A_1024, %add3A_615 : i32
    %mul3A_1026 = arith.constant 1568 : i32
    %mul3A_1027 = arith.muli %add3A_1025, %mul3A_1026 : i32
    %add3A_1028 = arith.constant 0 : i32
    %add3A_1029 = arith.addi %mul3A_1027, %add3A_1028 : i32
    %mul3A_1030 = arith.constant 128 : i32
    %mul3A_1031 = arith.muli %add3A_1029, %mul3A_1030 : i32
    %dma_start3A_1032 = arith.constant 1 : i32
    %dma_start3A_1033 = arith.constant 0 : i32
    %dma_start3A_1034 = tpu.memref_slice %arg4[%dma_start3A_1032, %dma_start3A_1033] : memref<2x50176xf32, #tpu.memory_space<vmem>> -> memref<1x50176xf32, #tpu.memory_space<vmem>>
    %dma_start3A_1035 = tpu.memref_squeeze %dma_start3A_1034 : memref<1x50176xf32, #tpu.memory_space<vmem>> -> memref<50176xf32, #tpu.memory_space<vmem>>
    %dma_start3A_1036 = tpu.memref_slice %arg3[%mul3A_1031] : memref<51380224xf32, #tpu.memory_space<hbm>> -> memref<50176xf32, #tpu.memory_space<hbm>>
    %dma_start3A_1037 = tpu.memref_slice %arg3[%mul3A_1031] : memref<51380224xf32, #tpu.memory_space<hbm>> -> memref<50176xf32, #tpu.memory_space<hbm>>
    %dma_start3A_1038 = arith.constant 0 : i32
    %dma_start3A_1039 = tpu.memref_slice %arg4[%dma_start3A_1032, %dma_start3A_1038] : memref<2x50176xf32, #tpu.memory_space<vmem>> -> memref<1x50176xf32, #tpu.memory_space<vmem>>
    %dma_start3A_1040 = tpu.memref_squeeze %dma_start3A_1039 : memref<1x50176xf32, #tpu.memory_space<vmem>> -> memref<50176xf32, #tpu.memory_space<vmem>>
    tpu.enqueue_dma source(%dma_start3A_1040 : memref<50176xf32, #tpu.memory_space<vmem>>) target(%dma_start3A_1037 : memref<50176xf32, #tpu.memory_space<hbm>>) target_semaphore(%arg5 : memref<!tpu.dma_semaphore, #tpu.memory_space<semaphore_mem>>)
    %add3A_1041 = arith.constant 64 : i32
    %add3A_1042 = arith.addi %add3A_1041, %add3A_615 : i32
    %mul3A_1043 = arith.constant 1568 : i32
    %mul3A_1044 = arith.muli %add3A_1042, %mul3A_1043 : i32
    %add3A_1045 = arith.constant 392 : i32
    %add3A_1046 = arith.addi %mul3A_1044, %add3A_1045 : i32
    %mul3A_1047 = arith.constant 128 : i32
    %mul3A_1048 = arith.muli %add3A_1046, %mul3A_1047 : i32
    %dma_start3A_1049 = arith.constant 1 : i32
    %dma_start3A_1050 = arith.constant 0 : i32
    %dma_start3A_1051 = tpu.memref_slice %arg4[%dma_start3A_1049, %dma_start3A_1050] : memref<2x50176xf32, #tpu.memory_space<vmem>> -> memref<1x50176xf32, #tpu.memory_space<vmem>>
    %dma_start3A_1052 = tpu.memref_squeeze %dma_start3A_1051 : memref<1x50176xf32, #tpu.memory_space<vmem>> -> memref<50176xf32, #tpu.memory_space<vmem>>
    %dma_start3A_1053 = tpu.memref_slice %arg3[%mul3A_1048] : memref<51380224xf32, #tpu.memory_space<hbm>> -> memref<50176xf32, #tpu.memory_space<hbm>>
    %dma_start3A_1054 = tpu.memref_slice %arg3[%mul3A_1048] : memref<51380224xf32, #tpu.memory_space<hbm>> -> memref<50176xf32, #tpu.memory_space<hbm>>
    %dma_start3A_1055 = arith.constant 0 : i32
    %dma_start3A_1056 = tpu.memref_slice %arg4[%dma_start3A_1049, %dma_start3A_1055] : memref<2x50176xf32, #tpu.memory_space<vmem>> -> memref<1x50176xf32, #tpu.memory_space<vmem>>
    %dma_start3A_1057 = tpu.memref_squeeze %dma_start3A_1056 : memref<1x50176xf32, #tpu.memory_space<vmem>> -> memref<50176xf32, #tpu.memory_space<vmem>>
    tpu.enqueue_dma source(%dma_start3A_1057 : memref<50176xf32, #tpu.memory_space<vmem>>) target(%dma_start3A_1054 : memref<50176xf32, #tpu.memory_space<hbm>>) target_semaphore(%arg5 : memref<!tpu.dma_semaphore, #tpu.memory_space<semaphore_mem>>)
    %add3A_1058 = arith.constant 64 : i32
    %add3A_1059 = arith.addi %add3A_1058, %add3A_615 : i32
    %mul3A_1060 = arith.constant 1568 : i32
    %mul3A_1061 = arith.muli %add3A_1059, %mul3A_1060 : i32
    %add3A_1062 = arith.constant 784 : i32
    %add3A_1063 = arith.addi %mul3A_1061, %add3A_1062 : i32
    %mul3A_1064 = arith.constant 128 : i32
    %mul3A_1065 = arith.muli %add3A_1063, %mul3A_1064 : i32
    %dma_start3A_1066 = arith.constant 1 : i32
    %dma_start3A_1067 = arith.constant 0 : i32
    %dma_start3A_1068 = tpu.memref_slice %arg4[%dma_start3A_1066, %dma_start3A_1067] : memref<2x50176xf32, #tpu.memory_space<vmem>> -> memref<1x50176xf32, #tpu.memory_space<vmem>>
    %dma_start3A_1069 = tpu.memref_squeeze %dma_start3A_1068 : memref<1x50176xf32, #tpu.memory_space<vmem>> -> memref<50176xf32, #tpu.memory_space<vmem>>
    %dma_start3A_1070 = tpu.memref_slice %arg3[%mul3A_1065] : memref<51380224xf32, #tpu.memory_space<hbm>> -> memref<50176xf32, #tpu.memory_space<hbm>>
    %dma_start3A_1071 = tpu.memref_slice %arg3[%mul3A_1065] : memref<51380224xf32, #tpu.memory_space<hbm>> -> memref<50176xf32, #tpu.memory_space<hbm>>
    %dma_start3A_1072 = arith.constant 0 : i32
    %dma_start3A_1073 = tpu.memref_slice %arg4[%dma_start3A_1066, %dma_start3A_1072] : memref<2x50176xf32, #tpu.memory_space<vmem>> -> memref<1x50176xf32, #tpu.memory_space<vmem>>
    %dma_start3A_1074 = tpu.memref_squeeze %dma_start3A_1073 : memref<1x50176xf32, #tpu.memory_space<vmem>> -> memref<50176xf32, #tpu.memory_space<vmem>>
    tpu.enqueue_dma source(%dma_start3A_1074 : memref<50176xf32, #tpu.memory_space<vmem>>) target(%dma_start3A_1071 : memref<50176xf32, #tpu.memory_space<hbm>>) target_semaphore(%arg5 : memref<!tpu.dma_semaphore, #tpu.memory_space<semaphore_mem>>)
    %add3A_1075 = arith.constant 64 : i32
    %add3A_1076 = arith.addi %add3A_1075, %add3A_615 : i32
    %mul3A_1077 = arith.constant 1568 : i32
    %mul3A_1078 = arith.muli %add3A_1076, %mul3A_1077 : i32
    %add3A_1079 = arith.constant 1176 : i32
    %add3A_1080 = arith.addi %mul3A_1078, %add3A_1079 : i32
    %mul3A_1081 = arith.constant 128 : i32
    %mul3A_1082 = arith.muli %add3A_1080, %mul3A_1081 : i32
    %dma_start3A_1083 = arith.constant 1 : i32
    %dma_start3A_1084 = arith.constant 0 : i32
    %dma_start3A_1085 = tpu.memref_slice %arg4[%dma_start3A_1083, %dma_start3A_1084] : memref<2x50176xf32, #tpu.memory_space<vmem>> -> memref<1x50176xf32, #tpu.memory_space<vmem>>
    %dma_start3A_1086 = tpu.memref_squeeze %dma_start3A_1085 : memref<1x50176xf32, #tpu.memory_space<vmem>> -> memref<50176xf32, #tpu.memory_space<vmem>>
    %dma_start3A_1087 = tpu.memref_slice %arg3[%mul3A_1082] : memref<51380224xf32, #tpu.memory_space<hbm>> -> memref<50176xf32, #tpu.memory_space<hbm>>
    %dma_start3A_1088 = tpu.memref_slice %arg3[%mul3A_1082] : memref<51380224xf32, #tpu.memory_space<hbm>> -> memref<50176xf32, #tpu.memory_space<hbm>>
    %dma_start3A_1089 = arith.constant 0 : i32
    %dma_start3A_1090 = tpu.memref_slice %arg4[%dma_start3A_1083, %dma_start3A_1089] : memref<2x50176xf32, #tpu.memory_space<vmem>> -> memref<1x50176xf32, #tpu.memory_space<vmem>>
    %dma_start3A_1091 = tpu.memref_squeeze %dma_start3A_1090 : memref<1x50176xf32, #tpu.memory_space<vmem>> -> memref<50176xf32, #tpu.memory_space<vmem>>
    tpu.enqueue_dma source(%dma_start3A_1091 : memref<50176xf32, #tpu.memory_space<vmem>>) target(%dma_start3A_1088 : memref<50176xf32, #tpu.memory_space<hbm>>) target_semaphore(%arg5 : memref<!tpu.dma_semaphore, #tpu.memory_space<semaphore_mem>>)
    %add3A_1092 = arith.constant 128 : i32
    %add3A_1093 = arith.addi %add3A_1092, %add3A_615 : i32
    %mul3A_1094 = arith.constant 1568 : i32
    %mul3A_1095 = arith.muli %add3A_1093, %mul3A_1094 : i32
    %add3A_1096 = arith.constant 0 : i32
    %add3A_1097 = arith.addi %mul3A_1095, %add3A_1096 : i32
    %mul3A_1098 = arith.constant 128 : i32
    %mul3A_1099 = arith.muli %add3A_1097, %mul3A_1098 : i32
    %dma_start3A_1100 = arith.constant 1 : i32
    %dma_start3A_1101 = arith.constant 0 : i32
    %dma_start3A_1102 = tpu.memref_slice %arg4[%dma_start3A_1100, %dma_start3A_1101] : memref<2x50176xf32, #tpu.memory_space<vmem>> -> memref<1x50176xf32, #tpu.memory_space<vmem>>
    %dma_start3A_1103 = tpu.memref_squeeze %dma_start3A_1102 : memref<1x50176xf32, #tpu.memory_space<vmem>> -> memref<50176xf32, #tpu.memory_space<vmem>>
    %dma_start3A_1104 = tpu.memref_slice %arg3[%mul3A_1099] : memref<51380224xf32, #tpu.memory_space<hbm>> -> memref<50176xf32, #tpu.memory_space<hbm>>
    %dma_start3A_1105 = tpu.memref_slice %arg3[%mul3A_1099] : memref<51380224xf32, #tpu.memory_space<hbm>> -> memref<50176xf32, #tpu.memory_space<hbm>>
    %dma_start3A_1106 = arith.constant 0 : i32
    %dma_start3A_1107 = tpu.memref_slice %arg4[%dma_start3A_1100, %dma_start3A_1106] : memref<2x50176xf32, #tpu.memory_space<vmem>> -> memref<1x50176xf32, #tpu.memory_space<vmem>>
    %dma_start3A_1108 = tpu.memref_squeeze %dma_start3A_1107 : memref<1x50176xf32, #tpu.memory_space<vmem>> -> memref<50176xf32, #tpu.memory_space<vmem>>
    tpu.enqueue_dma source(%dma_start3A_1108 : memref<50176xf32, #tpu.memory_space<vmem>>) target(%dma_start3A_1105 : memref<50176xf32, #tpu.memory_space<hbm>>) target_semaphore(%arg5 : memref<!tpu.dma_semaphore, #tpu.memory_space<semaphore_mem>>)
    %add3A_1109 = arith.constant 128 : i32
    %add3A_1110 = arith.addi %add3A_1109, %add3A_615 : i32
    %mul3A_1111 = arith.constant 1568 : i32
    %mul3A_1112 = arith.muli %add3A_1110, %mul3A_1111 : i32
    %add3A_1113 = arith.constant 392 : i32
    %add3A_1114 = arith.addi %mul3A_1112, %add3A_1113 : i32
    %mul3A_1115 = arith.constant 128 : i32
    %mul3A_1116 = arith.muli %add3A_1114, %mul3A_1115 : i32
    %dma_start3A_1117 = arith.constant 1 : i32
    %dma_start3A_1118 = arith.constant 0 : i32
    %dma_start3A_1119 = tpu.memref_slice %arg4[%dma_start3A_1117, %dma_start3A_1118] : memref<2x50176xf32, #tpu.memory_space<vmem>> -> memref<1x50176xf32, #tpu.memory_space<vmem>>
    %dma_start3A_1120 = tpu.memref_squeeze %dma_start3A_1119 : memref<1x50176xf32, #tpu.memory_space<vmem>> -> memref<50176xf32, #tpu.memory_space<vmem>>
    %dma_start3A_1121 = tpu.memref_slice %arg3[%mul3A_1116] : memref<51380224xf32, #tpu.memory_space<hbm>> -> memref<50176xf32, #tpu.memory_space<hbm>>
    %dma_start3A_1122 = tpu.memref_slice %arg3[%mul3A_1116] : memref<51380224xf32, #tpu.memory_space<hbm>> -> memref<50176xf32, #tpu.memory_space<hbm>>
    %dma_start3A_1123 = arith.constant 0 : i32
    %dma_start3A_1124 = tpu.memref_slice %arg4[%dma_start3A_1117, %dma_start3A_1123] : memref<2x50176xf32, #tpu.memory_space<vmem>> -> memref<1x50176xf32, #tpu.memory_space<vmem>>
    %dma_start3A_1125 = tpu.memref_squeeze %dma_start3A_1124 : memref<1x50176xf32, #tpu.memory_space<vmem>> -> memref<50176xf32, #tpu.memory_space<vmem>>
    tpu.enqueue_dma source(%dma_start3A_1125 : memref<50176xf32, #tpu.memory_space<vmem>>) target(%dma_start3A_1122 : memref<50176xf32, #tpu.memory_space<hbm>>) target_semaphore(%arg5 : memref<!tpu.dma_semaphore, #tpu.memory_space<semaphore_mem>>)
    %add3A_1126 = arith.constant 128 : i32
    %add3A_1127 = arith.addi %add3A_1126, %add3A_615 : i32
    %mul3A_1128 = arith.constant 1568 : i32
    %mul3A_1129 = arith.muli %add3A_1127, %mul3A_1128 : i32
    %add3A_1130 = arith.constant 784 : i32
    %add3A_1131 = arith.addi %mul3A_1129, %add3A_1130 : i32
    %mul3A_1132 = arith.constant 128 : i32
    %mul3A_1133 = arith.muli %add3A_1131, %mul3A_1132 : i32
    %dma_start3A_1134 = arith.constant 1 : i32
    %dma_start3A_1135 = arith.constant 0 : i32
    %dma_start3A_1136 = tpu.memref_slice %arg4[%dma_start3A_1134, %dma_start3A_1135] : memref<2x50176xf32, #tpu.memory_space<vmem>> -> memref<1x50176xf32, #tpu.memory_space<vmem>>
    %dma_start3A_1137 = tpu.memref_squeeze %dma_start3A_1136 : memref<1x50176xf32, #tpu.memory_space<vmem>> -> memref<50176xf32, #tpu.memory_space<vmem>>
    %dma_start3A_1138 = tpu.memref_slice %arg3[%mul3A_1133] : memref<51380224xf32, #tpu.memory_space<hbm>> -> memref<50176xf32, #tpu.memory_space<hbm>>
    %dma_start3A_1139 = tpu.memref_slice %arg3[%mul3A_1133] : memref<51380224xf32, #tpu.memory_space<hbm>> -> memref<50176xf32, #tpu.memory_space<hbm>>
    %dma_start3A_1140 = arith.constant 0 : i32
    %dma_start3A_1141 = tpu.memref_slice %arg4[%dma_start3A_1134, %dma_start3A_1140] : memref<2x50176xf32, #tpu.memory_space<vmem>> -> memref<1x50176xf32, #tpu.memory_space<vmem>>
    %dma_start3A_1142 = tpu.memref_squeeze %dma_start3A_1141 : memref<1x50176xf32, #tpu.memory_space<vmem>> -> memref<50176xf32, #tpu.memory_space<vmem>>
    tpu.enqueue_dma source(%dma_start3A_1142 : memref<50176xf32, #tpu.memory_space<vmem>>) target(%dma_start3A_1139 : memref<50176xf32, #tpu.memory_space<hbm>>) target_semaphore(%arg5 : memref<!tpu.dma_semaphore, #tpu.memory_space<semaphore_mem>>)
    %add3A_1143 = arith.constant 128 : i32
    %add3A_1144 = arith.addi %add3A_1143, %add3A_615 : i32
    %mul3A_1145 = arith.constant 1568 : i32
    %mul3A_1146 = arith.muli %add3A_1144, %mul3A_1145 : i32
    %add3A_1147 = arith.constant 1176 : i32
    %add3A_1148 = arith.addi %mul3A_1146, %add3A_1147 : i32
    %mul3A_1149 = arith.constant 128 : i32
    %mul3A_1150 = arith.muli %add3A_1148, %mul3A_1149 : i32
    %dma_start3A_1151 = arith.constant 1 : i32
    %dma_start3A_1152 = arith.constant 0 : i32
    %dma_start3A_1153 = tpu.memref_slice %arg4[%dma_start3A_1151, %dma_start3A_1152] : memref<2x50176xf32, #tpu.memory_space<vmem>> -> memref<1x50176xf32, #tpu.memory_space<vmem>>
    %dma_start3A_1154 = tpu.memref_squeeze %dma_start3A_1153 : memref<1x50176xf32, #tpu.memory_space<vmem>> -> memref<50176xf32, #tpu.memory_space<vmem>>
    %dma_start3A_1155 = tpu.memref_slice %arg3[%mul3A_1150] : memref<51380224xf32, #tpu.memory_space<hbm>> -> memref<50176xf32, #tpu.memory_space<hbm>>
    %dma_start3A_1156 = tpu.memref_slice %arg3[%mul3A_1150] : memref<51380224xf32, #tpu.memory_space<hbm>> -> memref<50176xf32, #tpu.memory_space<hbm>>
    %dma_start3A_1157 = arith.constant 0 : i32
    %dma_start3A_1158 = tpu.memref_slice %arg4[%dma_start3A_1151, %dma_start3A_1157] : memref<2x50176xf32, #tpu.memory_space<vmem>> -> memref<1x50176xf32, #tpu.memory_space<vmem>>
    %dma_start3A_1159 = tpu.memref_squeeze %dma_start3A_1158 : memref<1x50176xf32, #tpu.memory_space<vmem>> -> memref<50176xf32, #tpu.memory_space<vmem>>
    tpu.enqueue_dma source(%dma_start3A_1159 : memref<50176xf32, #tpu.memory_space<vmem>>) target(%dma_start3A_1156 : memref<50176xf32, #tpu.memory_space<hbm>>) target_semaphore(%arg5 : memref<!tpu.dma_semaphore, #tpu.memory_space<semaphore_mem>>)
    %add3A_1160 = arith.constant 192 : i32
    %add3A_1161 = arith.addi %add3A_1160, %add3A_615 : i32
    %mul3A_1162 = arith.constant 1568 : i32
    %mul3A_1163 = arith.muli %add3A_1161, %mul3A_1162 : i32
    %add3A_1164 = arith.constant 0 : i32
    %add3A_1165 = arith.addi %mul3A_1163, %add3A_1164 : i32
    %mul3A_1166 = arith.constant 128 : i32
    %mul3A_1167 = arith.muli %add3A_1165, %mul3A_1166 : i32
    %dma_start3A_1168 = arith.constant 1 : i32
    %dma_start3A_1169 = arith.constant 0 : i32
    %dma_start3A_1170 = tpu.memref_slice %arg4[%dma_start3A_1168, %dma_start3A_1169] : memref<2x50176xf32, #tpu.memory_space<vmem>> -> memref<1x50176xf32, #tpu.memory_space<vmem>>
    %dma_start3A_1171 = tpu.memref_squeeze %dma_start3A_1170 : memref<1x50176xf32, #tpu.memory_space<vmem>> -> memref<50176xf32, #tpu.memory_space<vmem>>
    %dma_start3A_1172 = tpu.memref_slice %arg3[%mul3A_1167] : memref<51380224xf32, #tpu.memory_space<hbm>> -> memref<50176xf32, #tpu.memory_space<hbm>>
    %dma_start3A_1173 = tpu.memref_slice %arg3[%mul3A_1167] : memref<51380224xf32, #tpu.memory_space<hbm>> -> memref<50176xf32, #tpu.memory_space<hbm>>
    %dma_start3A_1174 = arith.constant 0 : i32
    %dma_start3A_1175 = tpu.memref_slice %arg4[%dma_start3A_1168, %dma_start3A_1174] : memref<2x50176xf32, #tpu.memory_space<vmem>> -> memref<1x50176xf32, #tpu.memory_space<vmem>>
    %dma_start3A_1176 = tpu.memref_squeeze %dma_start3A_1175 : memref<1x50176xf32, #tpu.memory_space<vmem>> -> memref<50176xf32, #tpu.memory_space<vmem>>
    tpu.enqueue_dma source(%dma_start3A_1176 : memref<50176xf32, #tpu.memory_space<vmem>>) target(%dma_start3A_1173 : memref<50176xf32, #tpu.memory_space<hbm>>) target_semaphore(%arg5 : memref<!tpu.dma_semaphore, #tpu.memory_space<semaphore_mem>>)
    %add3A_1177 = arith.constant 192 : i32
    %add3A_1178 = arith.addi %add3A_1177, %add3A_615 : i32
    %mul3A_1179 = arith.constant 1568 : i32
    %mul3A_1180 = arith.muli %add3A_1178, %mul3A_1179 : i32
    %add3A_1181 = arith.constant 392 : i32
    %add3A_1182 = arith.addi %mul3A_1180, %add3A_1181 : i32
    %mul3A_1183 = arith.constant 128 : i32
    %mul3A_1184 = arith.muli %add3A_1182, %mul3A_1183 : i32
    %dma_start3A_1185 = arith.constant 1 : i32
    %dma_start3A_1186 = arith.constant 0 : i32
    %dma_start3A_1187 = tpu.memref_slice %arg4[%dma_start3A_1185, %dma_start3A_1186] : memref<2x50176xf32, #tpu.memory_space<vmem>> -> memref<1x50176xf32, #tpu.memory_space<vmem>>
    %dma_start3A_1188 = tpu.memref_squeeze %dma_start3A_1187 : memref<1x50176xf32, #tpu.memory_space<vmem>> -> memref<50176xf32, #tpu.memory_space<vmem>>
    %dma_start3A_1189 = tpu.memref_slice %arg3[%mul3A_1184] : memref<51380224xf32, #tpu.memory_space<hbm>> -> memref<50176xf32, #tpu.memory_space<hbm>>
    %dma_start3A_1190 = tpu.memref_slice %arg3[%mul3A_1184] : memref<51380224xf32, #tpu.memory_space<hbm>> -> memref<50176xf32, #tpu.memory_space<hbm>>
    %dma_start3A_1191 = arith.constant 0 : i32
    %dma_start3A_1192 = tpu.memref_slice %arg4[%dma_start3A_1185, %dma_start3A_1191] : memref<2x50176xf32, #tpu.memory_space<vmem>> -> memref<1x50176xf32, #tpu.memory_space<vmem>>
    %dma_start3A_1193 = tpu.memref_squeeze %dma_start3A_1192 : memref<1x50176xf32, #tpu.memory_space<vmem>> -> memref<50176xf32, #tpu.memory_space<vmem>>
    tpu.enqueue_dma source(%dma_start3A_1193 : memref<50176xf32, #tpu.memory_space<vmem>>) target(%dma_start3A_1190 : memref<50176xf32, #tpu.memory_space<hbm>>) target_semaphore(%arg5 : memref<!tpu.dma_semaphore, #tpu.memory_space<semaphore_mem>>)
    %add3A_1194 = arith.constant 192 : i32
    %add3A_1195 = arith.addi %add3A_1194, %add3A_615 : i32
    %mul3A_1196 = arith.constant 1568 : i32
    %mul3A_1197 = arith.muli %add3A_1195, %mul3A_1196 : i32
    %add3A_1198 = arith.constant 784 : i32
    %add3A_1199 = arith.addi %mul3A_1197, %add3A_1198 : i32
    %mul3A_1200 = arith.constant 128 : i32
    %mul3A_1201 = arith.muli %add3A_1199, %mul3A_1200 : i32
    %dma_start3A_1202 = arith.constant 1 : i32
    %dma_start3A_1203 = arith.constant 0 : i32
    %dma_start3A_1204 = tpu.memref_slice %arg4[%dma_start3A_1202, %dma_start3A_1203] : memref<2x50176xf32, #tpu.memory_space<vmem>> -> memref<1x50176xf32, #tpu.memory_space<vmem>>
    %dma_start3A_1205 = tpu.memref_squeeze %dma_start3A_1204 : memref<1x50176xf32, #tpu.memory_space<vmem>> -> memref<50176xf32, #tpu.memory_space<vmem>>
    %dma_start3A_1206 = tpu.memref_slice %arg3[%mul3A_1201] : memref<51380224xf32, #tpu.memory_space<hbm>> -> memref<50176xf32, #tpu.memory_space<hbm>>
    %dma_start3A_1207 = tpu.memref_slice %arg3[%mul3A_1201] : memref<51380224xf32, #tpu.memory_space<hbm>> -> memref<50176xf32, #tpu.memory_space<hbm>>
    %dma_start3A_1208 = arith.constant 0 : i32
    %dma_start3A_1209 = tpu.memref_slice %arg4[%dma_start3A_1202, %dma_start3A_1208] : memref<2x50176xf32, #tpu.memory_space<vmem>> -> memref<1x50176xf32, #tpu.memory_space<vmem>>
    %dma_start3A_1210 = tpu.memref_squeeze %dma_start3A_1209 : memref<1x50176xf32, #tpu.memory_space<vmem>> -> memref<50176xf32, #tpu.memory_space<vmem>>
    tpu.enqueue_dma source(%dma_start3A_1210 : memref<50176xf32, #tpu.memory_space<vmem>>) target(%dma_start3A_1207 : memref<50176xf32, #tpu.memory_space<hbm>>) target_semaphore(%arg5 : memref<!tpu.dma_semaphore, #tpu.memory_space<semaphore_mem>>)
    %add3A_1211 = arith.constant 192 : i32
    %add3A_1212 = arith.addi %add3A_1211, %add3A_615 : i32
    %mul3A_1213 = arith.constant 1568 : i32
    %mul3A_1214 = arith.muli %add3A_1212, %mul3A_1213 : i32
    %add3A_1215 = arith.constant 1176 : i32
    %add3A_1216 = arith.addi %mul3A_1214, %add3A_1215 : i32
    %mul3A_1217 = arith.constant 128 : i32
    %mul3A_1218 = arith.muli %add3A_1216, %mul3A_1217 : i32
    %dma_start3A_1219 = arith.constant 1 : i32
    %dma_start3A_1220 = arith.constant 0 : i32
    %dma_start3A_1221 = tpu.memref_slice %arg4[%dma_start3A_1219, %dma_start3A_1220] : memref<2x50176xf32, #tpu.memory_space<vmem>> -> memref<1x50176xf32, #tpu.memory_space<vmem>>
    %dma_start3A_1222 = tpu.memref_squeeze %dma_start3A_1221 : memref<1x50176xf32, #tpu.memory_space<vmem>> -> memref<50176xf32, #tpu.memory_space<vmem>>
    %dma_start3A_1223 = tpu.memref_slice %arg3[%mul3A_1218] : memref<51380224xf32, #tpu.memory_space<hbm>> -> memref<50176xf32, #tpu.memory_space<hbm>>
    %dma_start3A_1224 = tpu.memref_slice %arg3[%mul3A_1218] : memref<51380224xf32, #tpu.memory_space<hbm>> -> memref<50176xf32, #tpu.memory_space<hbm>>
    %dma_start3A_1225 = arith.constant 0 : i32
    %dma_start3A_1226 = tpu.memref_slice %arg4[%dma_start3A_1219, %dma_start3A_1225] : memref<2x50176xf32, #tpu.memory_space<vmem>> -> memref<1x50176xf32, #tpu.memory_space<vmem>>
    %dma_start3A_1227 = tpu.memref_squeeze %dma_start3A_1226 : memref<1x50176xf32, #tpu.memory_space<vmem>> -> memref<50176xf32, #tpu.memory_space<vmem>>
    tpu.enqueue_dma source(%dma_start3A_1227 : memref<50176xf32, #tpu.memory_space<vmem>>) target(%dma_start3A_1224 : memref<50176xf32, #tpu.memory_space<hbm>>) target_semaphore(%arg5 : memref<!tpu.dma_semaphore, #tpu.memory_space<semaphore_mem>>)
    %dma_wait3A = arith.constant 0 : i32
    %dma_wait3A_1228 = arith.constant 0 : i32
    %dma_wait3A_1229 = tpu.memref_slice %arg4[%dma_wait3A, %dma_wait3A_1228] : memref<2x50176xf32, #tpu.memory_space<vmem>> -> memref<1x50176xf32, #tpu.memory_space<vmem>>
    %dma_wait3A_1230 = tpu.memref_squeeze %dma_wait3A_1229 : memref<1x50176xf32, #tpu.memory_space<vmem>> -> memref<50176xf32, #tpu.memory_space<vmem>>
    %dma_wait3A_1231 = tpu.memref_slice %arg3[%mul3A_348] : memref<51380224xf32, #tpu.memory_space<hbm>> -> memref<50176xf32, #tpu.memory_space<hbm>>
    %dma_wait3A_1232 = tpu.memref_slice %arg3[%mul3A_348] : memref<51380224xf32, #tpu.memory_space<hbm>> -> memref<50176xf32, #tpu.memory_space<hbm>>
    %dma_wait3A_1233 = arith.constant 0 : i32
    %dma_wait3A_1234 = tpu.memref_slice %arg4[%dma_wait3A, %dma_wait3A_1233] : memref<2x50176xf32, #tpu.memory_space<vmem>> -> memref<1x50176xf32, #tpu.memory_space<vmem>>
    %dma_wait3A_1235 = tpu.memref_squeeze %dma_wait3A_1234 : memref<1x50176xf32, #tpu.memory_space<vmem>> -> memref<50176xf32, #tpu.memory_space<vmem>>
    tpu.wait_dma2 semaphore(%arg5 : memref<!tpu.dma_semaphore, #tpu.memory_space<semaphore_mem>>) src(%dma_wait3A_1235 : memref<50176xf32, #tpu.memory_space<vmem>>) dst(%dma_wait3A_1232 : memref<50176xf32, #tpu.memory_space<hbm>>)
    %dma_wait3A_1236 = arith.constant 0 : i32
    %dma_wait3A_1237 = arith.constant 0 : i32
    %dma_wait3A_1238 = tpu.memref_slice %arg4[%dma_wait3A_1236, %dma_wait3A_1237] : memref<2x50176xf32, #tpu.memory_space<vmem>> -> memref<1x50176xf32, #tpu.memory_space<vmem>>
    %dma_wait3A_1239 = tpu.memref_squeeze %dma_wait3A_1238 : memref<1x50176xf32, #tpu.memory_space<vmem>> -> memref<50176xf32, #tpu.memory_space<vmem>>
    %dma_wait3A_1240 = tpu.memref_slice %arg3[%mul3A_364] : memref<51380224xf32, #tpu.memory_space<hbm>> -> memref<50176xf32, #tpu.memory_space<hbm>>
    %dma_wait3A_1241 = tpu.memref_slice %arg3[%mul3A_364] : memref<51380224xf32, #tpu.memory_space<hbm>> -> memref<50176xf32, #tpu.memory_space<hbm>>
    %dma_wait3A_1242 = arith.constant 0 : i32
    %dma_wait3A_1243 = tpu.memref_slice %arg4[%dma_wait3A_1236, %dma_wait3A_1242] : memref<2x50176xf32, #tpu.memory_space<vmem>> -> memref<1x50176xf32, #tpu.memory_space<vmem>>
    %dma_wait3A_1244 = tpu.memref_squeeze %dma_wait3A_1243 : memref<1x50176xf32, #tpu.memory_space<vmem>> -> memref<50176xf32, #tpu.memory_space<vmem>>
    tpu.wait_dma2 semaphore(%arg5 : memref<!tpu.dma_semaphore, #tpu.memory_space<semaphore_mem>>) src(%dma_wait3A_1244 : memref<50176xf32, #tpu.memory_space<vmem>>) dst(%dma_wait3A_1241 : memref<50176xf32, #tpu.memory_space<hbm>>)
    %dma_wait3A_1245 = arith.constant 0 : i32
    %dma_wait3A_1246 = arith.constant 0 : i32
    %dma_wait3A_1247 = tpu.memref_slice %arg4[%dma_wait3A_1245, %dma_wait3A_1246] : memref<2x50176xf32, #tpu.memory_space<vmem>> -> memref<1x50176xf32, #tpu.memory_space<vmem>>
    %dma_wait3A_1248 = tpu.memref_squeeze %dma_wait3A_1247 : memref<1x50176xf32, #tpu.memory_space<vmem>> -> memref<50176xf32, #tpu.memory_space<vmem>>
    %dma_wait3A_1249 = tpu.memref_slice %arg3[%mul3A_381] : memref<51380224xf32, #tpu.memory_space<hbm>> -> memref<50176xf32, #tpu.memory_space<hbm>>
    %dma_wait3A_1250 = tpu.memref_slice %arg3[%mul3A_381] : memref<51380224xf32, #tpu.memory_space<hbm>> -> memref<50176xf32, #tpu.memory_space<hbm>>
    %dma_wait3A_1251 = arith.constant 0 : i32
    %dma_wait3A_1252 = tpu.memref_slice %arg4[%dma_wait3A_1245, %dma_wait3A_1251] : memref<2x50176xf32, #tpu.memory_space<vmem>> -> memref<1x50176xf32, #tpu.memory_space<vmem>>
    %dma_wait3A_1253 = tpu.memref_squeeze %dma_wait3A_1252 : memref<1x50176xf32, #tpu.memory_space<vmem>> -> memref<50176xf32, #tpu.memory_space<vmem>>
    tpu.wait_dma2 semaphore(%arg5 : memref<!tpu.dma_semaphore, #tpu.memory_space<semaphore_mem>>) src(%dma_wait3A_1253 : memref<50176xf32, #tpu.memory_space<vmem>>) dst(%dma_wait3A_1250 : memref<50176xf32, #tpu.memory_space<hbm>>)
    %dma_wait3A_1254 = arith.constant 0 : i32
    %dma_wait3A_1255 = arith.constant 0 : i32
    %dma_wait3A_1256 = tpu.memref_slice %arg4[%dma_wait3A_1254, %dma_wait3A_1255] : memref<2x50176xf32, #tpu.memory_space<vmem>> -> memref<1x50176xf32, #tpu.memory_space<vmem>>
    %dma_wait3A_1257 = tpu.memref_squeeze %dma_wait3A_1256 : memref<1x50176xf32, #tpu.memory_space<vmem>> -> memref<50176xf32, #tpu.memory_space<vmem>>
    %dma_wait3A_1258 = tpu.memref_slice %arg3[%mul3A_398] : memref<51380224xf32, #tpu.memory_space<hbm>> -> memref<50176xf32, #tpu.memory_space<hbm>>
    %dma_wait3A_1259 = tpu.memref_slice %arg3[%mul3A_398] : memref<51380224xf32, #tpu.memory_space<hbm>> -> memref<50176xf32, #tpu.memory_space<hbm>>
    %dma_wait3A_1260 = arith.constant 0 : i32
    %dma_wait3A_1261 = tpu.memref_slice %arg4[%dma_wait3A_1254, %dma_wait3A_1260] : memref<2x50176xf32, #tpu.memory_space<vmem>> -> memref<1x50176xf32, #tpu.memory_space<vmem>>
    %dma_wait3A_1262 = tpu.memref_squeeze %dma_wait3A_1261 : memref<1x50176xf32, #tpu.memory_space<vmem>> -> memref<50176xf32, #tpu.memory_space<vmem>>
    tpu.wait_dma2 semaphore(%arg5 : memref<!tpu.dma_semaphore, #tpu.memory_space<semaphore_mem>>) src(%dma_wait3A_1262 : memref<50176xf32, #tpu.memory_space<vmem>>) dst(%dma_wait3A_1259 : memref<50176xf32, #tpu.memory_space<hbm>>)
    %dma_wait3A_1263 = arith.constant 0 : i32
    %dma_wait3A_1264 = arith.constant 0 : i32
    %dma_wait3A_1265 = tpu.memref_slice %arg4[%dma_wait3A_1263, %dma_wait3A_1264] : memref<2x50176xf32, #tpu.memory_space<vmem>> -> memref<1x50176xf32, #tpu.memory_space<vmem>>
    %dma_wait3A_1266 = tpu.memref_squeeze %dma_wait3A_1265 : memref<1x50176xf32, #tpu.memory_space<vmem>> -> memref<50176xf32, #tpu.memory_space<vmem>>
    %dma_wait3A_1267 = tpu.memref_slice %arg3[%mul3A_415] : memref<51380224xf32, #tpu.memory_space<hbm>> -> memref<50176xf32, #tpu.memory_space<hbm>>
    %dma_wait3A_1268 = tpu.memref_slice %arg3[%mul3A_415] : memref<51380224xf32, #tpu.memory_space<hbm>> -> memref<50176xf32, #tpu.memory_space<hbm>>
    %dma_wait3A_1269 = arith.constant 0 : i32
    %dma_wait3A_1270 = tpu.memref_slice %arg4[%dma_wait3A_1263, %dma_wait3A_1269] : memref<2x50176xf32, #tpu.memory_space<vmem>> -> memref<1x50176xf32, #tpu.memory_space<vmem>>
    %dma_wait3A_1271 = tpu.memref_squeeze %dma_wait3A_1270 : memref<1x50176xf32, #tpu.memory_space<vmem>> -> memref<50176xf32, #tpu.memory_space<vmem>>
    tpu.wait_dma2 semaphore(%arg5 : memref<!tpu.dma_semaphore, #tpu.memory_space<semaphore_mem>>) src(%dma_wait3A_1271 : memref<50176xf32, #tpu.memory_space<vmem>>) dst(%dma_wait3A_1268 : memref<50176xf32, #tpu.memory_space<hbm>>)
    %dma_wait3A_1272 = arith.constant 0 : i32
    %dma_wait3A_1273 = arith.constant 0 : i32
    %dma_wait3A_1274 = tpu.memref_slice %arg4[%dma_wait3A_1272, %dma_wait3A_1273] : memref<2x50176xf32, #tpu.memory_space<vmem>> -> memref<1x50176xf32, #tpu.memory_space<vmem>>
    %dma_wait3A_1275 = tpu.memref_squeeze %dma_wait3A_1274 : memref<1x50176xf32, #tpu.memory_space<vmem>> -> memref<50176xf32, #tpu.memory_space<vmem>>
    %dma_wait3A_1276 = tpu.memref_slice %arg3[%mul3A_432] : memref<51380224xf32, #tpu.memory_space<hbm>> -> memref<50176xf32, #tpu.memory_space<hbm>>
    %dma_wait3A_1277 = tpu.memref_slice %arg3[%mul3A_432] : memref<51380224xf32, #tpu.memory_space<hbm>> -> memref<50176xf32, #tpu.memory_space<hbm>>
    %dma_wait3A_1278 = arith.constant 0 : i32
    %dma_wait3A_1279 = tpu.memref_slice %arg4[%dma_wait3A_1272, %dma_wait3A_1278] : memref<2x50176xf32, #tpu.memory_space<vmem>> -> memref<1x50176xf32, #tpu.memory_space<vmem>>
    %dma_wait3A_1280 = tpu.memref_squeeze %dma_wait3A_1279 : memref<1x50176xf32, #tpu.memory_space<vmem>> -> memref<50176xf32, #tpu.memory_space<vmem>>
    tpu.wait_dma2 semaphore(%arg5 : memref<!tpu.dma_semaphore, #tpu.memory_space<semaphore_mem>>) src(%dma_wait3A_1280 : memref<50176xf32, #tpu.memory_space<vmem>>) dst(%dma_wait3A_1277 : memref<50176xf32, #tpu.memory_space<hbm>>)
    %dma_wait3A_1281 = arith.constant 0 : i32
    %dma_wait3A_1282 = arith.constant 0 : i32
    %dma_wait3A_1283 = tpu.memref_slice %arg4[%dma_wait3A_1281, %dma_wait3A_1282] : memref<2x50176xf32, #tpu.memory_space<vmem>> -> memref<1x50176xf32, #tpu.memory_space<vmem>>
    %dma_wait3A_1284 = tpu.memref_squeeze %dma_wait3A_1283 : memref<1x50176xf32, #tpu.memory_space<vmem>> -> memref<50176xf32, #tpu.memory_space<vmem>>
    %dma_wait3A_1285 = tpu.memref_slice %arg3[%mul3A_449] : memref<51380224xf32, #tpu.memory_space<hbm>> -> memref<50176xf32, #tpu.memory_space<hbm>>
    %dma_wait3A_1286 = tpu.memref_slice %arg3[%mul3A_449] : memref<51380224xf32, #tpu.memory_space<hbm>> -> memref<50176xf32, #tpu.memory_space<hbm>>
    %dma_wait3A_1287 = arith.constant 0 : i32
    %dma_wait3A_1288 = tpu.memref_slice %arg4[%dma_wait3A_1281, %dma_wait3A_1287] : memref<2x50176xf32, #tpu.memory_space<vmem>> -> memref<1x50176xf32, #tpu.memory_space<vmem>>
    %dma_wait3A_1289 = tpu.memref_squeeze %dma_wait3A_1288 : memref<1x50176xf32, #tpu.memory_space<vmem>> -> memref<50176xf32, #tpu.memory_space<vmem>>
    tpu.wait_dma2 semaphore(%arg5 : memref<!tpu.dma_semaphore, #tpu.memory_space<semaphore_mem>>) src(%dma_wait3A_1289 : memref<50176xf32, #tpu.memory_space<vmem>>) dst(%dma_wait3A_1286 : memref<50176xf32, #tpu.memory_space<hbm>>)
    %dma_wait3A_1290 = arith.constant 0 : i32
    %dma_wait3A_1291 = arith.constant 0 : i32
    %dma_wait3A_1292 = tpu.memref_slice %arg4[%dma_wait3A_1290, %dma_wait3A_1291] : memref<2x50176xf32, #tpu.memory_space<vmem>> -> memref<1x50176xf32, #tpu.memory_space<vmem>>
    %dma_wait3A_1293 = tpu.memref_squeeze %dma_wait3A_1292 : memref<1x50176xf32, #tpu.memory_space<vmem>> -> memref<50176xf32, #tpu.memory_space<vmem>>
    %dma_wait3A_1294 = tpu.memref_slice %arg3[%mul3A_466] : memref<51380224xf32, #tpu.memory_space<hbm>> -> memref<50176xf32, #tpu.memory_space<hbm>>
    %dma_wait3A_1295 = tpu.memref_slice %arg3[%mul3A_466] : memref<51380224xf32, #tpu.memory_space<hbm>> -> memref<50176xf32, #tpu.memory_space<hbm>>
    %dma_wait3A_1296 = arith.constant 0 : i32
    %dma_wait3A_1297 = tpu.memref_slice %arg4[%dma_wait3A_1290, %dma_wait3A_1296] : memref<2x50176xf32, #tpu.memory_space<vmem>> -> memref<1x50176xf32, #tpu.memory_space<vmem>>
    %dma_wait3A_1298 = tpu.memref_squeeze %dma_wait3A_1297 : memref<1x50176xf32, #tpu.memory_space<vmem>> -> memref<50176xf32, #tpu.memory_space<vmem>>
    tpu.wait_dma2 semaphore(%arg5 : memref<!tpu.dma_semaphore, #tpu.memory_space<semaphore_mem>>) src(%dma_wait3A_1298 : memref<50176xf32, #tpu.memory_space<vmem>>) dst(%dma_wait3A_1295 : memref<50176xf32, #tpu.memory_space<hbm>>)
    %dma_wait3A_1299 = arith.constant 0 : i32
    %dma_wait3A_1300 = arith.constant 0 : i32
    %dma_wait3A_1301 = tpu.memref_slice %arg4[%dma_wait3A_1299, %dma_wait3A_1300] : memref<2x50176xf32, #tpu.memory_space<vmem>> -> memref<1x50176xf32, #tpu.memory_space<vmem>>
    %dma_wait3A_1302 = tpu.memref_squeeze %dma_wait3A_1301 : memref<1x50176xf32, #tpu.memory_space<vmem>> -> memref<50176xf32, #tpu.memory_space<vmem>>
    %dma_wait3A_1303 = tpu.memref_slice %arg3[%mul3A_483] : memref<51380224xf32, #tpu.memory_space<hbm>> -> memref<50176xf32, #tpu.memory_space<hbm>>
    %dma_wait3A_1304 = tpu.memref_slice %arg3[%mul3A_483] : memref<51380224xf32, #tpu.memory_space<hbm>> -> memref<50176xf32, #tpu.memory_space<hbm>>
    %dma_wait3A_1305 = arith.constant 0 : i32
    %dma_wait3A_1306 = tpu.memref_slice %arg4[%dma_wait3A_1299, %dma_wait3A_1305] : memref<2x50176xf32, #tpu.memory_space<vmem>> -> memref<1x50176xf32, #tpu.memory_space<vmem>>
    %dma_wait3A_1307 = tpu.memref_squeeze %dma_wait3A_1306 : memref<1x50176xf32, #tpu.memory_space<vmem>> -> memref<50176xf32, #tpu.memory_space<vmem>>
    tpu.wait_dma2 semaphore(%arg5 : memref<!tpu.dma_semaphore, #tpu.memory_space<semaphore_mem>>) src(%dma_wait3A_1307 : memref<50176xf32, #tpu.memory_space<vmem>>) dst(%dma_wait3A_1304 : memref<50176xf32, #tpu.memory_space<hbm>>)
    %dma_wait3A_1308 = arith.constant 0 : i32
    %dma_wait3A_1309 = arith.constant 0 : i32
    %dma_wait3A_1310 = tpu.memref_slice %arg4[%dma_wait3A_1308, %dma_wait3A_1309] : memref<2x50176xf32, #tpu.memory_space<vmem>> -> memref<1x50176xf32, #tpu.memory_space<vmem>>
    %dma_wait3A_1311 = tpu.memref_squeeze %dma_wait3A_1310 : memref<1x50176xf32, #tpu.memory_space<vmem>> -> memref<50176xf32, #tpu.memory_space<vmem>>
    %dma_wait3A_1312 = tpu.memref_slice %arg3[%mul3A_500] : memref<51380224xf32, #tpu.memory_space<hbm>> -> memref<50176xf32, #tpu.memory_space<hbm>>
    %dma_wait3A_1313 = tpu.memref_slice %arg3[%mul3A_500] : memref<51380224xf32, #tpu.memory_space<hbm>> -> memref<50176xf32, #tpu.memory_space<hbm>>
    %dma_wait3A_1314 = arith.constant 0 : i32
    %dma_wait3A_1315 = tpu.memref_slice %arg4[%dma_wait3A_1308, %dma_wait3A_1314] : memref<2x50176xf32, #tpu.memory_space<vmem>> -> memref<1x50176xf32, #tpu.memory_space<vmem>>
    %dma_wait3A_1316 = tpu.memref_squeeze %dma_wait3A_1315 : memref<1x50176xf32, #tpu.memory_space<vmem>> -> memref<50176xf32, #tpu.memory_space<vmem>>
    tpu.wait_dma2 semaphore(%arg5 : memref<!tpu.dma_semaphore, #tpu.memory_space<semaphore_mem>>) src(%dma_wait3A_1316 : memref<50176xf32, #tpu.memory_space<vmem>>) dst(%dma_wait3A_1313 : memref<50176xf32, #tpu.memory_space<hbm>>)
    %dma_wait3A_1317 = arith.constant 0 : i32
    %dma_wait3A_1318 = arith.constant 0 : i32
    %dma_wait3A_1319 = tpu.memref_slice %arg4[%dma_wait3A_1317, %dma_wait3A_1318] : memref<2x50176xf32, #tpu.memory_space<vmem>> -> memref<1x50176xf32, #tpu.memory_space<vmem>>
    %dma_wait3A_1320 = tpu.memref_squeeze %dma_wait3A_1319 : memref<1x50176xf32, #tpu.memory_space<vmem>> -> memref<50176xf32, #tpu.memory_space<vmem>>
    %dma_wait3A_1321 = tpu.memref_slice %arg3[%mul3A_517] : memref<51380224xf32, #tpu.memory_space<hbm>> -> memref<50176xf32, #tpu.memory_space<hbm>>
    %dma_wait3A_1322 = tpu.memref_slice %arg3[%mul3A_517] : memref<51380224xf32, #tpu.memory_space<hbm>> -> memref<50176xf32, #tpu.memory_space<hbm>>
    %dma_wait3A_1323 = arith.constant 0 : i32
    %dma_wait3A_1324 = tpu.memref_slice %arg4[%dma_wait3A_1317, %dma_wait3A_1323] : memref<2x50176xf32, #tpu.memory_space<vmem>> -> memref<1x50176xf32, #tpu.memory_space<vmem>>
    %dma_wait3A_1325 = tpu.memref_squeeze %dma_wait3A_1324 : memref<1x50176xf32, #tpu.memory_space<vmem>> -> memref<50176xf32, #tpu.memory_space<vmem>>
    tpu.wait_dma2 semaphore(%arg5 : memref<!tpu.dma_semaphore, #tpu.memory_space<semaphore_mem>>) src(%dma_wait3A_1325 : memref<50176xf32, #tpu.memory_space<vmem>>) dst(%dma_wait3A_1322 : memref<50176xf32, #tpu.memory_space<hbm>>)
    %dma_wait3A_1326 = arith.constant 0 : i32
    %dma_wait3A_1327 = arith.constant 0 : i32
    %dma_wait3A_1328 = tpu.memref_slice %arg4[%dma_wait3A_1326, %dma_wait3A_1327] : memref<2x50176xf32, #tpu.memory_space<vmem>> -> memref<1x50176xf32, #tpu.memory_space<vmem>>
    %dma_wait3A_1329 = tpu.memref_squeeze %dma_wait3A_1328 : memref<1x50176xf32, #tpu.memory_space<vmem>> -> memref<50176xf32, #tpu.memory_space<vmem>>
    %dma_wait3A_1330 = tpu.memref_slice %arg3[%mul3A_534] : memref<51380224xf32, #tpu.memory_space<hbm>> -> memref<50176xf32, #tpu.memory_space<hbm>>
    %dma_wait3A_1331 = tpu.memref_slice %arg3[%mul3A_534] : memref<51380224xf32, #tpu.memory_space<hbm>> -> memref<50176xf32, #tpu.memory_space<hbm>>
    %dma_wait3A_1332 = arith.constant 0 : i32
    %dma_wait3A_1333 = tpu.memref_slice %arg4[%dma_wait3A_1326, %dma_wait3A_1332] : memref<2x50176xf32, #tpu.memory_space<vmem>> -> memref<1x50176xf32, #tpu.memory_space<vmem>>
    %dma_wait3A_1334 = tpu.memref_squeeze %dma_wait3A_1333 : memref<1x50176xf32, #tpu.memory_space<vmem>> -> memref<50176xf32, #tpu.memory_space<vmem>>
    tpu.wait_dma2 semaphore(%arg5 : memref<!tpu.dma_semaphore, #tpu.memory_space<semaphore_mem>>) src(%dma_wait3A_1334 : memref<50176xf32, #tpu.memory_space<vmem>>) dst(%dma_wait3A_1331 : memref<50176xf32, #tpu.memory_space<hbm>>)
    %dma_wait3A_1335 = arith.constant 0 : i32
    %dma_wait3A_1336 = arith.constant 0 : i32
    %dma_wait3A_1337 = tpu.memref_slice %arg4[%dma_wait3A_1335, %dma_wait3A_1336] : memref<2x50176xf32, #tpu.memory_space<vmem>> -> memref<1x50176xf32, #tpu.memory_space<vmem>>
    %dma_wait3A_1338 = tpu.memref_squeeze %dma_wait3A_1337 : memref<1x50176xf32, #tpu.memory_space<vmem>> -> memref<50176xf32, #tpu.memory_space<vmem>>
    %dma_wait3A_1339 = tpu.memref_slice %arg3[%mul3A_551] : memref<51380224xf32, #tpu.memory_space<hbm>> -> memref<50176xf32, #tpu.memory_space<hbm>>
    %dma_wait3A_1340 = tpu.memref_slice %arg3[%mul3A_551] : memref<51380224xf32, #tpu.memory_space<hbm>> -> memref<50176xf32, #tpu.memory_space<hbm>>
    %dma_wait3A_1341 = arith.constant 0 : i32
    %dma_wait3A_1342 = tpu.memref_slice %arg4[%dma_wait3A_1335, %dma_wait3A_1341] : memref<2x50176xf32, #tpu.memory_space<vmem>> -> memref<1x50176xf32, #tpu.memory_space<vmem>>
    %dma_wait3A_1343 = tpu.memref_squeeze %dma_wait3A_1342 : memref<1x50176xf32, #tpu.memory_space<vmem>> -> memref<50176xf32, #tpu.memory_space<vmem>>
    tpu.wait_dma2 semaphore(%arg5 : memref<!tpu.dma_semaphore, #tpu.memory_space<semaphore_mem>>) src(%dma_wait3A_1343 : memref<50176xf32, #tpu.memory_space<vmem>>) dst(%dma_wait3A_1340 : memref<50176xf32, #tpu.memory_space<hbm>>)
    %dma_wait3A_1344 = arith.constant 0 : i32
    %dma_wait3A_1345 = arith.constant 0 : i32
    %dma_wait3A_1346 = tpu.memref_slice %arg4[%dma_wait3A_1344, %dma_wait3A_1345] : memref<2x50176xf32, #tpu.memory_space<vmem>> -> memref<1x50176xf32, #tpu.memory_space<vmem>>
    %dma_wait3A_1347 = tpu.memref_squeeze %dma_wait3A_1346 : memref<1x50176xf32, #tpu.memory_space<vmem>> -> memref<50176xf32, #tpu.memory_space<vmem>>
    %dma_wait3A_1348 = tpu.memref_slice %arg3[%mul3A_568] : memref<51380224xf32, #tpu.memory_space<hbm>> -> memref<50176xf32, #tpu.memory_space<hbm>>
    %dma_wait3A_1349 = tpu.memref_slice %arg3[%mul3A_568] : memref<51380224xf32, #tpu.memory_space<hbm>> -> memref<50176xf32, #tpu.memory_space<hbm>>
    %dma_wait3A_1350 = arith.constant 0 : i32
    %dma_wait3A_1351 = tpu.memref_slice %arg4[%dma_wait3A_1344, %dma_wait3A_1350] : memref<2x50176xf32, #tpu.memory_space<vmem>> -> memref<1x50176xf32, #tpu.memory_space<vmem>>
    %dma_wait3A_1352 = tpu.memref_squeeze %dma_wait3A_1351 : memref<1x50176xf32, #tpu.memory_space<vmem>> -> memref<50176xf32, #tpu.memory_space<vmem>>
    tpu.wait_dma2 semaphore(%arg5 : memref<!tpu.dma_semaphore, #tpu.memory_space<semaphore_mem>>) src(%dma_wait3A_1352 : memref<50176xf32, #tpu.memory_space<vmem>>) dst(%dma_wait3A_1349 : memref<50176xf32, #tpu.memory_space<hbm>>)
    %dma_wait3A_1353 = arith.constant 0 : i32
    %dma_wait3A_1354 = arith.constant 0 : i32
    %dma_wait3A_1355 = tpu.memref_slice %arg4[%dma_wait3A_1353, %dma_wait3A_1354] : memref<2x50176xf32, #tpu.memory_space<vmem>> -> memref<1x50176xf32, #tpu.memory_space<vmem>>
    %dma_wait3A_1356 = tpu.memref_squeeze %dma_wait3A_1355 : memref<1x50176xf32, #tpu.memory_space<vmem>> -> memref<50176xf32, #tpu.memory_space<vmem>>
    %dma_wait3A_1357 = tpu.memref_slice %arg3[%mul3A_585] : memref<51380224xf32, #tpu.memory_space<hbm>> -> memref<50176xf32, #tpu.memory_space<hbm>>
    %dma_wait3A_1358 = tpu.memref_slice %arg3[%mul3A_585] : memref<51380224xf32, #tpu.memory_space<hbm>> -> memref<50176xf32, #tpu.memory_space<hbm>>
    %dma_wait3A_1359 = arith.constant 0 : i32
    %dma_wait3A_1360 = tpu.memref_slice %arg4[%dma_wait3A_1353, %dma_wait3A_1359] : memref<2x50176xf32, #tpu.memory_space<vmem>> -> memref<1x50176xf32, #tpu.memory_space<vmem>>
    %dma_wait3A_1361 = tpu.memref_squeeze %dma_wait3A_1360 : memref<1x50176xf32, #tpu.memory_space<vmem>> -> memref<50176xf32, #tpu.memory_space<vmem>>
    tpu.wait_dma2 semaphore(%arg5 : memref<!tpu.dma_semaphore, #tpu.memory_space<semaphore_mem>>) src(%dma_wait3A_1361 : memref<50176xf32, #tpu.memory_space<vmem>>) dst(%dma_wait3A_1358 : memref<50176xf32, #tpu.memory_space<hbm>>)
    %dma_wait3A_1362 = arith.constant 0 : i32
    %dma_wait3A_1363 = arith.constant 0 : i32
    %dma_wait3A_1364 = tpu.memref_slice %arg4[%dma_wait3A_1362, %dma_wait3A_1363] : memref<2x50176xf32, #tpu.memory_space<vmem>> -> memref<1x50176xf32, #tpu.memory_space<vmem>>
    %dma_wait3A_1365 = tpu.memref_squeeze %dma_wait3A_1364 : memref<1x50176xf32, #tpu.memory_space<vmem>> -> memref<50176xf32, #tpu.memory_space<vmem>>
    %dma_wait3A_1366 = tpu.memref_slice %arg3[%mul3A_602] : memref<51380224xf32, #tpu.memory_space<hbm>> -> memref<50176xf32, #tpu.memory_space<hbm>>
    %dma_wait3A_1367 = tpu.memref_slice %arg3[%mul3A_602] : memref<51380224xf32, #tpu.memory_space<hbm>> -> memref<50176xf32, #tpu.memory_space<hbm>>
    %dma_wait3A_1368 = arith.constant 0 : i32
    %dma_wait3A_1369 = tpu.memref_slice %arg4[%dma_wait3A_1362, %dma_wait3A_1368] : memref<2x50176xf32, #tpu.memory_space<vmem>> -> memref<1x50176xf32, #tpu.memory_space<vmem>>
    %dma_wait3A_1370 = tpu.memref_squeeze %dma_wait3A_1369 : memref<1x50176xf32, #tpu.memory_space<vmem>> -> memref<50176xf32, #tpu.memory_space<vmem>>
    tpu.wait_dma2 semaphore(%arg5 : memref<!tpu.dma_semaphore, #tpu.memory_space<semaphore_mem>>) src(%dma_wait3A_1370 : memref<50176xf32, #tpu.memory_space<vmem>>) dst(%dma_wait3A_1367 : memref<50176xf32, #tpu.memory_space<hbm>>)
    %dma_wait3A_1371 = arith.constant 1 : i32
    %dma_wait3A_1372 = arith.constant 0 : i32
    %dma_wait3A_1373 = tpu.memref_slice %arg4[%dma_wait3A_1371, %dma_wait3A_1372] : memref<2x50176xf32, #tpu.memory_space<vmem>> -> memref<1x50176xf32, #tpu.memory_space<vmem>>
    %dma_wait3A_1374 = tpu.memref_squeeze %dma_wait3A_1373 : memref<1x50176xf32, #tpu.memory_space<vmem>> -> memref<50176xf32, #tpu.memory_space<vmem>>
    %dma_wait3A_1375 = tpu.memref_slice %arg3[%mul3A_963] : memref<51380224xf32, #tpu.memory_space<hbm>> -> memref<50176xf32, #tpu.memory_space<hbm>>
    %dma_wait3A_1376 = tpu.memref_slice %arg3[%mul3A_963] : memref<51380224xf32, #tpu.memory_space<hbm>> -> memref<50176xf32, #tpu.memory_space<hbm>>
    %dma_wait3A_1377 = arith.constant 0 : i32
    %dma_wait3A_1378 = tpu.memref_slice %arg4[%dma_wait3A_1371, %dma_wait3A_1377] : memref<2x50176xf32, #tpu.memory_space<vmem>> -> memref<1x50176xf32, #tpu.memory_space<vmem>>
    %dma_wait3A_1379 = tpu.memref_squeeze %dma_wait3A_1378 : memref<1x50176xf32, #tpu.memory_space<vmem>> -> memref<50176xf32, #tpu.memory_space<vmem>>
    tpu.wait_dma2 semaphore(%arg5 : memref<!tpu.dma_semaphore, #tpu.memory_space<semaphore_mem>>) src(%dma_wait3A_1379 : memref<50176xf32, #tpu.memory_space<vmem>>) dst(%dma_wait3A_1376 : memref<50176xf32, #tpu.memory_space<hbm>>)
    %dma_wait3A_1380 = arith.constant 1 : i32
    %dma_wait3A_1381 = arith.constant 0 : i32
    %dma_wait3A_1382 = tpu.memref_slice %arg4[%dma_wait3A_1380, %dma_wait3A_1381] : memref<2x50176xf32, #tpu.memory_space<vmem>> -> memref<1x50176xf32, #tpu.memory_space<vmem>>
    %dma_wait3A_1383 = tpu.memref_squeeze %dma_wait3A_1382 : memref<1x50176xf32, #tpu.memory_space<vmem>> -> memref<50176xf32, #tpu.memory_space<vmem>>
    %dma_wait3A_1384 = tpu.memref_slice %arg3[%mul3A_980] : memref<51380224xf32, #tpu.memory_space<hbm>> -> memref<50176xf32, #tpu.memory_space<hbm>>
    %dma_wait3A_1385 = tpu.memref_slice %arg3[%mul3A_980] : memref<51380224xf32, #tpu.memory_space<hbm>> -> memref<50176xf32, #tpu.memory_space<hbm>>
    %dma_wait3A_1386 = arith.constant 0 : i32
    %dma_wait3A_1387 = tpu.memref_slice %arg4[%dma_wait3A_1380, %dma_wait3A_1386] : memref<2x50176xf32, #tpu.memory_space<vmem>> -> memref<1x50176xf32, #tpu.memory_space<vmem>>
    %dma_wait3A_1388 = tpu.memref_squeeze %dma_wait3A_1387 : memref<1x50176xf32, #tpu.memory_space<vmem>> -> memref<50176xf32, #tpu.memory_space<vmem>>
    tpu.wait_dma2 semaphore(%arg5 : memref<!tpu.dma_semaphore, #tpu.memory_space<semaphore_mem>>) src(%dma_wait3A_1388 : memref<50176xf32, #tpu.memory_space<vmem>>) dst(%dma_wait3A_1385 : memref<50176xf32, #tpu.memory_space<hbm>>)
    %dma_wait3A_1389 = arith.constant 1 : i32
    %dma_wait3A_1390 = arith.constant 0 : i32
    %dma_wait3A_1391 = tpu.memref_slice %arg4[%dma_wait3A_1389, %dma_wait3A_1390] : memref<2x50176xf32, #tpu.memory_space<vmem>> -> memref<1x50176xf32, #tpu.memory_space<vmem>>
    %dma_wait3A_1392 = tpu.memref_squeeze %dma_wait3A_1391 : memref<1x50176xf32, #tpu.memory_space<vmem>> -> memref<50176xf32, #tpu.memory_space<vmem>>
    %dma_wait3A_1393 = tpu.memref_slice %arg3[%mul3A_997] : memref<51380224xf32, #tpu.memory_space<hbm>> -> memref<50176xf32, #tpu.memory_space<hbm>>
    %dma_wait3A_1394 = tpu.memref_slice %arg3[%mul3A_997] : memref<51380224xf32, #tpu.memory_space<hbm>> -> memref<50176xf32, #tpu.memory_space<hbm>>
    %dma_wait3A_1395 = arith.constant 0 : i32
    %dma_wait3A_1396 = tpu.memref_slice %arg4[%dma_wait3A_1389, %dma_wait3A_1395] : memref<2x50176xf32, #tpu.memory_space<vmem>> -> memref<1x50176xf32, #tpu.memory_space<vmem>>
    %dma_wait3A_1397 = tpu.memref_squeeze %dma_wait3A_1396 : memref<1x50176xf32, #tpu.memory_space<vmem>> -> memref<50176xf32, #tpu.memory_space<vmem>>
    tpu.wait_dma2 semaphore(%arg5 : memref<!tpu.dma_semaphore, #tpu.memory_space<semaphore_mem>>) src(%dma_wait3A_1397 : memref<50176xf32, #tpu.memory_space<vmem>>) dst(%dma_wait3A_1394 : memref<50176xf32, #tpu.memory_space<hbm>>)
    %dma_wait3A_1398 = arith.constant 1 : i32
    %dma_wait3A_1399 = arith.constant 0 : i32
    %dma_wait3A_1400 = tpu.memref_slice %arg4[%dma_wait3A_1398, %dma_wait3A_1399] : memref<2x50176xf32, #tpu.memory_space<vmem>> -> memref<1x50176xf32, #tpu.memory_space<vmem>>
    %dma_wait3A_1401 = tpu.memref_squeeze %dma_wait3A_1400 : memref<1x50176xf32, #tpu.memory_space<vmem>> -> memref<50176xf32, #tpu.memory_space<vmem>>
    %dma_wait3A_1402 = tpu.memref_slice %arg3[%mul3A_1014] : memref<51380224xf32, #tpu.memory_space<hbm>> -> memref<50176xf32, #tpu.memory_space<hbm>>
    %dma_wait3A_1403 = tpu.memref_slice %arg3[%mul3A_1014] : memref<51380224xf32, #tpu.memory_space<hbm>> -> memref<50176xf32, #tpu.memory_space<hbm>>
    %dma_wait3A_1404 = arith.constant 0 : i32
    %dma_wait3A_1405 = tpu.memref_slice %arg4[%dma_wait3A_1398, %dma_wait3A_1404] : memref<2x50176xf32, #tpu.memory_space<vmem>> -> memref<1x50176xf32, #tpu.memory_space<vmem>>
    %dma_wait3A_1406 = tpu.memref_squeeze %dma_wait3A_1405 : memref<1x50176xf32, #tpu.memory_space<vmem>> -> memref<50176xf32, #tpu.memory_space<vmem>>
    tpu.wait_dma2 semaphore(%arg5 : memref<!tpu.dma_semaphore, #tpu.memory_space<semaphore_mem>>) src(%dma_wait3A_1406 : memref<50176xf32, #tpu.memory_space<vmem>>) dst(%dma_wait3A_1403 : memref<50176xf32, #tpu.memory_space<hbm>>)
    %dma_wait3A_1407 = arith.constant 1 : i32
    %dma_wait3A_1408 = arith.constant 0 : i32
    %dma_wait3A_1409 = tpu.memref_slice %arg4[%dma_wait3A_1407, %dma_wait3A_1408] : memref<2x50176xf32, #tpu.memory_space<vmem>> -> memref<1x50176xf32, #tpu.memory_space<vmem>>
    %dma_wait3A_1410 = tpu.memref_squeeze %dma_wait3A_1409 : memref<1x50176xf32, #tpu.memory_space<vmem>> -> memref<50176xf32, #tpu.memory_space<vmem>>
    %dma_wait3A_1411 = tpu.memref_slice %arg3[%mul3A_1031] : memref<51380224xf32, #tpu.memory_space<hbm>> -> memref<50176xf32, #tpu.memory_space<hbm>>
    %dma_wait3A_1412 = tpu.memref_slice %arg3[%mul3A_1031] : memref<51380224xf32, #tpu.memory_space<hbm>> -> memref<50176xf32, #tpu.memory_space<hbm>>
    %dma_wait3A_1413 = arith.constant 0 : i32
    %dma_wait3A_1414 = tpu.memref_slice %arg4[%dma_wait3A_1407, %dma_wait3A_1413] : memref<2x50176xf32, #tpu.memory_space<vmem>> -> memref<1x50176xf32, #tpu.memory_space<vmem>>
    %dma_wait3A_1415 = tpu.memref_squeeze %dma_wait3A_1414 : memref<1x50176xf32, #tpu.memory_space<vmem>> -> memref<50176xf32, #tpu.memory_space<vmem>>
    tpu.wait_dma2 semaphore(%arg5 : memref<!tpu.dma_semaphore, #tpu.memory_space<semaphore_mem>>) src(%dma_wait3A_1415 : memref<50176xf32, #tpu.memory_space<vmem>>) dst(%dma_wait3A_1412 : memref<50176xf32, #tpu.memory_space<hbm>>)
    %dma_wait3A_1416 = arith.constant 1 : i32
    %dma_wait3A_1417 = arith.constant 0 : i32
    %dma_wait3A_1418 = tpu.memref_slice %arg4[%dma_wait3A_1416, %dma_wait3A_1417] : memref<2x50176xf32, #tpu.memory_space<vmem>> -> memref<1x50176xf32, #tpu.memory_space<vmem>>
    %dma_wait3A_1419 = tpu.memref_squeeze %dma_wait3A_1418 : memref<1x50176xf32, #tpu.memory_space<vmem>> -> memref<50176xf32, #tpu.memory_space<vmem>>
    %dma_wait3A_1420 = tpu.memref_slice %arg3[%mul3A_1048] : memref<51380224xf32, #tpu.memory_space<hbm>> -> memref<50176xf32, #tpu.memory_space<hbm>>
    %dma_wait3A_1421 = tpu.memref_slice %arg3[%mul3A_1048] : memref<51380224xf32, #tpu.memory_space<hbm>> -> memref<50176xf32, #tpu.memory_space<hbm>>
    %dma_wait3A_1422 = arith.constant 0 : i32
    %dma_wait3A_1423 = tpu.memref_slice %arg4[%dma_wait3A_1416, %dma_wait3A_1422] : memref<2x50176xf32, #tpu.memory_space<vmem>> -> memref<1x50176xf32, #tpu.memory_space<vmem>>
    %dma_wait3A_1424 = tpu.memref_squeeze %dma_wait3A_1423 : memref<1x50176xf32, #tpu.memory_space<vmem>> -> memref<50176xf32, #tpu.memory_space<vmem>>
    tpu.wait_dma2 semaphore(%arg5 : memref<!tpu.dma_semaphore, #tpu.memory_space<semaphore_mem>>) src(%dma_wait3A_1424 : memref<50176xf32, #tpu.memory_space<vmem>>) dst(%dma_wait3A_1421 : memref<50176xf32, #tpu.memory_space<hbm>>)
    %dma_wait3A_1425 = arith.constant 1 : i32
    %dma_wait3A_1426 = arith.constant 0 : i32
    %dma_wait3A_1427 = tpu.memref_slice %arg4[%dma_wait3A_1425, %dma_wait3A_1426] : memref<2x50176xf32, #tpu.memory_space<vmem>> -> memref<1x50176xf32, #tpu.memory_space<vmem>>
    %dma_wait3A_1428 = tpu.memref_squeeze %dma_wait3A_1427 : memref<1x50176xf32, #tpu.memory_space<vmem>> -> memref<50176xf32, #tpu.memory_space<vmem>>
    %dma_wait3A_1429 = tpu.memref_slice %arg3[%mul3A_1065] : memref<51380224xf32, #tpu.memory_space<hbm>> -> memref<50176xf32, #tpu.memory_space<hbm>>
    %dma_wait3A_1430 = tpu.memref_slice %arg3[%mul3A_1065] : memref<51380224xf32, #tpu.memory_space<hbm>> -> memref<50176xf32, #tpu.memory_space<hbm>>
    %dma_wait3A_1431 = arith.constant 0 : i32
    %dma_wait3A_1432 = tpu.memref_slice %arg4[%dma_wait3A_1425, %dma_wait3A_1431] : memref<2x50176xf32, #tpu.memory_space<vmem>> -> memref<1x50176xf32, #tpu.memory_space<vmem>>
    %dma_wait3A_1433 = tpu.memref_squeeze %dma_wait3A_1432 : memref<1x50176xf32, #tpu.memory_space<vmem>> -> memref<50176xf32, #tpu.memory_space<vmem>>
    tpu.wait_dma2 semaphore(%arg5 : memref<!tpu.dma_semaphore, #tpu.memory_space<semaphore_mem>>) src(%dma_wait3A_1433 : memref<50176xf32, #tpu.memory_space<vmem>>) dst(%dma_wait3A_1430 : memref<50176xf32, #tpu.memory_space<hbm>>)
    %dma_wait3A_1434 = arith.constant 1 : i32
    %dma_wait3A_1435 = arith.constant 0 : i32
    %dma_wait3A_1436 = tpu.memref_slice %arg4[%dma_wait3A_1434, %dma_wait3A_1435] : memref<2x50176xf32, #tpu.memory_space<vmem>> -> memref<1x50176xf32, #tpu.memory_space<vmem>>
    %dma_wait3A_1437 = tpu.memref_squeeze %dma_wait3A_1436 : memref<1x50176xf32, #tpu.memory_space<vmem>> -> memref<50176xf32, #tpu.memory_space<vmem>>
    %dma_wait3A_1438 = tpu.memref_slice %arg3[%mul3A_1082] : memref<51380224xf32, #tpu.memory_space<hbm>> -> memref<50176xf32, #tpu.memory_space<hbm>>
    %dma_wait3A_1439 = tpu.memref_slice %arg3[%mul3A_1082] : memref<51380224xf32, #tpu.memory_space<hbm>> -> memref<50176xf32, #tpu.memory_space<hbm>>
    %dma_wait3A_1440 = arith.constant 0 : i32
    %dma_wait3A_1441 = tpu.memref_slice %arg4[%dma_wait3A_1434, %dma_wait3A_1440] : memref<2x50176xf32, #tpu.memory_space<vmem>> -> memref<1x50176xf32, #tpu.memory_space<vmem>>
    %dma_wait3A_1442 = tpu.memref_squeeze %dma_wait3A_1441 : memref<1x50176xf32, #tpu.memory_space<vmem>> -> memref<50176xf32, #tpu.memory_space<vmem>>
    tpu.wait_dma2 semaphore(%arg5 : memref<!tpu.dma_semaphore, #tpu.memory_space<semaphore_mem>>) src(%dma_wait3A_1442 : memref<50176xf32, #tpu.memory_space<vmem>>) dst(%dma_wait3A_1439 : memref<50176xf32, #tpu.memory_space<hbm>>)
    %dma_wait3A_1443 = arith.constant 1 : i32
    %dma_wait3A_1444 = arith.constant 0 : i32
    %dma_wait3A_1445 = tpu.memref_slice %arg4[%dma_wait3A_1443, %dma_wait3A_1444] : memref<2x50176xf32, #tpu.memory_space<vmem>> -> memref<1x50176xf32, #tpu.memory_space<vmem>>
    %dma_wait3A_1446 = tpu.memref_squeeze %dma_wait3A_1445 : memref<1x50176xf32, #tpu.memory_space<vmem>> -> memref<50176xf32, #tpu.memory_space<vmem>>
    %dma_wait3A_1447 = tpu.memref_slice %arg3[%mul3A_1099] : memref<51380224xf32, #tpu.memory_space<hbm>> -> memref<50176xf32, #tpu.memory_space<hbm>>
    %dma_wait3A_1448 = tpu.memref_slice %arg3[%mul3A_1099] : memref<51380224xf32, #tpu.memory_space<hbm>> -> memref<50176xf32, #tpu.memory_space<hbm>>
    %dma_wait3A_1449 = arith.constant 0 : i32
    %dma_wait3A_1450 = tpu.memref_slice %arg4[%dma_wait3A_1443, %dma_wait3A_1449] : memref<2x50176xf32, #tpu.memory_space<vmem>> -> memref<1x50176xf32, #tpu.memory_space<vmem>>
    %dma_wait3A_1451 = tpu.memref_squeeze %dma_wait3A_1450 : memref<1x50176xf32, #tpu.memory_space<vmem>> -> memref<50176xf32, #tpu.memory_space<vmem>>
    tpu.wait_dma2 semaphore(%arg5 : memref<!tpu.dma_semaphore, #tpu.memory_space<semaphore_mem>>) src(%dma_wait3A_1451 : memref<50176xf32, #tpu.memory_space<vmem>>) dst(%dma_wait3A_1448 : memref<50176xf32, #tpu.memory_space<hbm>>)
    %dma_wait3A_1452 = arith.constant 1 : i32
    %dma_wait3A_1453 = arith.constant 0 : i32
    %dma_wait3A_1454 = tpu.memref_slice %arg4[%dma_wait3A_1452, %dma_wait3A_1453] : memref<2x50176xf32, #tpu.memory_space<vmem>> -> memref<1x50176xf32, #tpu.memory_space<vmem>>
    %dma_wait3A_1455 = tpu.memref_squeeze %dma_wait3A_1454 : memref<1x50176xf32, #tpu.memory_space<vmem>> -> memref<50176xf32, #tpu.memory_space<vmem>>
    %dma_wait3A_1456 = tpu.memref_slice %arg3[%mul3A_1116] : memref<51380224xf32, #tpu.memory_space<hbm>> -> memref<50176xf32, #tpu.memory_space<hbm>>
    %dma_wait3A_1457 = tpu.memref_slice %arg3[%mul3A_1116] : memref<51380224xf32, #tpu.memory_space<hbm>> -> memref<50176xf32, #tpu.memory_space<hbm>>
    %dma_wait3A_1458 = arith.constant 0 : i32
    %dma_wait3A_1459 = tpu.memref_slice %arg4[%dma_wait3A_1452, %dma_wait3A_1458] : memref<2x50176xf32, #tpu.memory_space<vmem>> -> memref<1x50176xf32, #tpu.memory_space<vmem>>
    %dma_wait3A_1460 = tpu.memref_squeeze %dma_wait3A_1459 : memref<1x50176xf32, #tpu.memory_space<vmem>> -> memref<50176xf32, #tpu.memory_space<vmem>>
    tpu.wait_dma2 semaphore(%arg5 : memref<!tpu.dma_semaphore, #tpu.memory_space<semaphore_mem>>) src(%dma_wait3A_1460 : memref<50176xf32, #tpu.memory_space<vmem>>) dst(%dma_wait3A_1457 : memref<50176xf32, #tpu.memory_space<hbm>>)
    %dma_wait3A_1461 = arith.constant 1 : i32
    %dma_wait3A_1462 = arith.constant 0 : i32
    %dma_wait3A_1463 = tpu.memref_slice %arg4[%dma_wait3A_1461, %dma_wait3A_1462] : memref<2x50176xf32, #tpu.memory_space<vmem>> -> memref<1x50176xf32, #tpu.memory_space<vmem>>
    %dma_wait3A_1464 = tpu.memref_squeeze %dma_wait3A_1463 : memref<1x50176xf32, #tpu.memory_space<vmem>> -> memref<50176xf32, #tpu.memory_space<vmem>>
    %dma_wait3A_1465 = tpu.memref_slice %arg3[%mul3A_1133] : memref<51380224xf32, #tpu.memory_space<hbm>> -> memref<50176xf32, #tpu.memory_space<hbm>>
    %dma_wait3A_1466 = tpu.memref_slice %arg3[%mul3A_1133] : memref<51380224xf32, #tpu.memory_space<hbm>> -> memref<50176xf32, #tpu.memory_space<hbm>>
    %dma_wait3A_1467 = arith.constant 0 : i32
    %dma_wait3A_1468 = tpu.memref_slice %arg4[%dma_wait3A_1461, %dma_wait3A_1467] : memref<2x50176xf32, #tpu.memory_space<vmem>> -> memref<1x50176xf32, #tpu.memory_space<vmem>>
    %dma_wait3A_1469 = tpu.memref_squeeze %dma_wait3A_1468 : memref<1x50176xf32, #tpu.memory_space<vmem>> -> memref<50176xf32, #tpu.memory_space<vmem>>
    tpu.wait_dma2 semaphore(%arg5 : memref<!tpu.dma_semaphore, #tpu.memory_space<semaphore_mem>>) src(%dma_wait3A_1469 : memref<50176xf32, #tpu.memory_space<vmem>>) dst(%dma_wait3A_1466 : memref<50176xf32, #tpu.memory_space<hbm>>)
    %dma_wait3A_1470 = arith.constant 1 : i32
    %dma_wait3A_1471 = arith.constant 0 : i32
    %dma_wait3A_1472 = tpu.memref_slice %arg4[%dma_wait3A_1470, %dma_wait3A_1471] : memref<2x50176xf32, #tpu.memory_space<vmem>> -> memref<1x50176xf32, #tpu.memory_space<vmem>>
    %dma_wait3A_1473 = tpu.memref_squeeze %dma_wait3A_1472 : memref<1x50176xf32, #tpu.memory_space<vmem>> -> memref<50176xf32, #tpu.memory_space<vmem>>
    %dma_wait3A_1474 = tpu.memref_slice %arg3[%mul3A_1150] : memref<51380224xf32, #tpu.memory_space<hbm>> -> memref<50176xf32, #tpu.memory_space<hbm>>
    %dma_wait3A_1475 = tpu.memref_slice %arg3[%mul3A_1150] : memref<51380224xf32, #tpu.memory_space<hbm>> -> memref<50176xf32, #tpu.memory_space<hbm>>
    %dma_wait3A_1476 = arith.constant 0 : i32
    %dma_wait3A_1477 = tpu.memref_slice %arg4[%dma_wait3A_1470, %dma_wait3A_1476] : memref<2x50176xf32, #tpu.memory_space<vmem>> -> memref<1x50176xf32, #tpu.memory_space<vmem>>
    %dma_wait3A_1478 = tpu.memref_squeeze %dma_wait3A_1477 : memref<1x50176xf32, #tpu.memory_space<vmem>> -> memref<50176xf32, #tpu.memory_space<vmem>>
    tpu.wait_dma2 semaphore(%arg5 : memref<!tpu.dma_semaphore, #tpu.memory_space<semaphore_mem>>) src(%dma_wait3A_1478 : memref<50176xf32, #tpu.memory_space<vmem>>) dst(%dma_wait3A_1475 : memref<50176xf32, #tpu.memory_space<hbm>>)
    %dma_wait3A_1479 = arith.constant 1 : i32
    %dma_wait3A_1480 = arith.constant 0 : i32
    %dma_wait3A_1481 = tpu.memref_slice %arg4[%dma_wait3A_1479, %dma_wait3A_1480] : memref<2x50176xf32, #tpu.memory_space<vmem>> -> memref<1x50176xf32, #tpu.memory_space<vmem>>
    %dma_wait3A_1482 = tpu.memref_squeeze %dma_wait3A_1481 : memref<1x50176xf32, #tpu.memory_space<vmem>> -> memref<50176xf32, #tpu.memory_space<vmem>>
    %dma_wait3A_1483 = tpu.memref_slice %arg3[%mul3A_1167] : memref<51380224xf32, #tpu.memory_space<hbm>> -> memref<50176xf32, #tpu.memory_space<hbm>>
    %dma_wait3A_1484 = tpu.memref_slice %arg3[%mul3A_1167] : memref<51380224xf32, #tpu.memory_space<hbm>> -> memref<50176xf32, #tpu.memory_space<hbm>>
    %dma_wait3A_1485 = arith.constant 0 : i32
    %dma_wait3A_1486 = tpu.memref_slice %arg4[%dma_wait3A_1479, %dma_wait3A_1485] : memref<2x50176xf32, #tpu.memory_space<vmem>> -> memref<1x50176xf32, #tpu.memory_space<vmem>>
    %dma_wait3A_1487 = tpu.memref_squeeze %dma_wait3A_1486 : memref<1x50176xf32, #tpu.memory_space<vmem>> -> memref<50176xf32, #tpu.memory_space<vmem>>
    tpu.wait_dma2 semaphore(%arg5 : memref<!tpu.dma_semaphore, #tpu.memory_space<semaphore_mem>>) src(%dma_wait3A_1487 : memref<50176xf32, #tpu.memory_space<vmem>>) dst(%dma_wait3A_1484 : memref<50176xf32, #tpu.memory_space<hbm>>)
    %dma_wait3A_1488 = arith.constant 1 : i32
    %dma_wait3A_1489 = arith.constant 0 : i32
    %dma_wait3A_1490 = tpu.memref_slice %arg4[%dma_wait3A_1488, %dma_wait3A_1489] : memref<2x50176xf32, #tpu.memory_space<vmem>> -> memref<1x50176xf32, #tpu.memory_space<vmem>>
    %dma_wait3A_1491 = tpu.memref_squeeze %dma_wait3A_1490 : memref<1x50176xf32, #tpu.memory_space<vmem>> -> memref<50176xf32, #tpu.memory_space<vmem>>
    %dma_wait3A_1492 = tpu.memref_slice %arg3[%mul3A_1184] : memref<51380224xf32, #tpu.memory_space<hbm>> -> memref<50176xf32, #tpu.memory_space<hbm>>
    %dma_wait3A_1493 = tpu.memref_slice %arg3[%mul3A_1184] : memref<51380224xf32, #tpu.memory_space<hbm>> -> memref<50176xf32, #tpu.memory_space<hbm>>
    %dma_wait3A_1494 = arith.constant 0 : i32
    %dma_wait3A_1495 = tpu.memref_slice %arg4[%dma_wait3A_1488, %dma_wait3A_1494] : memref<2x50176xf32, #tpu.memory_space<vmem>> -> memref<1x50176xf32, #tpu.memory_space<vmem>>
    %dma_wait3A_1496 = tpu.memref_squeeze %dma_wait3A_1495 : memref<1x50176xf32, #tpu.memory_space<vmem>> -> memref<50176xf32, #tpu.memory_space<vmem>>
    tpu.wait_dma2 semaphore(%arg5 : memref<!tpu.dma_semaphore, #tpu.memory_space<semaphore_mem>>) src(%dma_wait3A_1496 : memref<50176xf32, #tpu.memory_space<vmem>>) dst(%dma_wait3A_1493 : memref<50176xf32, #tpu.memory_space<hbm>>)
    %dma_wait3A_1497 = arith.constant 1 : i32
    %dma_wait3A_1498 = arith.constant 0 : i32
    %dma_wait3A_1499 = tpu.memref_slice %arg4[%dma_wait3A_1497, %dma_wait3A_1498] : memref<2x50176xf32, #tpu.memory_space<vmem>> -> memref<1x50176xf32, #tpu.memory_space<vmem>>
    %dma_wait3A_1500 = tpu.memref_squeeze %dma_wait3A_1499 : memref<1x50176xf32, #tpu.memory_space<vmem>> -> memref<50176xf32, #tpu.memory_space<vmem>>
    %dma_wait3A_1501 = tpu.memref_slice %arg3[%mul3A_1201] : memref<51380224xf32, #tpu.memory_space<hbm>> -> memref<50176xf32, #tpu.memory_space<hbm>>
    %dma_wait3A_1502 = tpu.memref_slice %arg3[%mul3A_1201] : memref<51380224xf32, #tpu.memory_space<hbm>> -> memref<50176xf32, #tpu.memory_space<hbm>>
    %dma_wait3A_1503 = arith.constant 0 : i32
    %dma_wait3A_1504 = tpu.memref_slice %arg4[%dma_wait3A_1497, %dma_wait3A_1503] : memref<2x50176xf32, #tpu.memory_space<vmem>> -> memref<1x50176xf32, #tpu.memory_space<vmem>>
    %dma_wait3A_1505 = tpu.memref_squeeze %dma_wait3A_1504 : memref<1x50176xf32, #tpu.memory_space<vmem>> -> memref<50176xf32, #tpu.memory_space<vmem>>
    tpu.wait_dma2 semaphore(%arg5 : memref<!tpu.dma_semaphore, #tpu.memory_space<semaphore_mem>>) src(%dma_wait3A_1505 : memref<50176xf32, #tpu.memory_space<vmem>>) dst(%dma_wait3A_1502 : memref<50176xf32, #tpu.memory_space<hbm>>)
    %dma_wait3A_1506 = arith.constant 1 : i32
    %dma_wait3A_1507 = arith.constant 0 : i32
    %dma_wait3A_1508 = tpu.memref_slice %arg4[%dma_wait3A_1506, %dma_wait3A_1507] : memref<2x50176xf32, #tpu.memory_space<vmem>> -> memref<1x50176xf32, #tpu.memory_space<vmem>>
    %dma_wait3A_1509 = tpu.memref_squeeze %dma_wait3A_1508 : memref<1x50176xf32, #tpu.memory_space<vmem>> -> memref<50176xf32, #tpu.memory_space<vmem>>
    %dma_wait3A_1510 = tpu.memref_slice %arg3[%mul3A_1218] : memref<51380224xf32, #tpu.memory_space<hbm>> -> memref<50176xf32, #tpu.memory_space<hbm>>
    %dma_wait3A_1511 = tpu.memref_slice %arg3[%mul3A_1218] : memref<51380224xf32, #tpu.memory_space<hbm>> -> memref<50176xf32, #tpu.memory_space<hbm>>
    %dma_wait3A_1512 = arith.constant 0 : i32
    %dma_wait3A_1513 = tpu.memref_slice %arg4[%dma_wait3A_1506, %dma_wait3A_1512] : memref<2x50176xf32, #tpu.memory_space<vmem>> -> memref<1x50176xf32, #tpu.memory_space<vmem>>
    %dma_wait3A_1514 = tpu.memref_squeeze %dma_wait3A_1513 : memref<1x50176xf32, #tpu.memory_space<vmem>> -> memref<50176xf32, #tpu.memory_space<vmem>>
    tpu.wait_dma2 semaphore(%arg5 : memref<!tpu.dma_semaphore, #tpu.memory_space<semaphore_mem>>) src(%dma_wait3A_1514 : memref<50176xf32, #tpu.memory_space<vmem>>) dst(%dma_wait3A_1511 : memref<50176xf32, #tpu.memory_space<hbm>>)
    return
  }
}

</mosaic_0001>

<sc_bundles>
// kernel: positional_embedding_broadcast.3.cloned.1.call-start
scs
__scs_entry_jumppad:
0x0: {  	(pc) =	sbr.rel $0x88, $3  }
0x1: {  	(tag) =	ssettag $0x0;
	lr =	simm.s32 $0x1  }
0x2: {  	[smem:$0x3FA0] =	sst lr;
	_ =	strace $0xD0000000  }
0x3: {  	_ = 	snop  }
0x4: {  	_ = 	snop  }
0x5: {  	_ = 	snop  }
0x6: {  	_ = 	snop  }
0x7: {  	_ = 	snop  }
__scs_overlays_trampoline_lowered:
0x8: {  	[smem:$0x3FAF] =	sst s0  }
0x9: {  	[smem:$0x3FB0] =	sst s1  }
0xa: {  	[smem:$0x3FB1] =	sst s2  }
0xb: {  	[smem:$0x3FB2] =	sst s3  }
0xc: {  	[smem:$0x3FB3] =	sst s4  }
0xd: {  	[smem:$0x3FB4] =	sst s5  }
0xe: {  	[smem:$0x3FB5] =	sst s6  }
0xf: {  	[smem:$0x3FB6] =	sst s7  }
0x10: {  	[smem:$0x3FB7] =	sst s8  }
0x11: {  	[smem:$0x3FB8] =	sst s9;
	s0 =	simm.s32 @!p0 $0x0  }
0x12: {  	s1 =	sld [smem:$0x3F9E];
	s0 =	simm.s32 @p0 $0x1  }
0x13: {  	[smem:$0x3FB9] =	sst s0;
	s0 =	simm.s32 @!p1 $0x0  }
0x14: {  	s2 =	sld [smem:$0x3F9D];
	s0 =	simm.s32 @p1 $0x1  }
0x15: {  	[smem:$0x3FBA] =	sst s0;
	s0 =	simm.s32 @!p2 $0x0  }
0x16: {  	s3 =	sld [smem:$0x3FDB];
	s0 =	simm.s32 @p2 $0x1  }
0x17: {  	s4 =	simm.s32 $0x1BF5;
	[smem:$0x3FBC] =	sst s0  }
0x18: {  	s0 =	sld [smem:$0x3F9F];
	_ =	swait.ge [sflag:s4], $0x0  }
0x19: {  	s7 =	sld [smem:$0x3FA0]  }
0x1a: {  	s8 =	sadd.s32 $0xFFFFE003, lr  }
0x1b: {  	s9 =	sadd.s32 $0xFFFFFEF7, lr;
	s5 =	simm.s32 $0xFFFFFFFF;
	p2 =	slt.u32 s8, $0xFFFFF086  }
0x1c: {  	p1 =	slt.u32 s9, $0xF7A;
	s5 =	simm.s32 @!p2 $0x0  }
0x1d: {  	s5 =	simm.s32 @p1 $0x1;
	p0 =	seq.s32 s7, s2  }
0x1e: {  	s7 =	smul.u32 @!p0 $0xF7A, s2;
	p2 =	seq.s32 @!p0 s5, $0x0  }
0x1f: {  	s9 =	smul.u32 $0xF7A, s1;
	s8 =	simm.s32 @!p0 $0x1BF5;
	p2 =	por !p2, p0  }
0x20: {  	[sflag:s8] =	ssyncset.s32 @!p0 $0xFFFFF086;
	s6 =	sadd.s32 @!p0 s3, s7;
	s7 =	simm.s32 @!p0 $0x108  }
0x21: {  	s3 =	sadd.s32 s3, s9;
	s6 =	sadd.s32 @!p0 $0x88, s6;
	s7 =	simm.s32 @p2 $0x1082  }
0x22: {  	[simem:s7], [sflag:s8] =	dma.local @!p0 [hbm:s6], $0xF7A  }
0x23: {  	s9 =	sor.u32 $0xD0000000, s2;
	s6 =	simm.s32 $0x108;
	_ =	swait.ge @!p0 [sflag:s8], $0x0  }
0x24: {  	s3 =	sadd.s32 $0x88, s3;
	s6 =	simm.s32 @!p1 $0x1082;
	[sflag:s4] =	ssyncset.s32 $0xFFFFF086  }
0x25: {  	[simem:s6], [sflag:s4] =	dma.local [hbm:s3], $0xF7A  }
0x26: {  	[smem:$0x3FA0] =	sst s1;
	(tag) =	ssettag s2;
	_ =	strace s9  }
0x27: {  	s1 =	sld [smem:$0x3FB0]  }
0x28: {  	s2 =	sld [smem:$0x3FB1]  }
0x29: {  	s4 =	sld [smem:$0x3FB3]  }
0x2a: {  	p0 =	seq.s32 s5, $0x0;
	s5 =	sld [smem:$0x3FB4]  }
0x2b: {  	s6 =	sld [smem:$0x3FB5]  }
0x2c: {  	s7 =	sld [smem:$0x3FB6]  }
0x2d: {  	s3 =	simm.s32 $0x108;
	s8 =	sld [smem:$0x3FB7]  }
0x2e: {  	s3 =	simm.s32 @!p0 $0x1082;
	s9 =	sld [smem:$0x3FB8]  }
0x2f: {  	lr =	sadd.s32 s0, s3;
	s0 =	sld [smem:$0x3FAF]  }
0x30: {  	s3 =	sld [smem:$0x3FB2]  }
0x31: {  	[smem:$0x3FBB] =	sst s10  }
0x32: {  	s10 =	sld [smem:$0x3FB9];
	_ =	sdelay $0x3  }
0x33: {  	p0 =	seq.s32 s10, $0x1;
	s10 =	sld [smem:$0x3FBB];
	_ =	sdelay $0x3  }
0x34: {  	[smem:$0x3FBB] =	sst s10  }
0x35: {  	s10 =	sld [smem:$0x3FBA];
	_ =	sdelay $0x3  }
0x36: {  	p1 =	seq.s32 s10, $0x1;
	s10 =	sld [smem:$0x3FBB];
	_ =	sdelay $0x3  }
0x37: {  	[smem:$0x3FBB] =	sst s10  }
0x38: {  	s10 =	sld [smem:$0x3FBC]  }
0x39: {  	_ = 	snop;
	(pc) =	sbr.ind lr, $3  }
0x3a: {  	_ = 	snop  }
0x3b: {  	_ = 	snop  }
0x3c: {  	p2 =	seq.s32 s10, $0x1;
	s10 =	sld [smem:$0x3FBB]  }
0x3d: {  	_ =	shalt  }
0x3e: {  	_ =	shalt  }
0x3f: {  	_ =	shalt  }
0x40: {  	_ =	shalt  }
0x41: {  	_ =	shalt  }
0x42: {  	_ =	shalt  }
0x43: {  	_ =	shalt  }
0x44: {  	_ =	shalt  }
0x45: {  	_ =	shalt  }
0x46: {  	_ =	shalt  }
0x47: {  	_ =	shalt  }
0x48: {  	_ =	shalt  }
0x49: {  	_ =	shalt  }
0x4a: {  	_ =	shalt  }
0x4b: {  	_ =	shalt  }
0x4c: {  	_ =	shalt  }
0x4d: {  	_ =	shalt  }
0x4e: {  	_ =	shalt  }
0x4f: {  	_ =	shalt  }
0x50: {  	_ =	shalt  }
0x51: {  	_ =	shalt  }
0x52: {  	_ =	shalt  }
0x53: {  	_ =	shalt  }
0x54: {  	_ =	shalt  }
0x55: {  	_ =	shalt  }
0x56: {  	_ =	shalt  }
0x57: {  	_ =	shalt  }
0x58: {  	_ =	shalt  }
0x59: {  	_ =	shalt  }
0x5a: {  	_ =	shalt  }
0x5b: {  	_ =	shalt  }
0x5c: {  	_ =	shalt  }
0x5d: {  	_ =	shalt  }
0x5e: {  	_ =	shalt  }
0x5f: {  	_ =	shalt  }
0x60: {  	_ =	shalt  }
0x61: {  	_ =	shalt  }
0x62: {  	_ =	shalt  }
0x63: {  	_ =	shalt  }
0x64: {  	_ =	shalt  }
0x65: {  	_ =	shalt  }
0x66: {  	_ =	shalt  }
0x67: {  	_ =	shalt  }
0x68: {  	_ =	shalt  }
0x69: {  	_ =	shalt  }
0x6a: {  	_ =	shalt  }
0x6b: {  	_ =	shalt  }
0x6c: {  	_ =	shalt  }
0x6d: {  	_ =	shalt  }
0x6e: {  	_ =	shalt  }
0x6f: {  	_ =	shalt  }
0x70: {  	_ =	shalt  }
0x71: {  	_ =	shalt  }
0x72: {  	_ =	shalt  }
0x73: {  	_ =	shalt  }
0x74: {  	_ =	shalt  }
0x75: {  	_ =	shalt  }
0x76: {  	_ =	shalt  }
0x77: {  	_ =	shalt  }
0x78: {  	_ =	shalt  }
0x79: {  	_ =	shalt  }
0x7a: {  	_ =	shalt  }
0x7b: {  	_ =	shalt  }
0x7c: {  	_ =	shalt  }
0x7d: {  	_ =	shalt  }
0x7e: {  	_ =	shalt  }
0x7f: {  	_ =	shalt  }
0x80: {  	_ =	shalt  }
0x81: {  	_ =	shalt  }
0x82: {  	_ =	shalt  }
0x83: {  	_ =	shalt  }
0x84: {  	_ =	shalt  }
0x85: {  	_ =	shalt  }
0x86: {  	_ =	shalt  }
0x87: {  	_ =	shalt  }
.Lfunc_end0:
.L_simem_size_0:
called_computation_lowered:
.L_overlay_start_0:
0x88: {  	s2 =	sld [smem:$0x3FD9]  }
0x89: {  	s3 =	sld [smem:$0x3FFE];
	_ =	sdelay $0x1  }
0x8a: {  	s1 =	srdreg.scid  }
0x8b: {  	s0 =	sand.u32 $0x1, s1  }
0x8c: {  	s18 =	sshll.u32 s0, $0xA;
	s2 =	sadd.s32 s3, s2  }
0x8d: {  	s2 =	sadd.s32 s2, s18  }
0x8e: {  	[smem:$0x3FC7] =	sst s2  }
0x8f: {  	_ = 	snop  }
0x90: {  	s2 =	sld [smem:$0x3FC9]  }
0x91: {  	s19 =	sld [smem:$0x3FD0];
	(tm) =	ssettm $0x1  }
0x92: {  	s4 =	sld [smem:$0x3FFB];
	_ =	sdelay $0x3  }
0x93: {  	_ =	strace s4  }
0x94: {  	s4 =	sld [smem:$0x3FFC];
	_ =	sdelay $0x3  }
0x95: {  	_ =	strace s4  }
0x96: {  	s4 =	sld [smem:$0x3FFD];
	_ =	sdelay $0x3  }
0x97: {  	_ =	strace s4  }
0x98: {  	_ =	strace $0x8FFFFFFF  }
0x99: {  	s20 =	sld [smem:$0x3FDB];
	_ =	sdelay $0x1  }
0x9a: {  	s5 =	simm.s32 $_scs_section_size  }
0x9b: {  	s6 =	simm.s32 $_size__tile_overlayer_lowered;
	s7 =	simm.s32 $_tile_overlayer_lowered  }
0x9c: {  	s23 =	simm.s32 $0x1BFF;
	s22 =	sshll.u32 s7, $0x1;
	s4 =	sadd.s32 s5, s20  }
0x9d: {  	s8 =	simm.s32 $0x0;
	s21 =	sshll.u32 s6, $0x1;
	s6 =	sadd.s32 s22, s4  }
0x9e: {  	[timem:s8], [sflag:s23] =	dma.local [hbm:s6], s21  }
0x9f: {  	_ =	swait.ge [sflag:s23], s21  }
0xa0: {  	s5 =	ssub.s32 $0x0, s21;
	[sflag:s23] =	ssyncset.done $0x0  }
0xa1: {  	[sflag:s23] =	ssyncadd.s32 s5;
	_ =	sdelay $0x1  }
0xa2: {  	s24 =	simm.s32 $0x1B8B  }
0xa3: {  	_ =	swait.ge [sflag:s24], $0x1  }
0xa4: {  	[sflag:s24] =	ssyncset.done $0x0  }
0xa5: {  	s25 =	simm.s32 $0x1B8E;
	[sflag:s24] =	ssyncadd.s32 $0xFFFFFFFF  }
0xa6: {  	s26 =	simm.s32 $execute0_lowered;
	[smem:$0x3FD2] =	sst s25  }
0xa7: {  	s5 =	sshll.u32 s26, $0x1;
	_ =	strace $0x80000046;
	[dreg:$0x1] =	wrdreg $0xFFFFFFFF  }
0xa8: {  	s28 =	simm.s32 $_size_execute0_lowered;
	s4 =	sadd.s32 s4, s5;
	[dreg:$0x0] =	wrdreg $0x0  }
0xa9: {  	s5 =	sshll.u32 s28, $0x1;
	[dreg:$0x2] =	wrdreg s4  }
0xaa: {  	[dreg:$0x3] =	wrdreg s5  }
0xab: {  	[dreg:$0x4] =	wrdreg $0xC0  }
0xac: {  	_ =	task [dreg:s8], $0x5FFFF  }
0xad: {  	[dreg:$0x1] =	wrdreg $0xFFFFFFFF  }
0xae: {  	[dreg:$0x0] =	wrdreg $0x60  }
0xaf: {  	[dreg:$0x2] =	wrdreg s2  }
0xb0: {  	[dreg:$0x3] =	wrdreg s19  }
0xb1: {  	[dreg:$0x4] =	wrdreg $0x9  }
0xb2: {  	_ =	task.clear_ibuf [dreg:s8], $0x5FFFF;
	_ =	strace $0x90000046  }
0xb3: {  	s29 =	simm.s32 $0x9;
	_ =	strace $0x80000048  }
0xb4: {  	_ =	swait.ge [sflag:s29], $0x1  }
0xb5: {  	[sflag:s29] =	ssyncadd.s32 $0xFFFFFFFF  }
0xb6: {  	_ =	strace $0x90000048  }
0xb7: {  	_ =	sfence  }
0xb8: {  	s30 =	sld [smem:$0x0];
	_ =	sdelay $0x2  }
0xb9: {  	s31 =	sshll.u32 s1, $0xD;
	s1 =	sshrl.u32 s1, $0x2  }
0xba: {  	s3 =	sand.u32 $0x4000, s31;
	s1 =	sadd.s32 s1, s30  }
0xbb: {  	s0 =	sor.u32 s3, s0;
	s1 =	sshll.u32 s1, $0x11  }
0xbc: {  	s0 =	sor.u32 s1, s0  }
0xbd: {  	s0 =	sadd.s32 $0x8F2B, s0  }
0xbe: {  	[sflag:s0] =	ssyncadd.remote.s32 $0x1  }
0xbf: {  	_ =	sfence.sel $0xFFFF  }
0xc0: {  	[dreg:$0x0] =	wrdreg $0xFFFFFFFF;
	(pc) =	sbr.abs _section_cstart, $3  }
0xc1: {  	[dreg:$0x1] =	wrdreg $0xFFFFFFFF  }
0xc2: {  	_ =	task.clear_ibuf [dreg:s8], $0x2FFFF;
	_ =	strace $0x9FFFFFFF  }
0xc3: {  	(tm) =	ssettm $0x7FFFFFFF  }
tec
execute0_lowered:
.L_overlay_start_1:
0x0: {  	(tag) =	ssettag $0x1  }
0x1: {  	s3 =	srdreg.scid;
	s4 =	stileid.u32  }
0x2: {  	s3 =	sand.u32 $0x1, s3;
	s4 =	sshll.u32 s4, $0x1  }
0x3: {  	s1 =	rddreg [dreg:$0x0];
	s5 =	ssub.s32 $0x2, s3;
	s3 =	sor.u32 s3, s4  }
0x4: {  	s2 =	simm.s32 $0x0;
	s7 =	smul.u32 $0x62000, s3;
	s4 =	sshll.u32 s3, $0x1  }
0x5: {  	s23 =	sshll.u32 s3, $0x5;
	s8 =	smul.u32 $0xC400, s3;
	s3 =	sshllo.u32 s3, $0x1  }
0x6: {  	[smem:$0x7FF] =	sst s2;
	s9 =	sor.u32 $0x40, s4;
	s17 =	smul.u32 $0x6200, s3  }
0x7: {  	s0 =	rddreg [dreg:$0x1];
	_ =	strace $0x80000047;
	s25 =	smul.u32 $0x6200, s9  }
0x8: {  	s22 =	sshrl.u32 s5, $0x1;
	s12 =	sor.u32 $0x80, s4;
	s26 =	smul.u32 $0x31000, s9  }
0x9: {  	s6 =	ssub.s32 s5, s22;
	s5 =	sadd.s32 s1, s23;
	s14 =	smul.u32 $0x6200, s12  }
0xa: {  	s15 =	sor.u32 $0xC0, s4;
	[dreg:$0x3] =	wrdreg s5;
	s5 =	smul.u32 $0x31000, s12  }
0xb: {  	s16 =	smul.u32 $0x6200, s15  }
0xc: {  	s20 =	sor.u32 $0x81, s4;
	s9 =	smul.u32 $0x31000, s15  }
0xd: {  	s7 =	sshrl.u32 s7, $0x3;
	s8 =	sadd.s32 s0, s8;
	s12 =	smul.u32 $0x31000, s3  }
0xe: {  	s3 =	sshll.u32 s3, $0x4;
	s23 =	smul.u32 $0x6200, s20;
	s6 =	smax.u32 s6, $0x1  }
0xf: {  	s24 =	sadd.s32 s0, s7;
	[dreg:$0x4] =	wrdreg s8;
	s1 =	sadd.s32 s1, s3  }
0x10: {  	s21 =	sadd.s32 s0, s17;
	s3 =	smul.u32 $0x31000, s20;
	[dreg:$0x11] =	wrdreg s6  }
0x11: {  	s10 =	sadd.s32 $0x1880, s24;
	s11 =	sadd.s32 $0x3100, s24;
	s7 =	sadd.s32 s0, s25  }
0x12: {  	s13 =	sshrl.u32 s26, $0x3;
	s8 =	sadd.s32 s0, s14;
	[dreg:$0xc] =	wrdreg s1  }
0x13: {  	s5 =	sshrl.u32 s5, $0x3;
	s15 =	sadd.s32 s0, s16;
	[dreg:$0xd] =	wrdreg s21  }
0x14: {  	s9 =	sshrl.u32 s9, $0x3;
	s22 =	sshrl.u32 s12, $0x3;
	[dreg:$0x6] =	wrdreg s11  }
0x15: {  	s25 =	sadd.s32 s0, s23;
	s11 =	sadd.s32 $0x4980, s24;
	[dreg:$0x8] =	wrdreg s7  }
0x16: {  	s18 =	sadd.s32 s0, s13;
	[dreg:$0xa] =	wrdreg s8;
	s13 =	sor.u32 $0x41, s4  }
0x17: {  	s5 =	sadd.s32 s0, s5;
	s9 =	sadd.s32 s0, s9;
	s14 =	smul.u32 $0x6200, s13  }
0x18: {  	s8 =	sadd.s32 s0, s22;
	s4 =	sor.u32 $0xC1, s4;
	s19 =	smul.u32 $0x31000, s13  }
0x19: {  	s3 =	sshrl.u32 s3, $0x3;
	[dreg:$0xf] =	wrdreg s25;
	s16 =	smul.u32 $0x31000, s4  }
0x1a: {  	[dreg:$0x5] =	wrdreg s10;
	s7 =	sadd.s32 $0x1880, s18;
	s4 =	smul.u32 $0x6200, s4  }
0x1b: {  	s3 =	sadd.s32 s0, s3;
	s17 =	sadd.s32 $0x3100, s18;
	s18 =	sadd.s32 $0x4980, s18  }
0x1c: {  	s20 =	sadd.s32 $0x3100, s5;
	s21 =	sadd.s32 $0x4980, s5;
	s22 =	sadd.s32 $0x1880, s9  }
0x1d: {  	s23 =	sadd.s32 $0x3100, s9;
	s25 =	sadd.s32 $0x1880, s8;
	s28 =	sadd.s32 $0x4980, s8  }
0x1e: {  	[dreg:$0x7] =	wrdreg s11;
	s13 =	smov.u32 s7;
	s24 =	sadd.s32 s0, s14  }
0x1f: {  	s14 =	smov.u32 s15;
	s1 =	sshrl.u32 s19, $0x3;
	s26 =	sshrl.u32 s16, $0x3  }
0x20: {  	s16 =	sadd.s32 s0, s4;
	s19 =	sadd.s32 $0x1880, s5;
	[dreg:$0x9] =	wrdreg s13  }
0x21: {  	s15 =	smov.u32 s24;
	s1 =	sadd.s32 s0, s1;
	s7 =	sadd.s32 s0, s26  }
0x22: {  	s24 =	sadd.s32 $0x4980, s9;
	s26 =	sadd.s32 $0x3100, s8;
	[dreg:$0xb] =	wrdreg s14  }
0x23: {  	s0 =	sadd.s32 $0x1880, s3;
	s8 =	simm.s32 $0x0;
	[dreg:$0x10] =	wrdreg s16  }
0x24: {  	s29 =	sadd.s32 $0x1880, s1;
	s30 =	sadd.s32 $0x3100, s1;
	s31 =	sadd.s32 $0x4980, s1  }
0x25: {  	s1 =	sadd.s32 $0x3100, s3;
	s3 =	sadd.s32 $0x4980, s3;
	s12 =	sadd.s32 $0x1880, s7  }
0x26: {  	s4 =	sadd.s32 $0x3100, s7;
	s5 =	sadd.s32 $0x4980, s7;
	[dreg:$0xe] =	wrdreg s15  }
.LBB2_1:
0x27: {  	[dreg:$0x12] =	wrdreg s8  }
0x28: {  	s6 =	rddreg [dreg:$0x3];
	s16 =	simm.s32 $0x2  }
0x29: {  	[tilespmem:s2], [sflag:$0x2] =	stream.linear.gather [hbm4b:s6+s2], $0x80, $0x38;
	[tilespmem:$0x18800] =	vst v63  }
0x2a: {  	_ =	swait.ge [sflag:s16], $0x80  }
0x2b: {  	[sflag:s16] =	ssyncset.done $0x0  }
0x2c: {  	[sflag:s16] =	ssyncadd.s32 $0xFFFFFF80  }
0x2d: {  	v2 =	vld [tilespmem:$0x0]  }
0x2e: {  	v3 =	vld [tilespmem:$0x10]  }
0x2f: {  	v4 =	vld [tilespmem:$0x20]  }
0x30: {  	v0 =	vld [tilespmem:$0x70]  }
0x31: {  	v1 =	vld [tilespmem:$0x60]  }
0x32: {  	v6 =	vld [tilespmem:$0x50]  }
0x33: {  	s6 =	simm.s32 $0x240;
	v7 =	vld [tilespmem:$0x40]  }
0x34: {  	v5 =	vld [tilespmem:$0x30];
	[tilespmem:s6+$0xFFFFFEC0] =	vst v2  }
0x35: {  	[tilespmem:s6+$0x230] =	vst v0  }
0x36: {  	[tilespmem:s6+$0x220] =	vst v1  }
0x37: {  	[tilespmem:s6+$0x210] =	vst v6  }
0x38: {  	[tilespmem:s6+$0x200] =	vst v7  }
0x39: {  	[tilespmem:s6+$0x1F0] =	vst v5  }
0x3a: {  	[tilespmem:s6+$0x1E0] =	vst v4  }
0x3b: {  	[tilespmem:s6+$0x1D0] =	vst v3  }
0x3c: {  	[tilespmem:s6+$0x1C0] =	vst v2  }
0x3d: {  	[tilespmem:s6+$0x130] =	vst v0  }
0x3e: {  	[tilespmem:s6+$0x120] =	vst v1  }
0x3f: {  	[tilespmem:s6+$0x110] =	vst v6  }
0x40: {  	[tilespmem:s6+$0x100] =	vst v7  }
0x41: {  	[tilespmem:s6+$0xF0] =	vst v5  }
0x42: {  	[tilespmem:s6+$0xE0] =	vst v4  }
0x43: {  	[tilespmem:s6+$0xD0] =	vst v3  }
0x44: {  	[tilespmem:s6+$0xC0] =	vst v2  }
0x45: {  	[tilespmem:s6+$0x30] =	vst v0  }
0x46: {  	[tilespmem:s6+$0x20] =	vst v1  }
0x47: {  	[tilespmem:s6+$0x10] =	vst v6  }
0x48: {  	[tilespmem:s6+$0x0] =	vst v7  }
0x49: {  	[tilespmem:s6+$0xFFFFFFF0] =	vst v5  }
0x4a: {  	[tilespmem:s6+$0xFFFFFFE0] =	vst v4  }
0x4b: {  	[tilespmem:s6+$0xFFFFFFD0] =	vst v3  }
0x4c: {  	[tilespmem:s6+$0xFFFFFFC0] =	vst v2  }
0x4d: {  	[tilespmem:s6+$0xFFFFFF30] =	vst v0  }
0x4e: {  	[tilespmem:s6+$0xFFFFFF20] =	vst v1  }
0x4f: {  	[tilespmem:s6+$0xFFFFFF10] =	vst v6  }
0x50: {  	[tilespmem:s6+$0xFFFFFF00] =	vst v7  }
0x51: {  	[tilespmem:s6+$0xFFFFFEF0] =	vst v5  }
0x52: {  	s7 =	simm.s32 $0x1;
	[tilespmem:s6+$0xFFFFFEE0] =	vst v4  }
.LBB2_2:
0x53: {  	s7 =	sadd.s32 $0x4, s7;
	[tilespmem:s6+$0xFFFFFED0] =	vst v3;
	s6 =	sadd.s32 $0x400, s6  }
0x54: {  	[tilespmem:s6+$0xFFFFFEC0] =	vst v2;
	p0 =	slt.u32 s7, $0x181  }
0x55: {  	[tilespmem:s6+$0x230] =	vst v0  }
0x56: {  	[tilespmem:s6+$0x220] =	vst v1  }
0x57: {  	[tilespmem:s6+$0x210] =	vst v6  }
0x58: {  	[tilespmem:s6+$0x200] =	vst v7  }
0x59: {  	[tilespmem:s6+$0x1F0] =	vst v5  }
0x5a: {  	[tilespmem:s6+$0x1E0] =	vst v4  }
0x5b: {  	[tilespmem:s6+$0x1D0] =	vst v3  }
0x5c: {  	[tilespmem:s6+$0x1C0] =	vst v2  }
0x5d: {  	[tilespmem:s6+$0x130] =	vst v0  }
0x5e: {  	[tilespmem:s6+$0x120] =	vst v1  }
0x5f: {  	[tilespmem:s6+$0x110] =	vst v6  }
0x60: {  	[tilespmem:s6+$0x100] =	vst v7  }
0x61: {  	[tilespmem:s6+$0xF0] =	vst v5  }
0x62: {  	[tilespmem:s6+$0xE0] =	vst v4  }
0x63: {  	[tilespmem:s6+$0xD0] =	vst v3  }
0x64: {  	[tilespmem:s6+$0xC0] =	vst v2  }
0x65: {  	[tilespmem:s6+$0x30] =	vst v0  }
0x66: {  	[tilespmem:s6+$0x20] =	vst v1  }
0x67: {  	[tilespmem:s6+$0x10] =	vst v6  }
0x68: {  	[tilespmem:s6+$0x0] =	vst v7  }
0x69: {  	[tilespmem:s6+$0xFFFFFFF0] =	vst v5  }
0x6a: {  	[tilespmem:s6+$0xFFFFFFE0] =	vst v4  }
0x6b: {  	[tilespmem:s6+$0xFFFFFFD0] =	vst v3  }
0x6c: {  	[tilespmem:s6+$0xFFFFFFC0] =	vst v2  }
0x6d: {  	[tilespmem:s6+$0xFFFFFF30] =	vst v0  }
.Ltmp0:
0x6e: {  	[tilespmem:s6+$0xFFFFFF20] =	vst v1;
	(pc) =	sbr.rel @p0 .LBB2_2-.Ltmp0, $4  }
0x6f: {  	[tilespmem:s6+$0xFFFFFF10] =	vst v6  }
0x70: {  	[tilespmem:s6+$0xFFFFFF00] =	vst v7  }
0x71: {  	[tilespmem:s6+$0xFFFFFEF0] =	vst v5  }
0x72: {  	[tilespmem:s6+$0xFFFFFEE0] =	vst v4  }
0x73: {  	[tilespmem:s6+$0xFFFFFED0] =	vst v3  }
0x74: {  	[tilespmem:$0x18500] =	vst v2  }
0x75: {  	[tilespmem:$0x18510] =	vst v3  }
0x76: {  	[tilespmem:$0x18520] =	vst v4  }
0x77: {  	[tilespmem:$0x18530] =	vst v5  }
0x78: {  	[tilespmem:$0x18540] =	vst v7  }
0x79: {  	[tilespmem:$0x18550] =	vst v6  }
0x7a: {  	[tilespmem:$0x18560] =	vst v1  }
0x7b: {  	[tilespmem:$0x18570] =	vst v0  }
0x7c: {  	[tilespmem:$0x18600] =	vst v2  }
0x7d: {  	[tilespmem:$0x18610] =	vst v3  }
0x7e: {  	[tilespmem:$0x18620] =	vst v4  }
0x7f: {  	[tilespmem:$0x18630] =	vst v5  }
0x80: {  	[tilespmem:$0x18640] =	vst v7  }
0x81: {  	[tilespmem:$0x18650] =	vst v6  }
0x82: {  	[tilespmem:$0x18660] =	vst v1  }
0x83: {  	[tilespmem:$0x18670] =	vst v0  }
0x84: {  	[tilespmem:$0x18700] =	vst v2  }
0x85: {  	[tilespmem:$0x18710] =	vst v3  }
0x86: {  	[tilespmem:$0x18720] =	vst v4  }
0x87: {  	[tilespmem:$0x18730] =	vst v5  }
0x88: {  	[tilespmem:$0x18740] =	vst v7  }
0x89: {  	[tilespmem:$0x18750] =	vst v6  }
0x8a: {  	s6 =	simm.s32 $0x0;
	s10 =	rddreg [dreg:$0x4];
	[tilespmem:$0x18760] =	vst v1  }
0x8b: {  	s7 =	simm.s32 $0x10;
	s8 =	simm.s32 $0x100;
	[tilespmem:$0x18770] =	vst v0;
	s9 =	sadd.s32 $0x0, s10  }
.LBB2_4:
0x8c: {  	[hbm4b:s9+s2] =	stream.linear.scatter [tilespmem:s6], [sflag:$0x1], $0x80, $0x38;
	[tilespmem:$0x18800] =	vst v63  }
0x8d: {  	s9 =	smov.u32 s7;
	s6 =	smov.u32 s8;
	p0 =	sne.s32 s7, $0x1870  }
.Ltmp1:
0x8e: {  	s7 =	sadd.s32 $0x10, s7;
	(pc) =	sbr.rel @p0 .LBB2_4-.Ltmp1, $2  }
0x8f: {  	_ =	sdelay $0x2  }
0x90: {  	s8 =	sadd.s32 $0x100, s8;
	s9 =	sadd.s32 s9, s10  }
0x91: {  	[hbm4b:s9+s2] =	stream.linear.scatter [tilespmem:s6], [sflag:$0x1], $0x80, $0x38;
	[tilespmem:$0x18800] =	vst v63  }
0x92: {  	s6 =	simm.s32 $0x0;
	s10 =	rddreg [dreg:$0x5]  }
0x93: {  	s7 =	simm.s32 $0x10;
	s8 =	simm.s32 $0x100;
	s9 =	sadd.s32 $0x0, s10  }
.LBB2_6:
0x94: {  	[hbm4b:s9+s2] =	stream.linear.scatter [tilespmem:s6], [sflag:$0x1], $0x80, $0x38;
	[tilespmem:$0x18800] =	vst v63  }
0x95: {  	s9 =	smov.u32 s7;
	s6 =	smov.u32 s8;
	p0 =	sne.s32 s7, $0x1870  }
.Ltmp2:
0x96: {  	s7 =	sadd.s32 $0x10, s7;
	(pc) =	sbr.rel @p0 .LBB2_6-.Ltmp2, $2  }
0x97: {  	_ =	sdelay $0x2  }
0x98: {  	s8 =	sadd.s32 $0x100, s8;
	s9 =	sadd.s32 s9, s10  }
0x99: {  	[hbm4b:s9+s2] =	stream.linear.scatter [tilespmem:s6], [sflag:$0x1], $0x80, $0x38;
	[tilespmem:$0x18800] =	vst v63  }
0x9a: {  	s6 =	simm.s32 $0x0;
	s11 =	rddreg [dreg:$0x6]  }
0x9b: {  	s7 =	simm.s32 $0x10;
	s8 =	simm.s32 $0x100;
	s9 =	sadd.s32 $0x0, s11  }
.LBB2_8:
0x9c: {  	[hbm4b:s9+s2] =	stream.linear.scatter [tilespmem:s6], [sflag:$0x1], $0x80, $0x38;
	[tilespmem:$0x18800] =	vst v63  }
0x9d: {  	s9 =	smov.u32 s7;
	s6 =	smov.u32 s8;
	p0 =	sne.s32 s7, $0x1870  }
.Ltmp3:
0x9e: {  	s7 =	sadd.s32 $0x10, s7;
	(pc) =	sbr.rel @p0 .LBB2_8-.Ltmp3, $2  }
0x9f: {  	_ =	sdelay $0x2  }
0xa0: {  	s8 =	sadd.s32 $0x100, s8;
	s9 =	sadd.s32 s9, s11  }
0xa1: {  	[hbm4b:s9+s2] =	stream.linear.scatter [tilespmem:s6], [sflag:$0x1], $0x80, $0x38;
	[tilespmem:$0x18800] =	vst v63  }
0xa2: {  	s6 =	simm.s32 $0x0;
	s11 =	rddreg [dreg:$0x7]  }
0xa3: {  	s7 =	simm.s32 $0x10;
	s8 =	simm.s32 $0x100;
	s9 =	sadd.s32 $0x0, s11  }
.LBB2_10:
0xa4: {  	[hbm4b:s9+s2] =	stream.linear.scatter [tilespmem:s6], [sflag:$0x1], $0x80, $0x38;
	[tilespmem:$0x18800] =	vst v63  }
0xa5: {  	s9 =	smov.u32 s7;
	s6 =	smov.u32 s8;
	p0 =	sne.s32 s7, $0x1870  }
.Ltmp4:
0xa6: {  	s7 =	sadd.s32 $0x10, s7;
	(pc) =	sbr.rel @p0 .LBB2_10-.Ltmp4, $2  }
0xa7: {  	_ =	sdelay $0x2  }
0xa8: {  	s8 =	sadd.s32 $0x100, s8;
	s9 =	sadd.s32 s9, s11  }
0xa9: {  	[hbm4b:s9+s2] =	stream.linear.scatter [tilespmem:s6], [sflag:$0x1], $0x80, $0x38;
	[tilespmem:$0x18800] =	vst v63  }
0xaa: {  	s6 =	simm.s32 $0x0;
	s13 =	rddreg [dreg:$0x8]  }
0xab: {  	s7 =	simm.s32 $0x10;
	s8 =	simm.s32 $0x100;
	s9 =	sadd.s32 $0x0, s13  }
.LBB2_12:
0xac: {  	[hbm4b:s9+s2] =	stream.linear.scatter [tilespmem:s6], [sflag:$0x1], $0x80, $0x38;
	[tilespmem:$0x18800] =	vst v63  }
0xad: {  	s9 =	smov.u32 s7;
	s6 =	smov.u32 s8;
	p0 =	sne.s32 s7, $0x1870  }
.Ltmp5:
0xae: {  	s7 =	sadd.s32 $0x10, s7;
	(pc) =	sbr.rel @p0 .LBB2_12-.Ltmp5, $2  }
0xaf: {  	_ =	sdelay $0x2  }
0xb0: {  	s8 =	sadd.s32 $0x100, s8;
	s9 =	sadd.s32 s9, s13  }
0xb1: {  	[hbm4b:s9+s2] =	stream.linear.scatter [tilespmem:s6], [sflag:$0x1], $0x80, $0x38;
	[tilespmem:$0x18800] =	vst v63  }
0xb2: {  	s6 =	simm.s32 $0x0;
	s13 =	rddreg [dreg:$0x9]  }
0xb3: {  	s7 =	simm.s32 $0x10;
	s8 =	simm.s32 $0x100;
	s9 =	sadd.s32 $0x0, s13  }
.LBB2_14:
0xb4: {  	[hbm4b:s9+s2] =	stream.linear.scatter [tilespmem:s6], [sflag:$0x1], $0x80, $0x38;
	[tilespmem:$0x18800] =	vst v63  }
0xb5: {  	s9 =	smov.u32 s7;
	s6 =	smov.u32 s8;
	p0 =	sne.s32 s7, $0x1870  }
.Ltmp6:
0xb6: {  	s7 =	sadd.s32 $0x10, s7;
	(pc) =	sbr.rel @p0 .LBB2_14-.Ltmp6, $2  }
0xb7: {  	_ =	sdelay $0x2  }
0xb8: {  	s8 =	sadd.s32 $0x100, s8;
	s9 =	sadd.s32 s9, s13  }
0xb9: {  	[hbm4b:s9+s2] =	stream.linear.scatter [tilespmem:s6], [sflag:$0x1], $0x80, $0x38;
	[tilespmem:$0x18800] =	vst v63  }
0xba: {  	s6 =	simm.s32 $0x0  }
0xbb: {  	s7 =	simm.s32 $0x10;
	s9 =	sadd.s32 $0x0, s17;
	s8 =	simm.s32 $0x100  }
.LBB2_16:
0xbc: {  	[hbm4b:s9+s2] =	stream.linear.scatter [tilespmem:s6], [sflag:$0x1], $0x80, $0x38;
	[tilespmem:$0x18800] =	vst v63  }
0xbd: {  	s9 =	smov.u32 s7;
	s6 =	smov.u32 s8;
	p0 =	sne.s32 s7, $0x1870  }
.Ltmp7:
0xbe: {  	s7 =	sadd.s32 $0x10, s7;
	(pc) =	sbr.rel @p0 .LBB2_16-.Ltmp7, $2  }
0xbf: {  	_ =	sdelay $0x2  }
0xc0: {  	s8 =	sadd.s32 $0x100, s8;
	s9 =	sadd.s32 s9, s17  }
0xc1: {  	[hbm4b:s9+s2] =	stream.linear.scatter [tilespmem:s6], [sflag:$0x1], $0x80, $0x38;
	[tilespmem:$0x18800] =	vst v63  }
0xc2: {  	s6 =	simm.s32 $0x0  }
0xc3: {  	s7 =	simm.s32 $0x10;
	s9 =	sadd.s32 $0x0, s18;
	s8 =	simm.s32 $0x100  }
.LBB2_18:
0xc4: {  	[hbm4b:s9+s2] =	stream.linear.scatter [tilespmem:s6], [sflag:$0x1], $0x80, $0x38;
	[tilespmem:$0x18800] =	vst v63  }
0xc5: {  	s9 =	smov.u32 s7;
	s6 =	smov.u32 s8;
	p0 =	sne.s32 s7, $0x1870  }
.Ltmp8:
0xc6: {  	s7 =	sadd.s32 $0x10, s7;
	(pc) =	sbr.rel @p0 .LBB2_18-.Ltmp8, $2  }
0xc7: {  	_ =	sdelay $0x2  }
0xc8: {  	s8 =	sadd.s32 $0x100, s8;
	s9 =	sadd.s32 s9, s18  }
0xc9: {  	[hbm4b:s9+s2] =	stream.linear.scatter [tilespmem:s6], [sflag:$0x1], $0x80, $0x38;
	[tilespmem:$0x18800] =	vst v63  }
0xca: {  	s6 =	simm.s32 $0x0;
	s14 =	rddreg [dreg:$0xa]  }
0xcb: {  	s7 =	simm.s32 $0x10;
	s8 =	simm.s32 $0x100;
	s9 =	sadd.s32 $0x0, s14  }
.LBB2_20:
0xcc: {  	[hbm4b:s9+s2] =	stream.linear.scatter [tilespmem:s6], [sflag:$0x1], $0x80, $0x38;
	[tilespmem:$0x18800] =	vst v63  }
0xcd: {  	s9 =	smov.u32 s7;
	s6 =	smov.u32 s8;
	p0 =	sne.s32 s7, $0x1870  }
.Ltmp9:
0xce: {  	s7 =	sadd.s32 $0x10, s7;
	(pc) =	sbr.rel @p0 .LBB2_20-.Ltmp9, $2  }
0xcf: {  	_ =	sdelay $0x2  }
0xd0: {  	s8 =	sadd.s32 $0x100, s8;
	s9 =	sadd.s32 s9, s14  }
0xd1: {  	[hbm4b:s9+s2] =	stream.linear.scatter [tilespmem:s6], [sflag:$0x1], $0x80, $0x38;
	[tilespmem:$0x18800] =	vst v63  }
0xd2: {  	s6 =	simm.s32 $0x0  }
0xd3: {  	s7 =	simm.s32 $0x10;
	s9 =	sadd.s32 $0x0, s19;
	s8 =	simm.s32 $0x100  }
.LBB2_22:
0xd4: {  	[hbm4b:s9+s2] =	stream.linear.scatter [tilespmem:s6], [sflag:$0x1], $0x80, $0x38;
	[tilespmem:$0x18800] =	vst v63  }
0xd5: {  	s9 =	smov.u32 s7;
	s6 =	smov.u32 s8;
	p0 =	sne.s32 s7, $0x1870  }
.Ltmp10:
0xd6: {  	s7 =	sadd.s32 $0x10, s7;
	(pc) =	sbr.rel @p0 .LBB2_22-.Ltmp10, $2  }
0xd7: {  	_ =	sdelay $0x2  }
0xd8: {  	s8 =	sadd.s32 $0x100, s8;
	s9 =	sadd.s32 s9, s19  }
0xd9: {  	[hbm4b:s9+s2] =	stream.linear.scatter [tilespmem:s6], [sflag:$0x1], $0x80, $0x38;
	[tilespmem:$0x18800] =	vst v63  }
0xda: {  	s6 =	simm.s32 $0x0;
	s7 =	simm.s32 $0x10  }
0xdb: {  	s9 =	sadd.s32 $0x0, s20;
	s8 =	simm.s32 $0x100;
	s14 =	rddreg [dreg:$0xb]  }
.LBB2_24:
0xdc: {  	[hbm4b:s9+s2] =	stream.linear.scatter [tilespmem:s6], [sflag:$0x1], $0x80, $0x38;
	[tilespmem:$0x18800] =	vst v63  }
0xdd: {  	s9 =	smov.u32 s7;
	s6 =	smov.u32 s8;
	p0 =	sne.s32 s7, $0x1870  }
.Ltmp11:
0xde: {  	s7 =	sadd.s32 $0x10, s7;
	(pc) =	sbr.rel @p0 .LBB2_24-.Ltmp11, $2  }
0xdf: {  	_ =	sdelay $0x2  }
0xe0: {  	s8 =	sadd.s32 $0x100, s8;
	s9 =	sadd.s32 s9, s20  }
0xe1: {  	[hbm4b:s9+s2] =	stream.linear.scatter [tilespmem:s6], [sflag:$0x1], $0x80, $0x38;
	[tilespmem:$0x18800] =	vst v63  }
0xe2: {  	s6 =	simm.s32 $0x0  }
0xe3: {  	s7 =	simm.s32 $0x10;
	s9 =	sadd.s32 $0x0, s21;
	s8 =	simm.s32 $0x100  }
.LBB2_26:
0xe4: {  	[hbm4b:s9+s2] =	stream.linear.scatter [tilespmem:s6], [sflag:$0x1], $0x80, $0x38;
	[tilespmem:$0x18800] =	vst v63  }
0xe5: {  	s9 =	smov.u32 s7;
	s6 =	smov.u32 s8;
	p0 =	sne.s32 s7, $0x1870  }
.Ltmp12:
0xe6: {  	s7 =	sadd.s32 $0x10, s7;
	(pc) =	sbr.rel @p0 .LBB2_26-.Ltmp12, $2  }
0xe7: {  	_ =	sdelay $0x2  }
0xe8: {  	s8 =	sadd.s32 $0x100, s8;
	s9 =	sadd.s32 s9, s21  }
0xe9: {  	[hbm4b:s9+s2] =	stream.linear.scatter [tilespmem:s6], [sflag:$0x1], $0x80, $0x38;
	[tilespmem:$0x18800] =	vst v63  }
0xea: {  	s6 =	simm.s32 $0x0  }
0xeb: {  	s7 =	simm.s32 $0x10;
	s9 =	sadd.s32 $0x0, s14;
	s8 =	simm.s32 $0x100  }
.LBB2_28:
0xec: {  	[hbm4b:s9+s2] =	stream.linear.scatter [tilespmem:s6], [sflag:$0x1], $0x80, $0x38;
	[tilespmem:$0x18800] =	vst v63  }
0xed: {  	s9 =	smov.u32 s7;
	s6 =	smov.u32 s8;
	p0 =	sne.s32 s7, $0x1870  }
.Ltmp13:
0xee: {  	s7 =	sadd.s32 $0x10, s7;
	(pc) =	sbr.rel @p0 .LBB2_28-.Ltmp13, $2  }
0xef: {  	_ =	sdelay $0x2  }
0xf0: {  	s8 =	sadd.s32 $0x100, s8;
	s9 =	sadd.s32 s9, s14  }
0xf1: {  	[hbm4b:s9+s2] =	stream.linear.scatter [tilespmem:s6], [sflag:$0x1], $0x80, $0x38;
	[tilespmem:$0x18800] =	vst v63  }
0xf2: {  	s6 =	simm.s32 $0x0  }
0xf3: {  	s7 =	simm.s32 $0x10;
	s9 =	sadd.s32 $0x0, s22;
	s8 =	simm.s32 $0x100  }
.LBB2_30:
0xf4: {  	[hbm4b:s9+s2] =	stream.linear.scatter [tilespmem:s6], [sflag:$0x1], $0x80, $0x38;
	[tilespmem:$0x18800] =	vst v63  }
0xf5: {  	s9 =	smov.u32 s7;
	s6 =	smov.u32 s8;
	p0 =	sne.s32 s7, $0x1870  }
.Ltmp14:
0xf6: {  	s7 =	sadd.s32 $0x10, s7;
	(pc) =	sbr.rel @p0 .LBB2_30-.Ltmp14, $2  }
0xf7: {  	_ =	sdelay $0x2  }
0xf8: {  	s8 =	sadd.s32 $0x100, s8;
	s9 =	sadd.s32 s9, s22  }
0xf9: {  	[hbm4b:s9+s2] =	stream.linear.scatter [tilespmem:s6], [sflag:$0x1], $0x80, $0x38;
	[tilespmem:$0x18800] =	vst v63  }
0xfa: {  	s6 =	simm.s32 $0x0  }
0xfb: {  	s7 =	simm.s32 $0x10;
	s9 =	sadd.s32 $0x0, s23;
	s8 =	simm.s32 $0x100  }
.LBB2_32:
0xfc: {  	[hbm4b:s9+s2] =	stream.linear.scatter [tilespmem:s6], [sflag:$0x1], $0x80, $0x38;
	[tilespmem:$0x18800] =	vst v63  }
0xfd: {  	s9 =	smov.u32 s7;
	s6 =	smov.u32 s8;
	p0 =	sne.s32 s7, $0x1870  }
.Ltmp15:
0xfe: {  	s7 =	sadd.s32 $0x10, s7;
	(pc) =	sbr.rel @p0 .LBB2_32-.Ltmp15, $2  }
0xff: {  	_ =	sdelay $0x2  }
0x100: {  	s8 =	sadd.s32 $0x100, s8;
	s9 =	sadd.s32 s9, s23  }
0x101: {  	[hbm4b:s9+s2] =	stream.linear.scatter [tilespmem:s6], [sflag:$0x1], $0x80, $0x38;
	[tilespmem:$0x18800] =	vst v63  }
0x102: {  	s6 =	simm.s32 $0x0  }
0x103: {  	s7 =	simm.s32 $0x10;
	s9 =	sadd.s32 $0x0, s24;
	s8 =	simm.s32 $0x100  }
.LBB2_34:
0x104: {  	[hbm4b:s9+s2] =	stream.linear.scatter [tilespmem:s6], [sflag:$0x1], $0x80, $0x38;
	[tilespmem:$0x18800] =	vst v63  }
0x105: {  	s9 =	smov.u32 s7;
	s6 =	smov.u32 s8;
	p0 =	sne.s32 s7, $0x1870  }
.Ltmp16:
0x106: {  	s7 =	sadd.s32 $0x10, s7;
	(pc) =	sbr.rel @p0 .LBB2_34-.Ltmp16, $2  }
0x107: {  	_ =	sdelay $0x2  }
0x108: {  	s8 =	sadd.s32 $0x100, s8;
	s9 =	sadd.s32 s9, s24  }
0x109: {  	[hbm4b:s9+s2] =	stream.linear.scatter [tilespmem:s6], [sflag:$0x1], $0x80, $0x38;
	[tilespmem:$0x18800] =	vst v63  }
0x10a: {  	s15 =	rddreg [dreg:$0xc];
	s7 =	simm.s32 $0x80;
	s16 =	simm.s32 $0x2  }
0x10b: {  	[tilespmem:s7], [sflag:$0x2] =	stream.linear.gather [hbm4b:s15+s2], $0x80, $0x38;
	[tilespmem:$0x18800] =	vst v63  }
0x10c: {  	_ =	swait.ge [sflag:s16], $0x80  }
0x10d: {  	[sflag:s16] =	ssyncset.done $0x0  }
0x10e: {  	[sflag:s16] =	ssyncadd.s32 $0xFFFFFF80  }
0x10f: {  	v2 =	vld [tilespmem:$0x80]  }
0x110: {  	v3 =	vld [tilespmem:$0x90]  }
0x111: {  	v4 =	vld [tilespmem:$0xA0]  }
0x112: {  	v0 =	vld [tilespmem:$0xF0]  }
0x113: {  	v1 =	vld [tilespmem:$0xE0]  }
0x114: {  	v6 =	vld [tilespmem:$0xD0]  }
0x115: {  	s6 =	simm.s32 $0x280;
	v7 =	vld [tilespmem:$0xC0]  }
0x116: {  	v5 =	vld [tilespmem:$0xB0];
	[tilespmem:s6+$0xFFFFFF00] =	vst v2  }
0x117: {  	[tilespmem:s6+$0x270] =	vst v0  }
0x118: {  	[tilespmem:s6+$0x260] =	vst v1  }
0x119: {  	[tilespmem:s6+$0x250] =	vst v6  }
0x11a: {  	[tilespmem:s6+$0x240] =	vst v7  }
0x11b: {  	[tilespmem:s6+$0x230] =	vst v5  }
0x11c: {  	[tilespmem:s6+$0x220] =	vst v4  }
0x11d: {  	[tilespmem:s6+$0x210] =	vst v3  }
0x11e: {  	[tilespmem:s6+$0x200] =	vst v2  }
0x11f: {  	[tilespmem:s6+$0x170] =	vst v0  }
0x120: {  	[tilespmem:s6+$0x160] =	vst v1  }
0x121: {  	[tilespmem:s6+$0x150] =	vst v6  }
0x122: {  	[tilespmem:s6+$0x140] =	vst v7  }
0x123: {  	[tilespmem:s6+$0x130] =	vst v5  }
0x124: {  	[tilespmem:s6+$0x120] =	vst v4  }
0x125: {  	[tilespmem:s6+$0x110] =	vst v3  }
0x126: {  	[tilespmem:s6+$0x100] =	vst v2  }
0x127: {  	[tilespmem:s6+$0x70] =	vst v0  }
0x128: {  	[tilespmem:s6+$0x60] =	vst v1  }
0x129: {  	[tilespmem:s6+$0x50] =	vst v6  }
0x12a: {  	[tilespmem:s6+$0x40] =	vst v7  }
0x12b: {  	[tilespmem:s6+$0x30] =	vst v5  }
0x12c: {  	[tilespmem:s6+$0x20] =	vst v4  }
0x12d: {  	[tilespmem:s6+$0x10] =	vst v3  }
0x12e: {  	[tilespmem:s6+$0x0] =	vst v2  }
0x12f: {  	[tilespmem:s6+$0xFFFFFF70] =	vst v0  }
0x130: {  	[tilespmem:s6+$0xFFFFFF60] =	vst v1  }
0x131: {  	[tilespmem:s6+$0xFFFFFF50] =	vst v6  }
0x132: {  	[tilespmem:s6+$0xFFFFFF40] =	vst v7  }
0x133: {  	[tilespmem:s6+$0xFFFFFF30] =	vst v5  }
0x134: {  	s7 =	simm.s32 $0x1;
	[tilespmem:s6+$0xFFFFFF20] =	vst v4  }
.LBB2_36:
0x135: {  	s7 =	sadd.s32 $0x4, s7;
	[tilespmem:s6+$0xFFFFFF10] =	vst v3;
	s6 =	sadd.s32 $0x400, s6  }
0x136: {  	[tilespmem:s6+$0xFFFFFF00] =	vst v2;
	p0 =	slt.u32 s7, $0x181  }
0x137: {  	[tilespmem:s6+$0x270] =	vst v0  }
0x138: {  	[tilespmem:s6+$0x260] =	vst v1  }
0x139: {  	[tilespmem:s6+$0x250] =	vst v6  }
0x13a: {  	[tilespmem:s6+$0x240] =	vst v7  }
0x13b: {  	[tilespmem:s6+$0x230] =	vst v5  }
0x13c: {  	[tilespmem:s6+$0x220] =	vst v4  }
0x13d: {  	[tilespmem:s6+$0x210] =	vst v3  }
0x13e: {  	[tilespmem:s6+$0x200] =	vst v2  }
0x13f: {  	[tilespmem:s6+$0x170] =	vst v0  }
0x140: {  	[tilespmem:s6+$0x160] =	vst v1  }
0x141: {  	[tilespmem:s6+$0x150] =	vst v6  }
0x142: {  	[tilespmem:s6+$0x140] =	vst v7  }
0x143: {  	[tilespmem:s6+$0x130] =	vst v5  }
0x144: {  	[tilespmem:s6+$0x120] =	vst v4  }
0x145: {  	[tilespmem:s6+$0x110] =	vst v3  }
0x146: {  	[tilespmem:s6+$0x100] =	vst v2  }
0x147: {  	[tilespmem:s6+$0x70] =	vst v0  }
0x148: {  	[tilespmem:s6+$0x60] =	vst v1  }
0x149: {  	[tilespmem:s6+$0x50] =	vst v6  }
0x14a: {  	[tilespmem:s6+$0x40] =	vst v7  }
0x14b: {  	[tilespmem:s6+$0x30] =	vst v5  }
0x14c: {  	[tilespmem:s6+$0x20] =	vst v4  }
0x14d: {  	[tilespmem:s6+$0x10] =	vst v3  }
0x14e: {  	[tilespmem:s6+$0x0] =	vst v2  }
0x14f: {  	[tilespmem:s6+$0xFFFFFF70] =	vst v0  }
.Ltmp17:
0x150: {  	[tilespmem:s6+$0xFFFFFF60] =	vst v1;
	(pc) =	sbr.rel @p0 .LBB2_36-.Ltmp17, $4  }
0x151: {  	[tilespmem:s6+$0xFFFFFF50] =	vst v6  }
0x152: {  	[tilespmem:s6+$0xFFFFFF40] =	vst v7  }
0x153: {  	[tilespmem:s6+$0xFFFFFF30] =	vst v5  }
0x154: {  	[tilespmem:s6+$0xFFFFFF20] =	vst v4  }
0x155: {  	[tilespmem:s6+$0xFFFFFF10] =	vst v3  }
0x156: {  	[tilespmem:$0x18580] =	vst v2  }
0x157: {  	[tilespmem:$0x18590] =	vst v3  }
0x158: {  	[tilespmem:$0x185A0] =	vst v4  }
0x159: {  	[tilespmem:$0x185B0] =	vst v5  }
0x15a: {  	[tilespmem:$0x185C0] =	vst v7  }
0x15b: {  	[tilespmem:$0x185D0] =	vst v6  }
0x15c: {  	[tilespmem:$0x185E0] =	vst v1  }
0x15d: {  	[tilespmem:$0x185F0] =	vst v0  }
0x15e: {  	[tilespmem:$0x18680] =	vst v2  }
0x15f: {  	[tilespmem:$0x18690] =	vst v3  }
0x160: {  	[tilespmem:$0x186A0] =	vst v4  }
0x161: {  	[tilespmem:$0x186B0] =	vst v5  }
0x162: {  	[tilespmem:$0x186C0] =	vst v7  }
0x163: {  	[tilespmem:$0x186D0] =	vst v6  }
0x164: {  	[tilespmem:$0x186E0] =	vst v1  }
0x165: {  	[tilespmem:$0x186F0] =	vst v0  }
0x166: {  	[tilespmem:$0x18780] =	vst v2  }
0x167: {  	[tilespmem:$0x18790] =	vst v3  }
0x168: {  	[tilespmem:$0x187A0] =	vst v4  }
0x169: {  	[tilespmem:$0x187B0] =	vst v5  }
0x16a: {  	[tilespmem:$0x187C0] =	vst v7  }
0x16b: {  	[tilespmem:$0x187D0] =	vst v6  }
0x16c: {  	s6 =	simm.s32 $0x80;
	s15 =	rddreg [dreg:$0xd];
	[tilespmem:$0x187E0] =	vst v1  }
0x16d: {  	s7 =	simm.s32 $0x10;
	s8 =	simm.s32 $0x180;
	[tilespmem:$0x187F0] =	vst v0;
	s9 =	sadd.s32 $0x0, s15  }
.LBB2_38:
0x16e: {  	[hbm4b:s9+s2] =	stream.linear.scatter [tilespmem:s6], [sflag:$0x1], $0x80, $0x38;
	[tilespmem:$0x18800] =	vst v63  }
0x16f: {  	s9 =	smov.u32 s7;
	s6 =	smov.u32 s8;
	p0 =	sne.s32 s7, $0x1870  }
.Ltmp18:
0x170: {  	s7 =	sadd.s32 $0x10, s7;
	(pc) =	sbr.rel @p0 .LBB2_38-.Ltmp18, $2  }
0x171: {  	_ =	sdelay $0x2  }
0x172: {  	s8 =	sadd.s32 $0x100, s8;
	s9 =	sadd.s32 s9, s15  }
0x173: {  	[hbm4b:s9+s2] =	stream.linear.scatter [tilespmem:s6], [sflag:$0x1], $0x80, $0x38;
	[tilespmem:$0x18800] =	vst v63  }
0x174: {  	s6 =	simm.s32 $0x80  }
0x175: {  	s7 =	simm.s32 $0x10;
	s9 =	sadd.s32 $0x0, s25;
	s8 =	simm.s32 $0x180  }
.LBB2_40:
0x176: {  	[hbm4b:s9+s2] =	stream.linear.scatter [tilespmem:s6], [sflag:$0x1], $0x80, $0x38;
	[tilespmem:$0x18800] =	vst v63  }
0x177: {  	s9 =	smov.u32 s7;
	s6 =	smov.u32 s8;
	p0 =	sne.s32 s7, $0x1870  }
.Ltmp19:
0x178: {  	s7 =	sadd.s32 $0x10, s7;
	(pc) =	sbr.rel @p0 .LBB2_40-.Ltmp19, $2  }
0x179: {  	_ =	sdelay $0x2  }
0x17a: {  	s8 =	sadd.s32 $0x100, s8;
	s9 =	sadd.s32 s9, s25  }
0x17b: {  	[hbm4b:s9+s2] =	stream.linear.scatter [tilespmem:s6], [sflag:$0x1], $0x80, $0x38;
	[tilespmem:$0x18800] =	vst v63  }
0x17c: {  	s6 =	simm.s32 $0x80;
	s7 =	simm.s32 $0x10  }
0x17d: {  	s9 =	sadd.s32 $0x0, s26;
	s8 =	simm.s32 $0x180;
	s15 =	rddreg [dreg:$0xe]  }
.LBB2_42:
0x17e: {  	[hbm4b:s9+s2] =	stream.linear.scatter [tilespmem:s6], [sflag:$0x1], $0x80, $0x38;
	[tilespmem:$0x18800] =	vst v63  }
0x17f: {  	s9 =	smov.u32 s7;
	s6 =	smov.u32 s8;
	p0 =	sne.s32 s7, $0x1870  }
.Ltmp20:
0x180: {  	s7 =	sadd.s32 $0x10, s7;
	(pc) =	sbr.rel @p0 .LBB2_42-.Ltmp20, $2  }
0x181: {  	_ =	sdelay $0x2  }
0x182: {  	s8 =	sadd.s32 $0x100, s8;
	s9 =	sadd.s32 s9, s26  }
0x183: {  	[hbm4b:s9+s2] =	stream.linear.scatter [tilespmem:s6], [sflag:$0x1], $0x80, $0x38;
	[tilespmem:$0x18800] =	vst v63  }
0x184: {  	s6 =	simm.s32 $0x80  }
0x185: {  	s7 =	simm.s32 $0x10;
	s9 =	sadd.s32 $0x0, s28;
	s8 =	simm.s32 $0x180  }
.LBB2_44:
0x186: {  	[hbm4b:s9+s2] =	stream.linear.scatter [tilespmem:s6], [sflag:$0x1], $0x80, $0x38;
	[tilespmem:$0x18800] =	vst v63  }
0x187: {  	s9 =	smov.u32 s7;
	s6 =	smov.u32 s8;
	p0 =	sne.s32 s7, $0x1870  }
.Ltmp21:
0x188: {  	s7 =	sadd.s32 $0x10, s7;
	(pc) =	sbr.rel @p0 .LBB2_44-.Ltmp21, $2  }
0x189: {  	_ =	sdelay $0x2  }
0x18a: {  	s8 =	sadd.s32 $0x100, s8;
	s9 =	sadd.s32 s9, s28  }
0x18b: {  	[hbm4b:s9+s2] =	stream.linear.scatter [tilespmem:s6], [sflag:$0x1], $0x80, $0x38;
	[tilespmem:$0x18800] =	vst v63  }
0x18c: {  	s6 =	simm.s32 $0x80  }
0x18d: {  	s7 =	simm.s32 $0x10;
	s9 =	sadd.s32 $0x0, s15;
	s8 =	simm.s32 $0x180  }
.LBB2_46:
0x18e: {  	[hbm4b:s9+s2] =	stream.linear.scatter [tilespmem:s6], [sflag:$0x1], $0x80, $0x38;
	[tilespmem:$0x18800] =	vst v63  }
0x18f: {  	s9 =	smov.u32 s7;
	s6 =	smov.u32 s8;
	p0 =	sne.s32 s7, $0x1870  }
.Ltmp22:
0x190: {  	s7 =	sadd.s32 $0x10, s7;
	(pc) =	sbr.rel @p0 .LBB2_46-.Ltmp22, $2  }
0x191: {  	_ =	sdelay $0x2  }
0x192: {  	s8 =	sadd.s32 $0x100, s8;
	s9 =	sadd.s32 s9, s15  }
0x193: {  	[hbm4b:s9+s2] =	stream.linear.scatter [tilespmem:s6], [sflag:$0x1], $0x80, $0x38;
	[tilespmem:$0x18800] =	vst v63  }
0x194: {  	s6 =	simm.s32 $0x80  }
0x195: {  	s7 =	simm.s32 $0x10;
	s9 =	sadd.s32 $0x0, s29;
	s8 =	simm.s32 $0x180  }
.LBB2_48:
0x196: {  	[hbm4b:s9+s2] =	stream.linear.scatter [tilespmem:s6], [sflag:$0x1], $0x80, $0x38;
	[tilespmem:$0x18800] =	vst v63  }
0x197: {  	s9 =	smov.u32 s7;
	s6 =	smov.u32 s8;
	p0 =	sne.s32 s7, $0x1870  }
.Ltmp23:
0x198: {  	s7 =	sadd.s32 $0x10, s7;
	(pc) =	sbr.rel @p0 .LBB2_48-.Ltmp23, $2  }
0x199: {  	_ =	sdelay $0x2  }
0x19a: {  	s8 =	sadd.s32 $0x100, s8;
	s9 =	sadd.s32 s9, s29  }
0x19b: {  	[hbm4b:s9+s2] =	stream.linear.scatter [tilespmem:s6], [sflag:$0x1], $0x80, $0x38;
	[tilespmem:$0x18800] =	vst v63  }
0x19c: {  	s6 =	simm.s32 $0x80  }
0x19d: {  	s7 =	simm.s32 $0x10;
	s9 =	sadd.s32 $0x0, s30;
	s8 =	simm.s32 $0x180  }
.LBB2_50:
0x19e: {  	[hbm4b:s9+s2] =	stream.linear.scatter [tilespmem:s6], [sflag:$0x1], $0x80, $0x38;
	[tilespmem:$0x18800] =	vst v63  }
0x19f: {  	s9 =	smov.u32 s7;
	s6 =	smov.u32 s8;
	p0 =	sne.s32 s7, $0x1870  }
.Ltmp24:
0x1a0: {  	s7 =	sadd.s32 $0x10, s7;
	(pc) =	sbr.rel @p0 .LBB2_50-.Ltmp24, $2  }
0x1a1: {  	_ =	sdelay $0x2  }
0x1a2: {  	s8 =	sadd.s32 $0x100, s8;
	s9 =	sadd.s32 s9, s30  }
0x1a3: {  	[hbm4b:s9+s2] =	stream.linear.scatter [tilespmem:s6], [sflag:$0x1], $0x80, $0x38;
	[tilespmem:$0x18800] =	vst v63  }
0x1a4: {  	s6 =	simm.s32 $0x80  }
0x1a5: {  	s7 =	simm.s32 $0x10;
	s9 =	sadd.s32 $0x0, s31;
	s8 =	simm.s32 $0x180  }
.LBB2_52:
0x1a6: {  	[hbm4b:s9+s2] =	stream.linear.scatter [tilespmem:s6], [sflag:$0x1], $0x80, $0x38;
	[tilespmem:$0x18800] =	vst v63  }
0x1a7: {  	s9 =	smov.u32 s7;
	s6 =	smov.u32 s8;
	p0 =	sne.s32 s7, $0x1870  }
.Ltmp25:
0x1a8: {  	s7 =	sadd.s32 $0x10, s7;
	(pc) =	sbr.rel @p0 .LBB2_52-.Ltmp25, $2  }
0x1a9: {  	_ =	sdelay $0x2  }
0x1aa: {  	s8 =	sadd.s32 $0x100, s8;
	s9 =	sadd.s32 s9, s31  }
0x1ab: {  	[hbm4b:s9+s2] =	stream.linear.scatter [tilespmem:s6], [sflag:$0x1], $0x80, $0x38;
	[tilespmem:$0x18800] =	vst v63  }
0x1ac: {  	s6 =	simm.s32 $0x80;
	s16 =	rddreg [dreg:$0xf]  }
0x1ad: {  	s7 =	simm.s32 $0x10;
	s8 =	simm.s32 $0x180;
	s9 =	sadd.s32 $0x0, s16  }
.LBB2_54:
0x1ae: {  	[hbm4b:s9+s2] =	stream.linear.scatter [tilespmem:s6], [sflag:$0x1], $0x80, $0x38;
	[tilespmem:$0x18800] =	vst v63  }
0x1af: {  	s9 =	smov.u32 s7;
	s6 =	smov.u32 s8;
	p0 =	sne.s32 s7, $0x1870  }
.Ltmp26:
0x1b0: {  	s7 =	sadd.s32 $0x10, s7;
	(pc) =	sbr.rel @p0 .LBB2_54-.Ltmp26, $2  }
0x1b1: {  	_ =	sdelay $0x2  }
0x1b2: {  	s8 =	sadd.s32 $0x100, s8;
	s9 =	sadd.s32 s9, s16  }
0x1b3: {  	[hbm4b:s9+s2] =	stream.linear.scatter [tilespmem:s6], [sflag:$0x1], $0x80, $0x38;
	[tilespmem:$0x18800] =	vst v63  }
0x1b4: {  	s6 =	simm.s32 $0x80  }
0x1b5: {  	s7 =	simm.s32 $0x10;
	s9 =	sadd.s32 $0x0, s0;
	s8 =	simm.s32 $0x180  }
.LBB2_56:
0x1b6: {  	[hbm4b:s9+s2] =	stream.linear.scatter [tilespmem:s6], [sflag:$0x1], $0x80, $0x38;
	[tilespmem:$0x18800] =	vst v63  }
0x1b7: {  	s9 =	smov.u32 s7;
	s6 =	smov.u32 s8;
	p0 =	sne.s32 s7, $0x1870  }
.Ltmp27:
0x1b8: {  	s7 =	sadd.s32 $0x10, s7;
	(pc) =	sbr.rel @p0 .LBB2_56-.Ltmp27, $2  }
0x1b9: {  	_ =	sdelay $0x2  }
0x1ba: {  	s8 =	sadd.s32 $0x100, s8;
	s9 =	sadd.s32 s9, s0  }
0x1bb: {  	[hbm4b:s9+s2] =	stream.linear.scatter [tilespmem:s6], [sflag:$0x1], $0x80, $0x38;
	[tilespmem:$0x18800] =	vst v63  }
0x1bc: {  	s6 =	simm.s32 $0x80;
	s7 =	simm.s32 $0x10  }
0x1bd: {  	s9 =	sadd.s32 $0x0, s1;
	s8 =	simm.s32 $0x180;
	s16 =	rddreg [dreg:$0x10]  }
.LBB2_58:
0x1be: {  	[hbm4b:s9+s2] =	stream.linear.scatter [tilespmem:s6], [sflag:$0x1], $0x80, $0x38;
	[tilespmem:$0x18800] =	vst v63  }
0x1bf: {  	s9 =	smov.u32 s7;
	s6 =	smov.u32 s8;
	p0 =	sne.s32 s7, $0x1870  }
.Ltmp28:
0x1c0: {  	s7 =	sadd.s32 $0x10, s7;
	(pc) =	sbr.rel @p0 .LBB2_58-.Ltmp28, $2  }
0x1c1: {  	_ =	sdelay $0x2  }
0x1c2: {  	s8 =	sadd.s32 $0x100, s8;
	s9 =	sadd.s32 s9, s1  }
0x1c3: {  	[hbm4b:s9+s2] =	stream.linear.scatter [tilespmem:s6], [sflag:$0x1], $0x80, $0x38;
	[tilespmem:$0x18800] =	vst v63  }
0x1c4: {  	s6 =	simm.s32 $0x80  }
0x1c5: {  	s7 =	simm.s32 $0x10;
	s9 =	sadd.s32 $0x0, s3;
	s8 =	simm.s32 $0x180  }
.LBB2_60:
0x1c6: {  	[hbm4b:s9+s2] =	stream.linear.scatter [tilespmem:s6], [sflag:$0x1], $0x80, $0x38;
	[tilespmem:$0x18800] =	vst v63  }
0x1c7: {  	s9 =	smov.u32 s7;
	s6 =	smov.u32 s8;
	p0 =	sne.s32 s7, $0x1870  }
.Ltmp29:
0x1c8: {  	s7 =	sadd.s32 $0x10, s7;
	(pc) =	sbr.rel @p0 .LBB2_60-.Ltmp29, $2  }
0x1c9: {  	_ =	sdelay $0x2  }
0x1ca: {  	s8 =	sadd.s32 $0x100, s8;
	s9 =	sadd.s32 s9, s3  }
0x1cb: {  	[hbm4b:s9+s2] =	stream.linear.scatter [tilespmem:s6], [sflag:$0x1], $0x80, $0x38;
	[tilespmem:$0x18800] =	vst v63  }
0x1cc: {  	s6 =	simm.s32 $0x80  }
0x1cd: {  	s7 =	simm.s32 $0x10;
	s9 =	sadd.s32 $0x0, s16;
	s8 =	simm.s32 $0x180  }
.LBB2_62:
0x1ce: {  	[hbm4b:s9+s2] =	stream.linear.scatter [tilespmem:s6], [sflag:$0x1], $0x80, $0x38;
	[tilespmem:$0x18800] =	vst v63  }
0x1cf: {  	s9 =	smov.u32 s7;
	s6 =	smov.u32 s8;
	p0 =	sne.s32 s7, $0x1870  }
.Ltmp30:
0x1d0: {  	s7 =	sadd.s32 $0x10, s7;
	(pc) =	sbr.rel @p0 .LBB2_62-.Ltmp30, $2  }
0x1d1: {  	_ =	sdelay $0x2  }
0x1d2: {  	s8 =	sadd.s32 $0x100, s8;
	s9 =	sadd.s32 s9, s16  }
0x1d3: {  	[hbm4b:s9+s2] =	stream.linear.scatter [tilespmem:s6], [sflag:$0x1], $0x80, $0x38;
	[tilespmem:$0x18800] =	vst v63  }
0x1d4: {  	s6 =	simm.s32 $0x80  }
0x1d5: {  	s7 =	simm.s32 $0x10;
	s9 =	sadd.s32 $0x0, s12;
	s8 =	simm.s32 $0x180  }
.LBB2_64:
0x1d6: {  	[hbm4b:s9+s2] =	stream.linear.scatter [tilespmem:s6], [sflag:$0x1], $0x80, $0x38;
	[tilespmem:$0x18800] =	vst v63  }
0x1d7: {  	s9 =	smov.u32 s7;
	s6 =	smov.u32 s8;
	p0 =	sne.s32 s7, $0x1870  }
.Ltmp31:
0x1d8: {  	s7 =	sadd.s32 $0x10, s7;
	(pc) =	sbr.rel @p0 .LBB2_64-.Ltmp31, $2  }
0x1d9: {  	_ =	sdelay $0x2  }
0x1da: {  	s8 =	sadd.s32 $0x100, s8;
	s9 =	sadd.s32 s9, s12  }
0x1db: {  	[hbm4b:s9+s2] =	stream.linear.scatter [tilespmem:s6], [sflag:$0x1], $0x80, $0x38;
	[tilespmem:$0x18800] =	vst v63  }
0x1dc: {  	s6 =	simm.s32 $0x80  }
0x1dd: {  	s7 =	simm.s32 $0x10;
	s9 =	sadd.s32 $0x0, s4;
	s8 =	simm.s32 $0x180  }
.LBB2_66:
0x1de: {  	[hbm4b:s9+s2] =	stream.linear.scatter [tilespmem:s6], [sflag:$0x1], $0x80, $0x38;
	[tilespmem:$0x18800] =	vst v63  }
0x1df: {  	s9 =	smov.u32 s7;
	s6 =	smov.u32 s8;
	p0 =	sne.s32 s7, $0x1870  }
.Ltmp32:
0x1e0: {  	s7 =	sadd.s32 $0x10, s7;
	(pc) =	sbr.rel @p0 .LBB2_66-.Ltmp32, $2  }
0x1e1: {  	_ =	sdelay $0x2  }
0x1e2: {  	s8 =	sadd.s32 $0x100, s8;
	s9 =	sadd.s32 s9, s4  }
0x1e3: {  	[hbm4b:s9+s2] =	stream.linear.scatter [tilespmem:s6], [sflag:$0x1], $0x80, $0x38;
	[tilespmem:$0x18800] =	vst v63  }
0x1e4: {  	s6 =	simm.s32 $0x80  }
0x1e5: {  	s7 =	simm.s32 $0x10;
	s9 =	sadd.s32 $0x0, s5;
	s8 =	simm.s32 $0x180  }
.LBB2_68:
0x1e6: {  	[hbm4b:s9+s2] =	stream.linear.scatter [tilespmem:s6], [sflag:$0x1], $0x80, $0x38;
	[tilespmem:$0x18800] =	vst v63  }
0x1e7: {  	s9 =	smov.u32 s7;
	s6 =	smov.u32 s8;
	p0 =	sne.s32 s7, $0x1870  }
.Ltmp33:
0x1e8: {  	s7 =	sadd.s32 $0x10, s7;
	(pc) =	sbr.rel @p0 .LBB2_68-.Ltmp33, $2  }
0x1e9: {  	_ =	sdelay $0x2  }
0x1ea: {  	s8 =	sadd.s32 $0x100, s8;
	s9 =	sadd.s32 s9, s5  }
0x1eb: {  	[hbm4b:s9+s2] =	stream.linear.scatter [tilespmem:s6], [sflag:$0x1], $0x80, $0x38;
	[tilespmem:$0x18800] =	vst v63  }
0x1ec: {  	s7 =	simm.s32 $0x1  }
0x1ed: {  	_ =	swait.ge [sflag:s7], $0xC400  }
0x1ee: {  	[sflag:s7] =	ssyncset.done $0x0  }
0x1ef: {  	[sflag:s7] =	ssyncadd.s32 $0xFFFF3C00  }
0x1f0: {  	_ =	swait.ge [sflag:s7], $0xC400  }
0x1f1: {  	[sflag:s7] =	ssyncset.done $0x0  }
0x1f2: {  	[sflag:s7] =	ssyncadd.s32 $0xFFFF3C00  }
0x1f3: {  	_ =	swait.ge [sflag:s7], $0xC400  }
0x1f4: {  	[sflag:s7] =	ssyncset.done $0x0  }
0x1f5: {  	[sflag:s7] =	ssyncadd.s32 $0xFFFF3C00  }
0x1f6: {  	_ =	swait.ge [sflag:s7], $0xC400  }
0x1f7: {  	[sflag:s7] =	ssyncset.done $0x0  }
0x1f8: {  	[sflag:s7] =	ssyncadd.s32 $0xFFFF3C00  }
0x1f9: {  	_ =	swait.ge [sflag:s7], $0xC400  }
0x1fa: {  	[sflag:s7] =	ssyncset.done $0x0  }
0x1fb: {  	[sflag:s7] =	ssyncadd.s32 $0xFFFF3C00  }
0x1fc: {  	_ =	swait.ge [sflag:s7], $0xC400  }
0x1fd: {  	[sflag:s7] =	ssyncset.done $0x0  }
0x1fe: {  	[sflag:s7] =	ssyncadd.s32 $0xFFFF3C00  }
0x1ff: {  	_ =	swait.ge [sflag:s7], $0xC400  }
0x200: {  	[sflag:s7] =	ssyncset.done $0x0  }
0x201: {  	[sflag:s7] =	ssyncadd.s32 $0xFFFF3C00  }
0x202: {  	_ =	swait.ge [sflag:s7], $0xC400  }
0x203: {  	[sflag:s7] =	ssyncset.done $0x0  }
0x204: {  	[sflag:s7] =	ssyncadd.s32 $0xFFFF3C00  }
0x205: {  	_ =	swait.ge [sflag:s7], $0xC400  }
0x206: {  	[sflag:s7] =	ssyncset.done $0x0  }
0x207: {  	[sflag:s7] =	ssyncadd.s32 $0xFFFF3C00  }
0x208: {  	_ =	swait.ge [sflag:s7], $0xC400  }
0x209: {  	[sflag:s7] =	ssyncset.done $0x0  }
0x20a: {  	[sflag:s7] =	ssyncadd.s32 $0xFFFF3C00  }
0x20b: {  	_ =	swait.ge [sflag:s7], $0xC400  }
0x20c: {  	[sflag:s7] =	ssyncset.done $0x0  }
0x20d: {  	[sflag:s7] =	ssyncadd.s32 $0xFFFF3C00  }
0x20e: {  	_ =	swait.ge [sflag:s7], $0xC400  }
0x20f: {  	[sflag:s7] =	ssyncset.done $0x0  }
0x210: {  	[sflag:s7] =	ssyncadd.s32 $0xFFFF3C00  }
0x211: {  	_ =	swait.ge [sflag:s7], $0xC400  }
0x212: {  	[sflag:s7] =	ssyncset.done $0x0  }
0x213: {  	[sflag:s7] =	ssyncadd.s32 $0xFFFF3C00  }
0x214: {  	_ =	swait.ge [sflag:s7], $0xC400  }
0x215: {  	[sflag:s7] =	ssyncset.done $0x0  }
0x216: {  	[sflag:s7] =	ssyncadd.s32 $0xFFFF3C00  }
0x217: {  	_ =	swait.ge [sflag:s7], $0xC400  }
0x218: {  	[sflag:s7] =	ssyncset.done $0x0  }
0x219: {  	[sflag:s7] =	ssyncadd.s32 $0xFFFF3C00  }
0x21a: {  	_ =	swait.ge [sflag:s7], $0xC400  }
0x21b: {  	[sflag:s7] =	ssyncset.done $0x0  }
0x21c: {  	[sflag:s7] =	ssyncadd.s32 $0xFFFF3C00  }
0x21d: {  	_ =	swait.ge [sflag:s7], $0xC400  }
0x21e: {  	[sflag:s7] =	ssyncset.done $0x0  }
0x21f: {  	[sflag:s7] =	ssyncadd.s32 $0xFFFF3C00  }
0x220: {  	_ =	swait.ge [sflag:s7], $0xC400  }
0x221: {  	[sflag:s7] =	ssyncset.done $0x0  }
0x222: {  	[sflag:s7] =	ssyncadd.s32 $0xFFFF3C00  }
0x223: {  	_ =	swait.ge [sflag:s7], $0xC400  }
0x224: {  	[sflag:s7] =	ssyncset.done $0x0  }
0x225: {  	[sflag:s7] =	ssyncadd.s32 $0xFFFF3C00  }
0x226: {  	_ =	swait.ge [sflag:s7], $0xC400  }
0x227: {  	[sflag:s7] =	ssyncset.done $0x0  }
0x228: {  	[sflag:s7] =	ssyncadd.s32 $0xFFFF3C00  }
0x229: {  	_ =	swait.ge [sflag:s7], $0xC400  }
0x22a: {  	[sflag:s7] =	ssyncset.done $0x0  }
0x22b: {  	[sflag:s7] =	ssyncadd.s32 $0xFFFF3C00  }
0x22c: {  	_ =	swait.ge [sflag:s7], $0xC400  }
0x22d: {  	[sflag:s7] =	ssyncset.done $0x0  }
0x22e: {  	[sflag:s7] =	ssyncadd.s32 $0xFFFF3C00  }
0x22f: {  	_ =	swait.ge [sflag:s7], $0xC400  }
0x230: {  	[sflag:s7] =	ssyncset.done $0x0  }
0x231: {  	[sflag:s7] =	ssyncadd.s32 $0xFFFF3C00  }
0x232: {  	_ =	swait.ge [sflag:s7], $0xC400  }
0x233: {  	[sflag:s7] =	ssyncset.done $0x0  }
0x234: {  	[sflag:s7] =	ssyncadd.s32 $0xFFFF3C00  }
0x235: {  	_ =	swait.ge [sflag:s7], $0xC400  }
0x236: {  	[sflag:s7] =	ssyncset.done $0x0  }
0x237: {  	[sflag:s7] =	ssyncadd.s32 $0xFFFF3C00  }
0x238: {  	_ =	swait.ge [sflag:s7], $0xC400  }
0x239: {  	[sflag:s7] =	ssyncset.done $0x0  }
0x23a: {  	[sflag:s7] =	ssyncadd.s32 $0xFFFF3C00  }
0x23b: {  	_ =	swait.ge [sflag:s7], $0xC400  }
0x23c: {  	[sflag:s7] =	ssyncset.done $0x0  }
0x23d: {  	[sflag:s7] =	ssyncadd.s32 $0xFFFF3C00  }
0x23e: {  	_ =	swait.ge [sflag:s7], $0xC400  }
0x23f: {  	[sflag:s7] =	ssyncset.done $0x0  }
0x240: {  	[sflag:s7] =	ssyncadd.s32 $0xFFFF3C00  }
0x241: {  	_ =	swait.ge [sflag:s7], $0xC400  }
0x242: {  	[sflag:s7] =	ssyncset.done $0x0  }
0x243: {  	[sflag:s7] =	ssyncadd.s32 $0xFFFF3C00  }
0x244: {  	_ =	swait.ge [sflag:s7], $0xC400  }
0x245: {  	[sflag:s7] =	ssyncset.done $0x0  }
0x246: {  	[sflag:s7] =	ssyncadd.s32 $0xFFFF3C00  }
0x247: {  	_ =	swait.ge [sflag:s7], $0xC400  }
0x248: {  	[sflag:s7] =	ssyncset.done $0x0  }
0x249: {  	[sflag:s7] =	ssyncadd.s32 $0xFFFF3C00  }
0x24a: {  	_ =	swait.ge [sflag:s7], $0xC400  }
0x24b: {  	s8 =	rddreg [dreg:$0x12]  }
0x24c: {  	s16 =	rddreg [dreg:$0x11];
	s8 =	sadd.s32 $0x1, s8  }
0x24d: {  	p0 =	sne.s32 s8, s16  }
.Ltmp34:
0x24e: {  	_ = 	snop;
	(pc) =	sbr.rel @p0 .LBB2_1-.Ltmp34, $3  }
0x24f: {  	_ =	sdelay $0x1  }
0x250: {  	[sflag:s7] =	ssyncset.done $0x0  }
0x251: {  	[sflag:s7] =	ssyncadd.s32 $0xFFFF3C00  }
0x252: {  	_ =	sfence.sel $0x180000  }
0x253: {  	[bflag:$0x0] =	sbarrier.arrive $0xFFFF  }
0x254: {  	_ =	strace $0x90000047  }
0x255: {  	s0 =	stileid.u32;
	[bflag:$0x2] =	sbarrier.arrive $0xFFFF  }
0x256: {  	p0 =	sne.s32 s0, $0x0;
	s0 =	rddreg [dreg:$0x2]  }
0x257: {  	s0 =	sadd.s32 @!p0 $0x100000, s0  }
0x258: {  	[sflag:s0] =	ssyncadd.tile.s32 @!p0 $0x1;
	_ =	shalt  }
.Lfunc_end2:
_tile_overlayer_lowered:
.L_overlay_start_2:
0x259: {  	(tag) =	ssettag $0x2  }
0x25a: {  	s0 =	rddreg [dreg:$0x0];
	s2 =	stileid.u32  }
0x25b: {  	s1 =	rddreg [dreg:$0x1];
	p0 =	sne.s32 s2, $0x0  }
0x25c: {  	s3 =	rddreg [dreg:$0x2];
	[bflag:$0x3] =	sbarrier.arrive $0xFFFF;
	s2 =	simm.s32 @!p0 $0x1C02  }
0x25d: {  	[timem:s3], [sflag:s2] =	dma.local @!p0 [hbm:s0], s1  }
0x25e: {  	s0 =	simm.s32 @!p0 $0x2  }
0x25f: {  	_ =	swait.ge @!p0 [sflag:s0], s1  }
0x260: {  	s1 =	ssub.s32 @!p0 $0x0, s1;
	[sflag:s0] =	ssyncset.done @!p0 $0x0  }
0x261: {  	[sflag:s0] =	ssyncadd.s32 @!p0 s1  }
0x262: {  	[bflag:$0x3] =	sbarrier.arrive $0xFFFF  }
0x263: {  	_ =	shalt  }

</sc_bundles>
